<compile_context>
chip_gen: v7x
topology: tpu7x:2x2x1
jax: 0.10.2.dev20260603
libtpu: 0.0.44.dev20260713+nightly
codegen_flags: <defaults>
</compile_context>

<pallas_src>
import functools
import math

import jax
import jax.numpy as jnp
from jax import lax
from jax.experimental import pallas as pl
from jax.experimental.pallas import tpu as pltpu
from jax.experimental.pallas import tpu_sc as plsc

NODE_DIM = 128
TIME_DIM = 128
MODEL_DIM = NODE_DIM + TIME_DIM
N_HEAD = 4
HEAD_DIM = MODEL_DIM // N_HEAD
NNB = 20
_NW = 32


def _sc_gather(idx, tables):
    B = idx.shape[0]
    bpw = B // _NW
    C = min(bpw, 128)
    nch = bpw // C
    idx3 = idx.reshape(_NW, nch, C)
    nt = len(tables)
    mesh = plsc.VectorSubcoreMesh(core_axis_name="c", subcore_axis_name="s")
    out_type = tuple(
        jax.ShapeDtypeStruct((B, t.shape[1]), t.dtype) for t in tables
    )
    scratch = [pltpu.VMEM((nch, C), jnp.int32)]
    scratch += [pltpu.VMEM((2, C, t.shape[1]), t.dtype) for t in tables]
    scratch.append(pltpu.SemaphoreType.DMA)
    scratch.append(pltpu.SemaphoreType.DMA)

    def body(*refs):
        tabs = refs[:nt]
        idx_ref = refs[nt]
        outs = refs[nt + 1:2 * nt + 1]
        idx_v = refs[2 * nt + 1]
        rows = refs[2 * nt + 2:2 * nt + 2 + nt]
        sems = refs[-2:]
        wid = lax.axis_index("s") * 2 + lax.axis_index("c")
        pltpu.sync_copy(idx_ref.at[wid], idx_v)

        def start(i, b):
            for t in range(nt):
                pltpu.make_async_copy(
                    tabs[t].at[idx_v.at[i]], rows[t].at[b], sems[b]).start()

        def drain(b):
            for t in range(nt):
                pltpu.make_async_copy(
                    tabs[t].at[idx_v.at[0]], rows[t].at[b], sems[b]).wait()

        def wout(i, b):
            row0 = pl.multiple_of((wid * nch + i) * C, C)
            for t in range(nt):
                pltpu.sync_copy(rows[t].at[b], outs[t].at[pl.ds(row0, C)])

        start(0, 0)

        def pair(j, carry):
            i0 = j * 2
            drain(0)
            start(i0 + 1, 1)
            wout(i0, 0)
            drain(1)

            @pl.when(i0 + 2 < nch)
            def _():
                start(i0 + 2, 0)

            wout(i0 + 1, 1)
            return carry

        lax.fori_loop(0, nch // 2, pair, 0)
        if nch % 2 == 1:
            drain(0)
            wout(nch - 1, 0)

    fn = pl.kernel(body, out_type=out_type, mesh=mesh, scratch_types=scratch)
    res = fn(*tables, idx3)
    return list(res)


def _attn_body(freq_r, eq_r, eng_r, dl_r, pen_r, wq_r, wk_r, wv_r,
               wo_r, bq_r, bk_r, bv_r, bo_r, mw1_r, mb1_r, mw2_r, mb2_r,
               out_r, *, QB):
    f32 = jnp.float32
    eq = eq_r[...]
    eng = eng_r[...]
    wq = wq_r[...]
    wk = wk_r[...]
    wv = wv_r[...]
    freq = freq_r[...]
    bf = jnp.float32
    engb = eng.astype(bf)
    cq = jnp.sum(wq[NODE_DIM:, :], axis=0, keepdims=True) + bq_r[...]
    q = jnp.dot(eq.astype(bf), wq[:NODE_DIM, :].astype(bf),
                preferred_element_type=f32) + cq
    fs = freq * (1.0 / (2.0 * math.pi))
    dbc = jnp.broadcast_to(dl_r[...], (QB * NNB, TIME_DIM))
    u = dbc * fs
    rr = u - jnp.floor(u + 0.5)
    w = rr * rr
    cosv = (((((-21.28321865 * w + 58.91265947) * w - 85.29598974) * w
              + 64.9306147) * w - 19.7390344) * w + 0.99999944)
    C = cosv.astype(bf)
    k = (jnp.dot(engb, wk[:NODE_DIM, :].astype(bf),
                 preferred_element_type=f32)
         + jnp.dot(C, wk[NODE_DIM:, :].astype(bf),
                   preferred_element_type=f32)
         + bk_r[...])
    v = (jnp.dot(engb, wv[:NODE_DIM, :].astype(bf),
                 preferred_element_type=f32)
         + jnp.dot(C, wv[NODE_DIM:, :].astype(bf),
                   preferred_element_type=f32)
         + bv_r[...])
    qb = jnp.broadcast_to(
        q[:, None, :], (QB, NNB, MODEL_DIM)).reshape(QB * NNB, MODEL_DIM)
    di = lax.broadcasted_iota(jnp.int32, (MODEL_DIM, N_HEAD), 0)
    hi = lax.broadcasted_iota(jnp.int32, (MODEL_DIM, N_HEAD), 1)
    R = (di // HEAD_DIM == hi).astype(bf)
    S2 = (jnp.dot((qb * k).astype(bf), R, preferred_element_type=f32)
          * (1.0 / 8.0) + pen_r[...])
    S = S2.reshape(QB, NNB, N_HEAD)
    m = jnp.max(S, axis=1, keepdims=True)
    Ex = jnp.exp(S - m)
    A = Ex / jnp.sum(Ex, axis=1, keepdims=True)
    Rt = (lax.broadcasted_iota(jnp.int32, (N_HEAD, MODEL_DIM), 1) // HEAD_DIM
          == lax.broadcasted_iota(jnp.int32, (N_HEAD, MODEL_DIM), 0)
          ).astype(bf)
    A4 = jnp.dot(A.reshape(QB * NNB, N_HEAD).astype(bf), Rt,
                 preferred_element_type=f32)
    o = jnp.sum((A4 * v).reshape(QB, NNB, MODEL_DIM), axis=1)
    o = (jnp.dot(o.astype(bf), wo_r[...].astype(bf),
                 preferred_element_type=f32) + bo_r[...])
    mw1 = mw1_r[...]
    g = (jnp.dot(o.astype(bf), mw1[:MODEL_DIM, :].astype(bf),
                 preferred_element_type=f32)
         + jnp.dot(eq.astype(bf), mw1[MODEL_DIM:, :].astype(bf),
                   preferred_element_type=f32)
         + mb1_r[...])
    g = jnp.maximum(g, 0.0)
    out_r[...] = (jnp.dot(g.astype(bf), mw2_r[...].astype(bf),
                          preferred_element_type=f32) + mb2_r[...])


def _attn_stage(freq, Eq, Eng, dl, pen, wq, wk, wv, wo, bq, bk, bv, bo,
                mw1, mb1, mw2, mb2, QB=256):
    Q = Eq.shape[0]
    grid = (Q // QB,)
    blk = lambda i: (i, 0)
    fix = lambda i: (0, 0)
    in_specs = [
        pl.BlockSpec((1, TIME_DIM), fix),
        pl.BlockSpec((QB, NODE_DIM), blk),
        pl.BlockSpec((QB * NNB, NODE_DIM), blk),
        pl.BlockSpec((QB * NNB, 1), blk),
        pl.BlockSpec((QB * NNB, 1), blk),
        pl.BlockSpec((MODEL_DIM, MODEL_DIM), fix),
        pl.BlockSpec((MODEL_DIM, MODEL_DIM), fix),
        pl.BlockSpec((MODEL_DIM, MODEL_DIM), fix),
        pl.BlockSpec((MODEL_DIM, MODEL_DIM), fix),
        pl.BlockSpec((1, MODEL_DIM), fix),
        pl.BlockSpec((1, MODEL_DIM), fix),
        pl.BlockSpec((1, MODEL_DIM), fix),
        pl.BlockSpec((1, MODEL_DIM), fix),
        pl.BlockSpec((MODEL_DIM + NODE_DIM, NODE_DIM), fix),
        pl.BlockSpec((1, NODE_DIM), fix),
        pl.BlockSpec((NODE_DIM, NODE_DIM), fix),
        pl.BlockSpec((1, NODE_DIM), fix),
    ]
    return pl.pallas_call(
        functools.partial(_attn_body, QB=QB),
        grid=grid,
        in_specs=in_specs,
        out_specs=pl.BlockSpec((QB, NODE_DIM), blk),
        out_shape=jax.ShapeDtypeStruct((Q, NODE_DIM), jnp.float32),
    )(freq, Eq, Eng, dl, pen, wq, wk, wv, wo, bq, bk, bv, bo,
      mw1, mb1, mw2, mb2)


def _final_body(s_r, t_r, aw1_r, ab1_r, aw2_r, ab2_r, out_r):
    f32 = jnp.float32
    aw1 = aw1_r[...]
    h = (jnp.dot(s_r[...], aw1[:NODE_DIM, :], preferred_element_type=f32)
         + jnp.dot(t_r[...], aw1[NODE_DIM:, :], preferred_element_type=f32)
         + ab1_r[...])
    h = jnp.maximum(h, 0.0)
    out_r[...] = jnp.sum(h * aw2_r[...], axis=1, keepdims=True) + ab2_r[...]


def _final_stage(src, tgt, aw1, ab1, aw2t, ab2):
    B = src.shape[0]
    return pl.pallas_call(
        _final_body,
        out_shape=jax.ShapeDtypeStruct((B, 1), jnp.float32),
    )(src, tgt, aw1, ab1, aw2t, ab2)


def kernel(src_idx_l, target_idx_l, cut_time_l, adj_nodes, adj_times, emb,
           Wq, Wk, Wv, Wo, bq, bk, bv, bo, mW1, mb1, mW2, mb2,
           aW1, ab1, aW2, ab2):
    idx = jnp.concatenate([src_idx_l, target_idx_l]).astype(jnp.int32)
    cut = jnp.concatenate([cut_time_l, cut_time_l])
    B = idx.shape[0]
    adj_i = adj_nodes.astype(jnp.int32)

    zpad = jnp.zeros((adj_i.shape[0], 128 - 2 * NNB), jnp.int32)
    packed = jnp.concatenate(
        [adj_i, lax.bitcast_convert_type(adj_times, jnp.int32), zpad], axis=1)

    P1, E0 = _sc_gather(idx, [packed, emb])
    A1 = P1[:, :NNB]
    T1 = lax.bitcast_convert_type(P1[:, NNB:2 * NNB], jnp.float32)
    n1 = A1.reshape(-1)
    P2, E1 = _sc_gather(n1, [packed, emb])
    A2 = P2[:, :NNB]
    T2 = lax.bitcast_convert_type(P2[:, NNB:2 * NNB], jnp.float32)
    n2 = A2.reshape(-1)
    nh = n2.shape[0] // 2
    (E2a,) = _sc_gather(n2[:nh], [emb])
    (E2b,) = _sc_gather(n2[nh:], [emb])

    r2 = lambda x: x.reshape(1, -1)
    freq = (1.0 / (10.0 ** jnp.linspace(0.0, 9.0, TIME_DIM))).reshape(1, -1)
    col = lambda x: x.reshape(-1, 1)
    dl1 = col(cut[:, None] - T1)
    dl2 = col(T1.reshape(-1)[:, None] - T2)
    pen1 = col(jnp.where(A1 == 0, -1e10, 0.0).astype(jnp.float32))
    pen2 = col(jnp.where(A2 == 0, -1e10, 0.0).astype(jnp.float32))
    h_top = _attn_stage(freq, E0, E1, dl1, pen1,
                        Wq[0], Wk[0], Wv[0], Wo[0],
                        r2(bq[0]), r2(bk[0]), r2(bv[0]), r2(bo[0]),
                        mW1[0], r2(mb1[0]), mW2[0], r2(mb2[0]))
    qh = E1.shape[0] // 2
    dh = qh * NNB
    l0args = (Wq[0], Wk[0], Wv[0], Wo[0],
              r2(bq[0]), r2(bk[0]), r2(bv[0]), r2(bo[0]),
              mW1[0], r2(mb1[0]), mW2[0], r2(mb2[0]))
    h_ngh_a = _attn_stage(freq, E1[:qh], E2a, dl2[:dh], pen2[:dh], *l0args)
    h_ngh_b = _attn_stage(freq, E1[qh:], E2b, dl2[dh:], pen2[dh:], *l0args)
    h_ngh = jnp.concatenate([h_ngh_a, h_ngh_b], axis=0)
    h_out = _attn_stage(freq, h_top, h_ngh, dl1, pen1,
                        Wq[1], Wk[1], Wv[1], Wo[1],
                        r2(bq[1]), r2(bk[1]), r2(bv[1]), r2(bo[1]),
                        mW1[1], r2(mb1[1]), mW2[1], r2(mb2[1]))
    half = B // 2
    score = _final_stage(h_out[:half], h_out[half:],
                         aW1, r2(ab1), aW2.reshape(1, -1), ab2.reshape(1, 1))
    return score[:, 0]

# --- scband reference (transcript-rebuilt; emitter-appended) ---
"""Pipeline reference for scband-tgrec-27831388078447 (READ-ONLY COPY).

The authoritative reference and input builder live on the scoring server;
editing this copy changes nothing except your own understanding.
"""

import jax, jax.numpy as jnp
import numpy as np

NODE_DIM = 128
TIME_DIM = 128
MODEL_DIM = NODE_DIM + TIME_DIM
N_HEAD = 4
NUM_LAYERS = 2
NUM_NEIGHBORS = 20
N_NODES = 50000
BATCH = 512


def time_encode(t):
    # TGAT TimeEncode: cos(t * basis_freq), basis_freq = 1/10^linspace(0,9,d)
    freq = 1.0 / (10.0 ** jnp.linspace(0.0, 9.0, TIME_DIM))
    return jnp.cos(t[..., None] * freq)


def setup_inputs(seed: int = 0) -> dict:
    key = jax.random.key(seed)
    ks = [jax.random.fold_in(key, i) for i in range(32)]
    inp = {}
    inp['src_idx_l'] = jax.random.randint(ks[0], (BATCH,), 0, N_NODES)
    inp['target_idx_l'] = jax.random.randint(ks[1], (BATCH,), 0, N_NODES)
    inp['cut_time_l'] = jax.random.uniform(ks[2], (BATCH,), dtype=jnp.float32) * 10000.0
    # static temporal-neighbor tables standing in for ngh_finder.get_temporal_neighbor
    inp['adj_nodes'] = jax.random.randint(ks[3], (N_NODES, NUM_NEIGHBORS), 0, N_NODES)
    inp['adj_times'] = jax.random.uniform(ks[4], (N_NODES, NUM_NEIGHBORS), dtype=jnp.float32) * 10000.0
    # learned params
    inp['emb'] = jax.random.uniform(ks[5], (N_NODES, NODE_DIM), dtype=jnp.float32, minval=-1.0, maxval=1.0)
    inp['Wq'] = jax.random.normal(ks[6], (NUM_LAYERS, MODEL_DIM, MODEL_DIM), dtype=jnp.float32) * 0.05
    inp['Wk'] = jax.random.normal(ks[7], (NUM_LAYERS, MODEL_DIM, MODEL_DIM), dtype=jnp.float32) * 0.05
    inp['Wv'] = jax.random.normal(ks[8], (NUM_LAYERS, MODEL_DIM, MODEL_DIM), dtype=jnp.float32) * 0.05
    inp['Wo'] = jax.random.normal(ks[9], (NUM_LAYERS, MODEL_DIM, MODEL_DIM), dtype=jnp.float32) * 0.05
    inp['bq'] = jnp.zeros((NUM_LAYERS, MODEL_DIM), dtype=jnp.float32)
    inp['bk'] = jnp.zeros((NUM_LAYERS, MODEL_DIM), dtype=jnp.float32)
    inp['bv'] = jnp.zeros((NUM_LAYERS, MODEL_DIM), dtype=jnp.float32)
    inp['bo'] = jnp.zeros((NUM_LAYERS, MODEL_DIM), dtype=jnp.float32)
    inp['mW1'] = jax.random.normal(ks[10], (NUM_LAYERS, MODEL_DIM + NODE_DIM, NODE_DIM), dtype=jnp.float32) * 0.05
    inp['mb1'] = jnp.zeros((NUM_LAYERS, NODE_DIM), dtype=jnp.float32)
    inp['mW2'] = jax.random.normal(ks[11], (NUM_LAYERS, NODE_DIM, NODE_DIM), dtype=jnp.float32) * 0.05
    inp['mb2'] = jnp.zeros((NUM_LAYERS, NODE_DIM), dtype=jnp.float32)
    inp['aW1'] = jax.random.normal(ks[12], (2 * NODE_DIM, NODE_DIM), dtype=jnp.float32) * 0.05
    inp['ab1'] = jnp.zeros((NODE_DIM,), dtype=jnp.float32)
    inp['aW2'] = jax.random.normal(ks[13], (NODE_DIM, 1), dtype=jnp.float32) * 0.05
    inp['ab2'] = jnp.zeros((1,), dtype=jnp.float32)
    return inp


def reference(src_idx_l, target_idx_l, cut_time_l, adj_nodes, adj_times, emb,
              Wq, Wk, Wv, Wo, bq, bk, bv, bo, mW1, mb1, mW2, mb2, aW1, ab1, aW2, ab2):
    D = MODEL_DIM // N_HEAD
    scale = float(np.sqrt(D))

    def attn_layer(src_conv, src_t_emb, ngh_conv, ngh_t_emb, mask, l):
        q_in = jnp.concatenate([src_conv[:, None, :], src_t_emb], axis=2)
        k_in = jnp.concatenate([ngh_conv, ngh_t_emb], axis=2)
        q = q_in @ Wq[l] + bq[l]
        k = k_in @ Wk[l] + bk[l]
        v = k_in @ Wv[l] + bv[l]
        Kb = q.shape[0]
        N = k.shape[1]
        qh = q.reshape(Kb, 1, N_HEAD, D).transpose(0, 2, 1, 3)
        kh = k.reshape(Kb, N, N_HEAD, D).transpose(0, 2, 1, 3)
        vh = v.reshape(Kb, N, N_HEAD, D).transpose(0, 2, 1, 3)
        scores = jnp.einsum('bhqd,bhkd->bhqk', qh, kh) / scale
        scores = jnp.where(mask[:, None, None, :], -1e10, scores)
        attn = jax.nn.softmax(scores, axis=-1)
        out = jnp.einsum('bhqk,bhkd->bhqd', attn, vh).transpose(0, 2, 1, 3).reshape(Kb, MODEL_DIM)
        out = out @ Wo[l] + bo[l]
        h = jax.nn.relu(jnp.concatenate([out, src_conv], axis=-1) @ mW1[l] + mb1[l])
        return h @ mW2[l] + mb2[l]

    def tem_conv(idx, cut_t, layers):
        src_feat = jnp.take(emb, idx, axis=0)
        if layers == 0:
            return src_feat
        src_conv = tem_conv(idx, cut_t, layers - 1)
        ngh = jnp.take(adj_nodes, idx, axis=0)
        ngh_t = jnp.take(adj_times, idx, axis=0)
        delta = cut_t[:, None] - ngh_t
        ngh_conv = tem_conv(ngh.reshape(-1), ngh_t.reshape(-1), layers - 1)
        ngh_conv = ngh_conv.reshape(idx.shape[0], NUM_NEIGHBORS, NODE_DIM)
        src_t_emb = time_encode(jnp.zeros((idx.shape[0], 1), dtype=jnp.float32))
        ngh_t_emb = time_encode(delta)
        mask = ngh == 0
        return attn_layer(src_conv, src_t_emb, ngh_conv, ngh_t_emb, mask, layers - 1)

    src_embed = tem_conv(src_idx_l, cut_time_l, NUM_LAYERS)
    tgt_embed = tem_conv(target_idx_l, cut_time_l, NUM_LAYERS)
    h = jax.nn.relu(jnp.concatenate([src_embed, tgt_embed], axis=-1) @ aW1 + ab1)
    score = (h @ aW2 + ab2)[:, 0]
    return score

if __name__ == "__main__":
    import jax
    _d = setup_inputs()
    print(jax.jit(kernel)(*tuple(_d.values())))

</pallas_src>

<mosaic_0001>
#map = affine_map<(d0, d1) -> (0, 0)>
#map1 = affine_map<(d0, d1) -> (0, 0, 0)>
module attributes {stable_mosaic.version = 14 : i64} {
  func.func @body(%arg0: i32, %arg1: i32, %arg2: memref<50000x128xf32, #tpu.memory_space<hbm>>, %arg3: memref<32x50x128xi32, #tpu.memory_space<hbm>>, %arg4: memref<204800x128xf32, #tpu.memory_space<hbm>>, %arg5: memref<50x128xi32, #tpu.memory_space<vmem>>, %arg6: memref<2x128x128xf32, #tpu.memory_space<vmem>>, %arg7: memref<!tpu.dma_semaphore, #tpu.memory_space<semaphore_mem>>, %arg8: memref<!tpu.dma_semaphore, #tpu.memory_space<semaphore_mem>>) attributes {dimension_semantics = [#tpu.dimension_semantics<core_parallel>, #tpu.dimension_semantics<subcore_parallel>], iteration_bounds = array<i64: 2, 16>, scalar_prefetch = 0 : i64, scratch_operands = 4 : i64, tpu.core_type = #tpu.core_type<sc_vector_subcore>, window_params = [{transform_indices = #map}, {transform_indices = #map1}, {transform_indices = #map}]} {
    %mul3A = arith.constant 2 : i32
    %mul3A_0 = arith.muli %arg1, %mul3A : i32
    %add3A = arith.addi %mul3A_0, %arg0 : i32
    "tpu.region"() ({
      %run_scoped3A = tpu.sem_alloc : memref<!tpu.dma_semaphore, #tpu.memory_space<semaphore_mem>>
      %dma_start3A_17 = arith.constant 0 : i32
      %dma_start3A_18 = arith.constant 0 : i32
      %dma_start3A_19 = tpu.memref_slice %arg3[%add3A, %dma_start3A_17, %dma_start3A_18] : memref<32x50x128xi32, #tpu.memory_space<hbm>> -> memref<1x50x128xi32, #tpu.memory_space<hbm>>
      %dma_start3A_20 = tpu.memref_squeeze %dma_start3A_19 : memref<1x50x128xi32, #tpu.memory_space<hbm>> -> memref<50x128xi32, #tpu.memory_space<hbm>>
      %dma_start3A_21 = arith.constant 0 : i32
      %dma_start3A_22 = arith.constant 0 : i32
      %dma_start3A_23 = tpu.memref_slice %arg3[%add3A, %dma_start3A_21, %dma_start3A_22] : memref<32x50x128xi32, #tpu.memory_space<hbm>> -> memref<1x50x128xi32, #tpu.memory_space<hbm>>
      %dma_start3A_24 = tpu.memref_squeeze %dma_start3A_23 : memref<1x50x128xi32, #tpu.memory_space<hbm>> -> memref<50x128xi32, #tpu.memory_space<hbm>>
      tpu.enqueue_dma source(%dma_start3A_24 : memref<50x128xi32, #tpu.memory_space<hbm>>) target(%arg5 : memref<50x128xi32, #tpu.memory_space<vmem>>) target_semaphore(%run_scoped3A : memref<!tpu.dma_semaphore, #tpu.memory_space<semaphore_mem>>)
      %dma_wait3A = arith.constant 0 : i32
      %dma_wait3A_25 = arith.constant 0 : i32
      %dma_wait3A_26 = tpu.memref_slice %arg3[%add3A, %dma_wait3A, %dma_wait3A_25] : memref<32x50x128xi32, #tpu.memory_space<hbm>> -> memref<1x50x128xi32, #tpu.memory_space<hbm>>
      %dma_wait3A_27 = tpu.memref_squeeze %dma_wait3A_26 : memref<1x50x128xi32, #tpu.memory_space<hbm>> -> memref<50x128xi32, #tpu.memory_space<hbm>>
      %dma_wait3A_28 = arith.constant 0 : i32
      %dma_wait3A_29 = arith.constant 0 : i32
      %dma_wait3A_30 = tpu.memref_slice %arg3[%add3A, %dma_wait3A_28, %dma_wait3A_29] : memref<32x50x128xi32, #tpu.memory_space<hbm>> -> memref<1x50x128xi32, #tpu.memory_space<hbm>>
      %dma_wait3A_31 = tpu.memref_squeeze %dma_wait3A_30 : memref<1x50x128xi32, #tpu.memory_space<hbm>> -> memref<50x128xi32, #tpu.memory_space<hbm>>
      tpu.wait_dma2 semaphore(%run_scoped3A : memref<!tpu.dma_semaphore, #tpu.memory_space<semaphore_mem>>) src(%dma_wait3A_31 : memref<50x128xi32, #tpu.memory_space<hbm>>) dst(%arg5 : memref<50x128xi32, #tpu.memory_space<vmem>>)
      tpu.yield
    }) : () -> ()
    %dma_start3A = arith.constant 0 : i32
    %dma_start3A_1 = arith.constant 0 : i32
    %dma_start3A_2 = arith.constant 0 : i32
    %dma_start3A_3 = arith.constant 0 : i32
    %dma_start3A_4 = tpu.memref_slice %arg6[%dma_start3A_1, %dma_start3A_2, %dma_start3A_3] : memref<2x128x128xf32, #tpu.memory_space<vmem>> -> memref<1x128x128xf32, #tpu.memory_space<vmem>>
    %dma_start3A_5 = tpu.memref_squeeze %dma_start3A_4 : memref<1x128x128xf32, #tpu.memory_space<vmem>> -> memref<128x128xf32, #tpu.memory_space<vmem>>
    %dma_start3A_6 = arith.constant 0 : i32
    %dma_start3A_7 = tpu.memref_slice %arg5[%dma_start3A, %dma_start3A_6] : memref<50x128xi32, #tpu.memory_space<vmem>> -> memref<1x128xi32, #tpu.memory_space<vmem>>
    %dma_start3A_8 = tpu.memref_squeeze %dma_start3A_7 : memref<1x128xi32, #tpu.memory_space<vmem>> -> memref<128xi32, #tpu.memory_space<vmem>>
    %dma_start3A_9 = arith.constant 0 : i32
    %dma_start3A_10 = arith.constant 0 : i32
    %dma_start3A_11 = tpu.memref_slice %arg2[%dma_start3A_9, %dma_start3A_10] : memref<50000x128xf32, #tpu.memory_space<hbm>> -> memref<50000x128xf32, #tpu.memory_space<hbm>>
    tpu.enqueue_indirect_dma source(%dma_start3A_11 : memref<50000x128xf32, #tpu.memory_space<hbm>>) target(%dma_start3A_5 : memref<128x128xf32, #tpu.memory_space<vmem>>) offsets(%dma_start3A_8 : memref<128xi32, #tpu.memory_space<vmem>>) semaphore(%arg7 : memref<!tpu.dma_semaphore, #tpu.memory_space<semaphore_mem>>)
    %scan3A = arith.constant 0 : i32
    %scan3A_12 = arith.constant 0 : i32
    %scan3A_13 = arith.constant 25 : i32
    %scan3A_14 = arith.addi %scan3A_12, %scan3A_13 : i32
    %scan3A_15 = arith.constant 1 : i32
    scf.for %scan3A_17 = %scan3A_12 to %scan3A_14 step %scan3A_15  : i32 {
      %mul3A_18 = arith.constant 2 : i32
      %mul3A_19 = arith.muli %scan3A_17, %mul3A_18 : i32
      %dma_wait3A = arith.constant 0 : i32
      %dma_wait3A_20 = arith.constant 0 : i32
      %dma_wait3A_21 = arith.constant 0 : i32
      %dma_wait3A_22 = arith.constant 0 : i32
      %dma_wait3A_23 = tpu.memref_slice %arg6[%dma_wait3A_20, %dma_wait3A_21, %dma_wait3A_22] : memref<2x128x128xf32, #tpu.memory_space<vmem>> -> memref<1x128x128xf32, #tpu.memory_space<vmem>>
      %dma_wait3A_24 = tpu.memref_squeeze %dma_wait3A_23 : memref<1x128x128xf32, #tpu.memory_space<vmem>> -> memref<128x128xf32, #tpu.memory_space<vmem>>
      %dma_wait3A_25 = arith.constant 0 : i32
      %dma_wait3A_26 = tpu.memref_slice %arg5[%dma_wait3A, %dma_wait3A_25] : memref<50x128xi32, #tpu.memory_space<vmem>> -> memref<1x128xi32, #tpu.memory_space<vmem>>
      %dma_wait3A_27 = tpu.memref_squeeze %dma_wait3A_26 : memref<1x128xi32, #tpu.memory_space<vmem>> -> memref<128xi32, #tpu.memory_space<vmem>>
      %dma_wait3A_28 = arith.constant 0 : i32
      %dma_wait3A_29 = arith.constant 0 : i32
      %dma_wait3A_30 = tpu.memref_slice %arg2[%dma_wait3A_28, %dma_wait3A_29] : memref<50000x128xf32, #tpu.memory_space<hbm>> -> memref<50000x128xf32, #tpu.memory_space<hbm>>
      tpu.wait_indirect_dma semaphore(%arg7 : memref<!tpu.dma_semaphore, #tpu.memory_space<semaphore_mem>>) src(%dma_wait3A_30 : memref<50000x128xf32, #tpu.memory_space<hbm>>) dst(%dma_wait3A_24 : memref<128x128xf32, #tpu.memory_space<vmem>>)
      %add3A_31 = arith.constant 1 : i32
      %add3A_32 = arith.addi %mul3A_19, %add3A_31 : i32
      %dma_start3A_33 = arith.constant 1 : i32
      %dma_start3A_34 = arith.constant 0 : i32
      %dma_start3A_35 = arith.constant 0 : i32
      %dma_start3A_36 = tpu.memref_slice %arg6[%dma_start3A_33, %dma_start3A_34, %dma_start3A_35] : memref<2x128x128xf32, #tpu.memory_space<vmem>> -> memref<1x128x128xf32, #tpu.memory_space<vmem>>
      %dma_start3A_37 = tpu.memref_squeeze %dma_start3A_36 : memref<1x128x128xf32, #tpu.memory_space<vmem>> -> memref<128x128xf32, #tpu.memory_space<vmem>>
      %dma_start3A_38 = arith.constant 0 : i32
      %dma_start3A_39 = tpu.memref_slice %arg5[%add3A_32, %dma_start3A_38] : memref<50x128xi32, #tpu.memory_space<vmem>> -> memref<1x128xi32, #tpu.memory_space<vmem>>
      %dma_start3A_40 = tpu.memref_squeeze %dma_start3A_39 : memref<1x128xi32, #tpu.memory_space<vmem>> -> memref<128xi32, #tpu.memory_space<vmem>>
      %dma_start3A_41 = arith.constant 0 : i32
      %dma_start3A_42 = arith.constant 0 : i32
      %dma_start3A_43 = tpu.memref_slice %arg2[%dma_start3A_41, %dma_start3A_42] : memref<50000x128xf32, #tpu.memory_space<hbm>> -> memref<50000x128xf32, #tpu.memory_space<hbm>>
      tpu.enqueue_indirect_dma source(%dma_start3A_43 : memref<50000x128xf32, #tpu.memory_space<hbm>>) target(%dma_start3A_37 : memref<128x128xf32, #tpu.memory_space<vmem>>) offsets(%dma_start3A_40 : memref<128xi32, #tpu.memory_space<vmem>>) semaphore(%arg8 : memref<!tpu.dma_semaphore, #tpu.memory_space<semaphore_mem>>)
      %mul3A_44 = arith.constant 50 : i32
      %mul3A_45 = arith.muli %add3A, %mul3A_44 : i32
      %add3A_46 = arith.addi %mul3A_45, %mul3A_19 : i32
      %mul3A_47 = arith.constant 128 : i32
      %mul3A_48 = arith.muli %add3A_46, %mul3A_47 : i32
      %multiple_of3A = tpu.assume_multiple %mul3A_48, 128 : i32
      %run_scoped3A = arith.constant 0 : i32
      "tpu.region"() ({
        %run_scoped3A_74 = tpu.sem_alloc : memref<!tpu.dma_semaphore, #tpu.memory_space<semaphore_mem>>
        %dma_start3A_75 = arith.constant 0 : i32
        %dma_start3A_76 = arith.constant 0 : i32
        %dma_start3A_77 = tpu.memref_slice %arg6[%run_scoped3A, %dma_start3A_75, %dma_start3A_76] : memref<2x128x128xf32, #tpu.memory_space<vmem>> -> memref<1x128x128xf32, #tpu.memory_space<vmem>>
        %dma_start3A_78 = tpu.memref_squeeze %dma_start3A_77 : memref<1x128x128xf32, #tpu.memory_space<vmem>> -> memref<128x128xf32, #tpu.memory_space<vmem>>
        %dma_start3A_79 = arith.constant 0 : i32
        %dma_start3A_80 = tpu.memref_slice %arg4[%multiple_of3A, %dma_start3A_79] : memref<204800x128xf32, #tpu.memory_space<hbm>> -> memref<128x128xf32, #tpu.memory_space<hbm>>
        %dma_start3A_81 = arith.constant 0 : i32
        %dma_start3A_82 = tpu.memref_slice %arg4[%multiple_of3A, %dma_start3A_81] : memref<204800x128xf32, #tpu.memory_space<hbm>> -> memref<128x128xf32, #tpu.memory_space<hbm>>
        %dma_start3A_83 = arith.constant 0 : i32
        %dma_start3A_84 = arith.constant 0 : i32
        %dma_start3A_85 = tpu.memref_slice %arg6[%run_scoped3A, %dma_start3A_83, %dma_start3A_84] : memref<2x128x128xf32, #tpu.memory_space<vmem>> -> memref<1x128x128xf32, #tpu.memory_space<vmem>>
        %dma_start3A_86 = tpu.memref_squeeze %dma_start3A_85 : memref<1x128x128xf32, #tpu.memory_space<vmem>> -> memref<128x128xf32, #tpu.memory_space<vmem>>
        tpu.enqueue_dma source(%dma_start3A_86 : memref<128x128xf32, #tpu.memory_space<vmem>>) target(%dma_start3A_82 : memref<128x128xf32, #tpu.memory_space<hbm>>) target_semaphore(%run_scoped3A_74 : memref<!tpu.dma_semaphore, #tpu.memory_space<semaphore_mem>>)
        %dma_wait3A_87 = arith.constant 0 : i32
        %dma_wait3A_88 = arith.constant 0 : i32
        %dma_wait3A_89 = tpu.memref_slice %arg6[%run_scoped3A, %dma_wait3A_87, %dma_wait3A_88] : memref<2x128x128xf32, #tpu.memory_space<vmem>> -> memref<1x128x128xf32, #tpu.memory_space<vmem>>
        %dma_wait3A_90 = tpu.memref_squeeze %dma_wait3A_89 : memref<1x128x128xf32, #tpu.memory_space<vmem>> -> memref<128x128xf32, #tpu.memory_space<vmem>>
        %dma_wait3A_91 = arith.constant 0 : i32
        %dma_wait3A_92 = tpu.memref_slice %arg4[%multiple_of3A, %dma_wait3A_91] : memref<204800x128xf32, #tpu.memory_space<hbm>> -> memref<128x128xf32, #tpu.memory_space<hbm>>
        %dma_wait3A_93 = arith.constant 0 : i32
        %dma_wait3A_94 = tpu.memref_slice %arg4[%multiple_of3A, %dma_wait3A_93] : memref<204800x128xf32, #tpu.memory_space<hbm>> -> memref<128x128xf32, #tpu.memory_space<hbm>>
        %dma_wait3A_95 = arith.constant 0 : i32
        %dma_wait3A_96 = arith.constant 0 : i32
        %dma_wait3A_97 = tpu.memref_slice %arg6[%run_scoped3A, %dma_wait3A_95, %dma_wait3A_96] : memref<2x128x128xf32, #tpu.memory_space<vmem>> -> memref<1x128x128xf32, #tpu.memory_space<vmem>>
        %dma_wait3A_98 = tpu.memref_squeeze %dma_wait3A_97 : memref<1x128x128xf32, #tpu.memory_space<vmem>> -> memref<128x128xf32, #tpu.memory_space<vmem>>
        tpu.wait_dma2 semaphore(%run_scoped3A_74 : memref<!tpu.dma_semaphore, #tpu.memory_space<semaphore_mem>>) src(%dma_wait3A_98 : memref<128x128xf32, #tpu.memory_space<vmem>>) dst(%dma_wait3A_94 : memref<128x128xf32, #tpu.memory_space<hbm>>)
        tpu.yield
      }) : () -> ()
      %dma_wait3A_49 = arith.constant 0 : i32
      %dma_wait3A_50 = arith.constant 1 : i32
      %dma_wait3A_51 = arith.constant 0 : i32
      %dma_wait3A_52 = arith.constant 0 : i32
      %dma_wait3A_53 = tpu.memref_slice %arg6[%dma_wait3A_50, %dma_wait3A_51, %dma_wait3A_52] : memref<2x128x128xf32, #tpu.memory_space<vmem>> -> memref<1x128x128xf32, #tpu.memory_space<vmem>>
      %dma_wait3A_54 = tpu.memref_squeeze %dma_wait3A_53 : memref<1x128x128xf32, #tpu.memory_space<vmem>> -> memref<128x128xf32, #tpu.memory_space<vmem>>
      %dma_wait3A_55 = arith.constant 0 : i32
      %dma_wait3A_56 = tpu.memref_slice %arg5[%dma_wait3A_49, %dma_wait3A_55] : memref<50x128xi32, #tpu.memory_space<vmem>> -> memref<1x128xi32, #tpu.memory_space<vmem>>
      %dma_wait3A_57 = tpu.memref_squeeze %dma_wait3A_56 : memref<1x128xi32, #tpu.memory_space<vmem>> -> memref<128xi32, #tpu.memory_space<vmem>>
      %dma_wait3A_58 = arith.constant 0 : i32
      %dma_wait3A_59 = arith.constant 0 : i32
      %dma_wait3A_60 = tpu.memref_slice %arg2[%dma_wait3A_58, %dma_wait3A_59] : memref<50000x128xf32, #tpu.memory_space<hbm>> -> memref<50000x128xf32, #tpu.memory_space<hbm>>
      tpu.wait_indirect_dma semaphore(%arg8 : memref<!tpu.dma_semaphore, #tpu.memory_space<semaphore_mem>>) src(%dma_wait3A_60 : memref<50000x128xf32, #tpu.memory_space<hbm>>) dst(%dma_wait3A_54 : memref<128x128xf32, #tpu.memory_space<vmem>>)
      %add3A_61 = arith.constant 2 : i32
      %add3A_62 = arith.addi %mul3A_19, %add3A_61 : i32
      %lt3A = arith.constant 50 : i32
      %lt3A_63 = arith.cmpi slt, %add3A_62, %lt3A : i32
      %convert_element_type3A = arith.extui %lt3A_63 : i1 to i32
      %cond3A = arith.constant 0 : i32
      %cond3A_64 = arith.cmpi ne, %convert_element_type3A, %cond3A : i32
      scf.if %cond3A_64 {
        %add3A_74 = arith.constant 2 : i32
        %add3A_75 = arith.addi %mul3A_19, %add3A_74 : i32
        %dma_start3A_76 = arith.constant 0 : i32
        %dma_start3A_77 = arith.constant 0 : i32
        %dma_start3A_78 = arith.constant 0 : i32
        %dma_start3A_79 = tpu.memref_slice %arg6[%dma_start3A_76, %dma_start3A_77, %dma_start3A_78] : memref<2x128x128xf32, #tpu.memory_space<vmem>> -> memref<1x128x128xf32, #tpu.memory_space<vmem>>
        %dma_start3A_80 = tpu.memref_squeeze %dma_start3A_79 : memref<1x128x128xf32, #tpu.memory_space<vmem>> -> memref<128x128xf32, #tpu.memory_space<vmem>>
        %dma_start3A_81 = arith.constant 0 : i32
        %dma_start3A_82 = tpu.memref_slice %arg5[%add3A_75, %dma_start3A_81] : memref<50x128xi32, #tpu.memory_space<vmem>> -> memref<1x128xi32, #tpu.memory_space<vmem>>
        %dma_start3A_83 = tpu.memref_squeeze %dma_start3A_82 : memref<1x128xi32, #tpu.memory_space<vmem>> -> memref<128xi32, #tpu.memory_space<vmem>>
        %dma_start3A_84 = arith.constant 0 : i32
        %dma_start3A_85 = arith.constant 0 : i32
        %dma_start3A_86 = tpu.memref_slice %arg2[%dma_start3A_84, %dma_start3A_85] : memref<50000x128xf32, #tpu.memory_space<hbm>> -> memref<50000x128xf32, #tpu.memory_space<hbm>>
        tpu.enqueue_indirect_dma source(%dma_start3A_86 : memref<50000x128xf32, #tpu.memory_space<hbm>>) target(%dma_start3A_80 : memref<128x128xf32, #tpu.memory_space<vmem>>) offsets(%dma_start3A_83 : memref<128xi32, #tpu.memory_space<vmem>>) semaphore(%arg7 : memref<!tpu.dma_semaphore, #tpu.memory_space<semaphore_mem>>)
      } else {
      }
      %add3A_65 = arith.constant 1 : i32
      %add3A_66 = arith.addi %mul3A_19, %add3A_65 : i32
      %mul3A_67 = arith.constant 50 : i32
      %mul3A_68 = arith.muli %add3A, %mul3A_67 : i32
      %add3A_69 = arith.addi %mul3A_68, %add3A_66 : i32
      %mul3A_70 = arith.constant 128 : i32
      %mul3A_71 = arith.muli %add3A_69, %mul3A_70 : i32
      %multiple_of3A_72 = tpu.assume_multiple %mul3A_71, 128 : i32
      %run_scoped3A_73 = arith.constant 1 : i32
      "tpu.region"() ({
        %run_scoped3A_74 = tpu.sem_alloc : memref<!tpu.dma_semaphore, #tpu.memory_space<semaphore_mem>>
        %dma_start3A_75 = arith.constant 0 : i32
        %dma_start3A_76 = arith.constant 0 : i32
        %dma_start3A_77 = tpu.memref_slice %arg6[%run_scoped3A_73, %dma_start3A_75, %dma_start3A_76] : memref<2x128x128xf32, #tpu.memory_space<vmem>> -> memref<1x128x128xf32, #tpu.memory_space<vmem>>
        %dma_start3A_78 = tpu.memref_squeeze %dma_start3A_77 : memref<1x128x128xf32, #tpu.memory_space<vmem>> -> memref<128x128xf32, #tpu.memory_space<vmem>>
        %dma_start3A_79 = arith.constant 0 : i32
        %dma_start3A_80 = tpu.memref_slice %arg4[%multiple_of3A_72, %dma_start3A_79] : memref<204800x128xf32, #tpu.memory_space<hbm>> -> memref<128x128xf32, #tpu.memory_space<hbm>>
        %dma_start3A_81 = arith.constant 0 : i32
        %dma_start3A_82 = tpu.memref_slice %arg4[%multiple_of3A_72, %dma_start3A_81] : memref<204800x128xf32, #tpu.memory_space<hbm>> -> memref<128x128xf32, #tpu.memory_space<hbm>>
        %dma_start3A_83 = arith.constant 0 : i32
        %dma_start3A_84 = arith.constant 0 : i32
        %dma_start3A_85 = tpu.memref_slice %arg6[%run_scoped3A_73, %dma_start3A_83, %dma_start3A_84] : memref<2x128x128xf32, #tpu.memory_space<vmem>> -> memref<1x128x128xf32, #tpu.memory_space<vmem>>
        %dma_start3A_86 = tpu.memref_squeeze %dma_start3A_85 : memref<1x128x128xf32, #tpu.memory_space<vmem>> -> memref<128x128xf32, #tpu.memory_space<vmem>>
        tpu.enqueue_dma source(%dma_start3A_86 : memref<128x128xf32, #tpu.memory_space<vmem>>) target(%dma_start3A_82 : memref<128x128xf32, #tpu.memory_space<hbm>>) target_semaphore(%run_scoped3A_74 : memref<!tpu.dma_semaphore, #tpu.memory_space<semaphore_mem>>)
        %dma_wait3A_87 = arith.constant 0 : i32
        %dma_wait3A_88 = arith.constant 0 : i32
        %dma_wait3A_89 = tpu.memref_slice %arg6[%run_scoped3A_73, %dma_wait3A_87, %dma_wait3A_88] : memref<2x128x128xf32, #tpu.memory_space<vmem>> -> memref<1x128x128xf32, #tpu.memory_space<vmem>>
        %dma_wait3A_90 = tpu.memref_squeeze %dma_wait3A_89 : memref<1x128x128xf32, #tpu.memory_space<vmem>> -> memref<128x128xf32, #tpu.memory_space<vmem>>
        %dma_wait3A_91 = arith.constant 0 : i32
        %dma_wait3A_92 = tpu.memref_slice %arg4[%multiple_of3A_72, %dma_wait3A_91] : memref<204800x128xf32, #tpu.memory_space<hbm>> -> memref<128x128xf32, #tpu.memory_space<hbm>>
        %dma_wait3A_93 = arith.constant 0 : i32
        %dma_wait3A_94 = tpu.memref_slice %arg4[%multiple_of3A_72, %dma_wait3A_93] : memref<204800x128xf32, #tpu.memory_space<hbm>> -> memref<128x128xf32, #tpu.memory_space<hbm>>
        %dma_wait3A_95 = arith.constant 0 : i32
        %dma_wait3A_96 = arith.constant 0 : i32
        %dma_wait3A_97 = tpu.memref_slice %arg6[%run_scoped3A_73, %dma_wait3A_95, %dma_wait3A_96] : memref<2x128x128xf32, #tpu.memory_space<vmem>> -> memref<1x128x128xf32, #tpu.memory_space<vmem>>
        %dma_wait3A_98 = tpu.memref_squeeze %dma_wait3A_97 : memref<1x128x128xf32, #tpu.memory_space<vmem>> -> memref<128x128xf32, #tpu.memory_space<vmem>>
        tpu.wait_dma2 semaphore(%run_scoped3A_74 : memref<!tpu.dma_semaphore, #tpu.memory_space<semaphore_mem>>) src(%dma_wait3A_98 : memref<128x128xf32, #tpu.memory_space<vmem>>) dst(%dma_wait3A_94 : memref<128x128xf32, #tpu.memory_space<hbm>>)
        tpu.yield
      }) : () -> ()
    }
    %scan3A_16 = arith.constant 25 : i32
    return
  }
}

#map = affine_map<(d0, d1) -> (0, 0)>
#map1 = affine_map<(d0, d1) -> (0, 0, 0)>
module attributes {stable_mosaic.version = 14 : i64} {
  func.func @body(%arg0: i32, %arg1: i32, %arg2: memref<50000x128xi32, #tpu.memory_space<hbm>>, %arg3: memref<50000x128xf32, #tpu.memory_space<hbm>>, %arg4: memref<32x1x32xi32, #tpu.memory_space<hbm>>, %arg5: memref<1024x128xi32, #tpu.memory_space<hbm>>, %arg6: memref<1024x128xf32, #tpu.memory_space<hbm>>, %arg7: memref<1x32xi32, #tpu.memory_space<vmem>>, %arg8: memref<2x32x128xi32, #tpu.memory_space<vmem>>, %arg9: memref<2x32x128xf32, #tpu.memory_space<vmem>>, %arg10: memref<!tpu.dma_semaphore, #tpu.memory_space<semaphore_mem>>, %arg11: memref<!tpu.dma_semaphore, #tpu.memory_space<semaphore_mem>>) attributes {dimension_semantics = [#tpu.dimension_semantics<core_parallel>, #tpu.dimension_semantics<subcore_parallel>], iteration_bounds = array<i64: 2, 16>, scalar_prefetch = 0 : i64, scratch_operands = 5 : i64, tpu.core_type = #tpu.core_type<sc_vector_subcore>, window_params = [{transform_indices = #map}, {transform_indices = #map}, {transform_indices = #map1}, {transform_indices = #map}, {transform_indices = #map}]} {
    %mul3A = arith.constant 2 : i32
    %mul3A_0 = arith.muli %arg1, %mul3A : i32
    %add3A = arith.addi %mul3A_0, %arg0 : i32
    "tpu.region"() ({
      %run_scoped3A_58 = tpu.sem_alloc : memref<!tpu.dma_semaphore, #tpu.memory_space<semaphore_mem>>
      %dma_start3A_59 = arith.constant 0 : i32
      %dma_start3A_60 = arith.constant 0 : i32
      %dma_start3A_61 = tpu.memref_slice %arg4[%add3A, %dma_start3A_59, %dma_start3A_60] : memref<32x1x32xi32, #tpu.memory_space<hbm>> -> memref<1x1x32xi32, #tpu.memory_space<hbm>>
      %dma_start3A_62 = tpu.memref_squeeze %dma_start3A_61 : memref<1x1x32xi32, #tpu.memory_space<hbm>> -> memref<1x32xi32, #tpu.memory_space<hbm>>
      %dma_start3A_63 = arith.constant 0 : i32
      %dma_start3A_64 = arith.constant 0 : i32
      %dma_start3A_65 = tpu.memref_slice %arg4[%add3A, %dma_start3A_63, %dma_start3A_64] : memref<32x1x32xi32, #tpu.memory_space<hbm>> -> memref<1x1x32xi32, #tpu.memory_space<hbm>>
      %dma_start3A_66 = tpu.memref_squeeze %dma_start3A_65 : memref<1x1x32xi32, #tpu.memory_space<hbm>> -> memref<1x32xi32, #tpu.memory_space<hbm>>
      tpu.enqueue_dma source(%dma_start3A_66 : memref<1x32xi32, #tpu.memory_space<hbm>>) target(%arg7 : memref<1x32xi32, #tpu.memory_space<vmem>>) target_semaphore(%run_scoped3A_58 : memref<!tpu.dma_semaphore, #tpu.memory_space<semaphore_mem>>)
      %dma_wait3A_67 = arith.constant 0 : i32
      %dma_wait3A_68 = arith.constant 0 : i32
      %dma_wait3A_69 = tpu.memref_slice %arg4[%add3A, %dma_wait3A_67, %dma_wait3A_68] : memref<32x1x32xi32, #tpu.memory_space<hbm>> -> memref<1x1x32xi32, #tpu.memory_space<hbm>>
      %dma_wait3A_70 = tpu.memref_squeeze %dma_wait3A_69 : memref<1x1x32xi32, #tpu.memory_space<hbm>> -> memref<1x32xi32, #tpu.memory_space<hbm>>
      %dma_wait3A_71 = arith.constant 0 : i32
      %dma_wait3A_72 = arith.constant 0 : i32
      %dma_wait3A_73 = tpu.memref_slice %arg4[%add3A, %dma_wait3A_71, %dma_wait3A_72] : memref<32x1x32xi32, #tpu.memory_space<hbm>> -> memref<1x1x32xi32, #tpu.memory_space<hbm>>
      %dma_wait3A_74 = tpu.memref_squeeze %dma_wait3A_73 : memref<1x1x32xi32, #tpu.memory_space<hbm>> -> memref<1x32xi32, #tpu.memory_space<hbm>>
      tpu.wait_dma2 semaphore(%run_scoped3A_58 : memref<!tpu.dma_semaphore, #tpu.memory_space<semaphore_mem>>) src(%dma_wait3A_74 : memref<1x32xi32, #tpu.memory_space<hbm>>) dst(%arg7 : memref<1x32xi32, #tpu.memory_space<vmem>>)
      tpu.yield
    }) : () -> ()
    %dma_start3A = arith.constant 0 : i32
    %dma_start3A_1 = arith.constant 0 : i32
    %dma_start3A_2 = arith.constant 0 : i32
    %dma_start3A_3 = arith.constant 0 : i32
    %dma_start3A_4 = tpu.memref_slice %arg8[%dma_start3A_1, %dma_start3A_2, %dma_start3A_3] : memref<2x32x128xi32, #tpu.memory_space<vmem>> -> memref<1x32x128xi32, #tpu.memory_space<vmem>>
    %dma_start3A_5 = tpu.memref_squeeze %dma_start3A_4 : memref<1x32x128xi32, #tpu.memory_space<vmem>> -> memref<32x128xi32, #tpu.memory_space<vmem>>
    %dma_start3A_6 = arith.constant 0 : i32
    %dma_start3A_7 = tpu.memref_slice %arg7[%dma_start3A, %dma_start3A_6] : memref<1x32xi32, #tpu.memory_space<vmem>> -> memref<1x32xi32, #tpu.memory_space<vmem>>
    %dma_start3A_8 = tpu.memref_squeeze %dma_start3A_7 : memref<1x32xi32, #tpu.memory_space<vmem>> -> memref<32xi32, #tpu.memory_space<vmem>>
    %dma_start3A_9 = arith.constant 0 : i32
    %dma_start3A_10 = arith.constant 0 : i32
    %dma_start3A_11 = tpu.memref_slice %arg2[%dma_start3A_9, %dma_start3A_10] : memref<50000x128xi32, #tpu.memory_space<hbm>> -> memref<50000x128xi32, #tpu.memory_space<hbm>>
    tpu.enqueue_indirect_dma source(%dma_start3A_11 : memref<50000x128xi32, #tpu.memory_space<hbm>>) target(%dma_start3A_5 : memref<32x128xi32, #tpu.memory_space<vmem>>) offsets(%dma_start3A_8 : memref<32xi32, #tpu.memory_space<vmem>>) semaphore(%arg10 : memref<!tpu.dma_semaphore, #tpu.memory_space<semaphore_mem>>)
    %dma_start3A_12 = arith.constant 0 : i32
    %dma_start3A_13 = arith.constant 0 : i32
    %dma_start3A_14 = arith.constant 0 : i32
    %dma_start3A_15 = arith.constant 0 : i32
    %dma_start3A_16 = tpu.memref_slice %arg9[%dma_start3A_13, %dma_start3A_14, %dma_start3A_15] : memref<2x32x128xf32, #tpu.memory_space<vmem>> -> memref<1x32x128xf32, #tpu.memory_space<vmem>>
    %dma_start3A_17 = tpu.memref_squeeze %dma_start3A_16 : memref<1x32x128xf32, #tpu.memory_space<vmem>> -> memref<32x128xf32, #tpu.memory_space<vmem>>
    %dma_start3A_18 = arith.constant 0 : i32
    %dma_start3A_19 = tpu.memref_slice %arg7[%dma_start3A_12, %dma_start3A_18] : memref<1x32xi32, #tpu.memory_space<vmem>> -> memref<1x32xi32, #tpu.memory_space<vmem>>
    %dma_start3A_20 = tpu.memref_squeeze %dma_start3A_19 : memref<1x32xi32, #tpu.memory_space<vmem>> -> memref<32xi32, #tpu.memory_space<vmem>>
    %dma_start3A_21 = arith.constant 0 : i32
    %dma_start3A_22 = arith.constant 0 : i32
    %dma_start3A_23 = tpu.memref_slice %arg3[%dma_start3A_21, %dma_start3A_22] : memref<50000x128xf32, #tpu.memory_space<hbm>> -> memref<50000x128xf32, #tpu.memory_space<hbm>>
    tpu.enqueue_indirect_dma source(%dma_start3A_23 : memref<50000x128xf32, #tpu.memory_space<hbm>>) target(%dma_start3A_17 : memref<32x128xf32, #tpu.memory_space<vmem>>) offsets(%dma_start3A_20 : memref<32xi32, #tpu.memory_space<vmem>>) semaphore(%arg10 : memref<!tpu.dma_semaphore, #tpu.memory_space<semaphore_mem>>)
    %scan3A = arith.constant 0 : i32
    %scan3A_24 = arith.constant 0 : i32
    %scan3A_25 = arith.constant 0 : i32
    %scan3A_26 = arith.addi %scan3A_24, %scan3A_25 : i32
    %scan3A_27 = arith.constant 0 : i32
    %dma_wait3A = arith.constant 0 : i32
    %dma_wait3A_28 = arith.constant 0 : i32
    %dma_wait3A_29 = arith.constant 0 : i32
    %dma_wait3A_30 = arith.constant 0 : i32
    %dma_wait3A_31 = tpu.memref_slice %arg8[%dma_wait3A_28, %dma_wait3A_29, %dma_wait3A_30] : memref<2x32x128xi32, #tpu.memory_space<vmem>> -> memref<1x32x128xi32, #tpu.memory_space<vmem>>
    %dma_wait3A_32 = tpu.memref_squeeze %dma_wait3A_31 : memref<1x32x128xi32, #tpu.memory_space<vmem>> -> memref<32x128xi32, #tpu.memory_space<vmem>>
    %dma_wait3A_33 = arith.constant 0 : i32
    %dma_wait3A_34 = tpu.memref_slice %arg7[%dma_wait3A, %dma_wait3A_33] : memref<1x32xi32, #tpu.memory_space<vmem>> -> memref<1x32xi32, #tpu.memory_space<vmem>>
    %dma_wait3A_35 = tpu.memref_squeeze %dma_wait3A_34 : memref<1x32xi32, #tpu.memory_space<vmem>> -> memref<32xi32, #tpu.memory_space<vmem>>
    %dma_wait3A_36 = arith.constant 0 : i32
    %dma_wait3A_37 = arith.constant 0 : i32
    %dma_wait3A_38 = tpu.memref_slice %arg2[%dma_wait3A_36, %dma_wait3A_37] : memref<50000x128xi32, #tpu.memory_space<hbm>> -> memref<50000x128xi32, #tpu.memory_space<hbm>>
    tpu.wait_indirect_dma semaphore(%arg10 : memref<!tpu.dma_semaphore, #tpu.memory_space<semaphore_mem>>) src(%dma_wait3A_38 : memref<50000x128xi32, #tpu.memory_space<hbm>>) dst(%dma_wait3A_32 : memref<32x128xi32, #tpu.memory_space<vmem>>)
    %dma_wait3A_39 = arith.constant 0 : i32
    %dma_wait3A_40 = arith.constant 0 : i32
    %dma_wait3A_41 = arith.constant 0 : i32
    %dma_wait3A_42 = arith.constant 0 : i32
    %dma_wait3A_43 = tpu.memref_slice %arg9[%dma_wait3A_40, %dma_wait3A_41, %dma_wait3A_42] : memref<2x32x128xf32, #tpu.memory_space<vmem>> -> memref<1x32x128xf32, #tpu.memory_space<vmem>>
    %dma_wait3A_44 = tpu.memref_squeeze %dma_wait3A_43 : memref<1x32x128xf32, #tpu.memory_space<vmem>> -> memref<32x128xf32, #tpu.memory_space<vmem>>
    %dma_wait3A_45 = arith.constant 0 : i32
    %dma_wait3A_46 = tpu.memref_slice %arg7[%dma_wait3A_39, %dma_wait3A_45] : memref<1x32xi32, #tpu.memory_space<vmem>> -> memref<1x32xi32, #tpu.memory_space<vmem>>
    %dma_wait3A_47 = tpu.memref_squeeze %dma_wait3A_46 : memref<1x32xi32, #tpu.memory_space<vmem>> -> memref<32xi32, #tpu.memory_space<vmem>>
    %dma_wait3A_48 = arith.constant 0 : i32
    %dma_wait3A_49 = arith.constant 0 : i32
    %dma_wait3A_50 = tpu.memref_slice %arg3[%dma_wait3A_48, %dma_wait3A_49] : memref<50000x128xf32, #tpu.memory_space<hbm>> -> memref<50000x128xf32, #tpu.memory_space<hbm>>
    tpu.wait_indirect_dma semaphore(%arg10 : memref<!tpu.dma_semaphore, #tpu.memory_space<semaphore_mem>>) src(%dma_wait3A_50 : memref<50000x128xf32, #tpu.memory_space<hbm>>) dst(%dma_wait3A_44 : memref<32x128xf32, #tpu.memory_space<vmem>>)
    %mul3A_51 = arith.constant 1 : i32
    %mul3A_52 = arith.muli %add3A, %mul3A_51 : i32
    %add3A_53 = arith.constant 0 : i32
    %add3A_54 = arith.addi %mul3A_52, %add3A_53 : i32
    %mul3A_55 = arith.constant 32 : i32
    %mul3A_56 = arith.muli %add3A_54, %mul3A_55 : i32
    %multiple_of3A = tpu.assume_multiple %mul3A_56, 32 : i32
    %run_scoped3A = arith.constant 0 : i32
    "tpu.region"() ({
      %run_scoped3A_58 = tpu.sem_alloc : memref<!tpu.dma_semaphore, #tpu.memory_space<semaphore_mem>>
      %dma_start3A_59 = arith.constant 0 : i32
      %dma_start3A_60 = arith.constant 0 : i32
      %dma_start3A_61 = tpu.memref_slice %arg8[%run_scoped3A, %dma_start3A_59, %dma_start3A_60] : memref<2x32x128xi32, #tpu.memory_space<vmem>> -> memref<1x32x128xi32, #tpu.memory_space<vmem>>
      %dma_start3A_62 = tpu.memref_squeeze %dma_start3A_61 : memref<1x32x128xi32, #tpu.memory_space<vmem>> -> memref<32x128xi32, #tpu.memory_space<vmem>>
      %dma_start3A_63 = arith.constant 0 : i32
      %dma_start3A_64 = tpu.memref_slice %arg5[%multiple_of3A, %dma_start3A_63] : memref<1024x128xi32, #tpu.memory_space<hbm>> -> memref<32x128xi32, #tpu.memory_space<hbm>>
      %dma_start3A_65 = arith.constant 0 : i32
      %dma_start3A_66 = tpu.memref_slice %arg5[%multiple_of3A, %dma_start3A_65] : memref<1024x128xi32, #tpu.memory_space<hbm>> -> memref<32x128xi32, #tpu.memory_space<hbm>>
      %dma_start3A_67 = arith.constant 0 : i32
      %dma_start3A_68 = arith.constant 0 : i32
      %dma_start3A_69 = tpu.memref_slice %arg8[%run_scoped3A, %dma_start3A_67, %dma_start3A_68] : memref<2x32x128xi32, #tpu.memory_space<vmem>> -> memref<1x32x128xi32, #tpu.memory_space<vmem>>
      %dma_start3A_70 = tpu.memref_squeeze %dma_start3A_69 : memref<1x32x128xi32, #tpu.memory_space<vmem>> -> memref<32x128xi32, #tpu.memory_space<vmem>>
      tpu.enqueue_dma source(%dma_start3A_70 : memref<32x128xi32, #tpu.memory_space<vmem>>) target(%dma_start3A_66 : memref<32x128xi32, #tpu.memory_space<hbm>>) target_semaphore(%run_scoped3A_58 : memref<!tpu.dma_semaphore, #tpu.memory_space<semaphore_mem>>)
      %dma_wait3A_71 = arith.constant 0 : i32
      %dma_wait3A_72 = arith.constant 0 : i32
      %dma_wait3A_73 = tpu.memref_slice %arg8[%run_scoped3A, %dma_wait3A_71, %dma_wait3A_72] : memref<2x32x128xi32, #tpu.memory_space<vmem>> -> memref<1x32x128xi32, #tpu.memory_space<vmem>>
      %dma_wait3A_74 = tpu.memref_squeeze %dma_wait3A_73 : memref<1x32x128xi32, #tpu.memory_space<vmem>> -> memref<32x128xi32, #tpu.memory_space<vmem>>
      %dma_wait3A_75 = arith.constant 0 : i32
      %dma_wait3A_76 = tpu.memref_slice %arg5[%multiple_of3A, %dma_wait3A_75] : memref<1024x128xi32, #tpu.memory_space<hbm>> -> memref<32x128xi32, #tpu.memory_space<hbm>>
      %dma_wait3A_77 = arith.constant 0 : i32
      %dma_wait3A_78 = tpu.memref_slice %arg5[%multiple_of3A, %dma_wait3A_77] : memref<1024x128xi32, #tpu.memory_space<hbm>> -> memref<32x128xi32, #tpu.memory_space<hbm>>
      %dma_wait3A_79 = arith.constant 0 : i32
      %dma_wait3A_80 = arith.constant 0 : i32
      %dma_wait3A_81 = tpu.memref_slice %arg8[%run_scoped3A, %dma_wait3A_79, %dma_wait3A_80] : memref<2x32x128xi32, #tpu.memory_space<vmem>> -> memref<1x32x128xi32, #tpu.memory_space<vmem>>
      %dma_wait3A_82 = tpu.memref_squeeze %dma_wait3A_81 : memref<1x32x128xi32, #tpu.memory_space<vmem>> -> memref<32x128xi32, #tpu.memory_space<vmem>>
      tpu.wait_dma2 semaphore(%run_scoped3A_58 : memref<!tpu.dma_semaphore, #tpu.memory_space<semaphore_mem>>) src(%dma_wait3A_82 : memref<32x128xi32, #tpu.memory_space<vmem>>) dst(%dma_wait3A_78 : memref<32x128xi32, #tpu.memory_space<hbm>>)
      tpu.yield
    }) : () -> ()
    %run_scoped3A_57 = arith.constant 0 : i32
    "tpu.region"() ({
      %run_scoped3A_58 = tpu.sem_alloc : memref<!tpu.dma_semaphore, #tpu.memory_space<semaphore_mem>>
      %dma_start3A_59 = arith.constant 0 : i32
      %dma_start3A_60 = arith.constant 0 : i32
      %dma_start3A_61 = tpu.memref_slice %arg9[%run_scoped3A_57, %dma_start3A_59, %dma_start3A_60] : memref<2x32x128xf32, #tpu.memory_space<vmem>> -> memref<1x32x128xf32, #tpu.memory_space<vmem>>
      %dma_start3A_62 = tpu.memref_squeeze %dma_start3A_61 : memref<1x32x128xf32, #tpu.memory_space<vmem>> -> memref<32x128xf32, #tpu.memory_space<vmem>>
      %dma_start3A_63 = arith.constant 0 : i32
      %dma_start3A_64 = tpu.memref_slice %arg6[%multiple_of3A, %dma_start3A_63] : memref<1024x128xf32, #tpu.memory_space<hbm>> -> memref<32x128xf32, #tpu.memory_space<hbm>>
      %dma_start3A_65 = arith.constant 0 : i32
      %dma_start3A_66 = tpu.memref_slice %arg6[%multiple_of3A, %dma_start3A_65] : memref<1024x128xf32, #tpu.memory_space<hbm>> -> memref<32x128xf32, #tpu.memory_space<hbm>>
      %dma_start3A_67 = arith.constant 0 : i32
      %dma_start3A_68 = arith.constant 0 : i32
      %dma_start3A_69 = tpu.memref_slice %arg9[%run_scoped3A_57, %dma_start3A_67, %dma_start3A_68] : memref<2x32x128xf32, #tpu.memory_space<vmem>> -> memref<1x32x128xf32, #tpu.memory_space<vmem>>
      %dma_start3A_70 = tpu.memref_squeeze %dma_start3A_69 : memref<1x32x128xf32, #tpu.memory_space<vmem>> -> memref<32x128xf32, #tpu.memory_space<vmem>>
      tpu.enqueue_dma source(%dma_start3A_70 : memref<32x128xf32, #tpu.memory_space<vmem>>) target(%dma_start3A_66 : memref<32x128xf32, #tpu.memory_space<hbm>>) target_semaphore(%run_scoped3A_58 : memref<!tpu.dma_semaphore, #tpu.memory_space<semaphore_mem>>)
      %dma_wait3A_71 = arith.constant 0 : i32
      %dma_wait3A_72 = arith.constant 0 : i32
      %dma_wait3A_73 = tpu.memref_slice %arg9[%run_scoped3A_57, %dma_wait3A_71, %dma_wait3A_72] : memref<2x32x128xf32, #tpu.memory_space<vmem>> -> memref<1x32x128xf32, #tpu.memory_space<vmem>>
      %dma_wait3A_74 = tpu.memref_squeeze %dma_wait3A_73 : memref<1x32x128xf32, #tpu.memory_space<vmem>> -> memref<32x128xf32, #tpu.memory_space<vmem>>
      %dma_wait3A_75 = arith.constant 0 : i32
      %dma_wait3A_76 = tpu.memref_slice %arg6[%multiple_of3A, %dma_wait3A_75] : memref<1024x128xf32, #tpu.memory_space<hbm>> -> memref<32x128xf32, #tpu.memory_space<hbm>>
      %dma_wait3A_77 = arith.constant 0 : i32
      %dma_wait3A_78 = tpu.memref_slice %arg6[%multiple_of3A, %dma_wait3A_77] : memref<1024x128xf32, #tpu.memory_space<hbm>> -> memref<32x128xf32, #tpu.memory_space<hbm>>
      %dma_wait3A_79 = arith.constant 0 : i32
      %dma_wait3A_80 = arith.constant 0 : i32
      %dma_wait3A_81 = tpu.memref_slice %arg9[%run_scoped3A_57, %dma_wait3A_79, %dma_wait3A_80] : memref<2x32x128xf32, #tpu.memory_space<vmem>> -> memref<1x32x128xf32, #tpu.memory_space<vmem>>
      %dma_wait3A_82 = tpu.memref_squeeze %dma_wait3A_81 : memref<1x32x128xf32, #tpu.memory_space<vmem>> -> memref<32x128xf32, #tpu.memory_space<vmem>>
      tpu.wait_dma2 semaphore(%run_scoped3A_58 : memref<!tpu.dma_semaphore, #tpu.memory_space<semaphore_mem>>) src(%dma_wait3A_82 : memref<32x128xf32, #tpu.memory_space<vmem>>) dst(%dma_wait3A_78 : memref<32x128xf32, #tpu.memory_space<hbm>>)
      tpu.yield
    }) : () -> ()
    return
  }
}

#map = affine_map<(d0, d1) -> (0, 0)>
#map1 = affine_map<(d0, d1) -> (0, 0, 0)>
module attributes {stable_mosaic.version = 14 : i64} {
  func.func @body(%arg0: i32, %arg1: i32, %arg2: memref<50000x128xf32, #tpu.memory_space<hbm>>, %arg3: memref<32x50x128xi32, #tpu.memory_space<hbm>>, %arg4: memref<204800x128xf32, #tpu.memory_space<hbm>>, %arg5: memref<50x128xi32, #tpu.memory_space<vmem>>, %arg6: memref<2x128x128xf32, #tpu.memory_space<vmem>>, %arg7: memref<!tpu.dma_semaphore, #tpu.memory_space<semaphore_mem>>, %arg8: memref<!tpu.dma_semaphore, #tpu.memory_space<semaphore_mem>>) attributes {dimension_semantics = [#tpu.dimension_semantics<core_parallel>, #tpu.dimension_semantics<subcore_parallel>], iteration_bounds = array<i64: 2, 16>, scalar_prefetch = 0 : i64, scratch_operands = 4 : i64, tpu.core_type = #tpu.core_type<sc_vector_subcore>, window_params = [{transform_indices = #map}, {transform_indices = #map1}, {transform_indices = #map}]} {
    %mul3A = arith.constant 2 : i32
    %mul3A_0 = arith.muli %arg1, %mul3A : i32
    %add3A = arith.addi %mul3A_0, %arg0 : i32
    "tpu.region"() ({
      %run_scoped3A = tpu.sem_alloc : memref<!tpu.dma_semaphore, #tpu.memory_space<semaphore_mem>>
      %dma_start3A_17 = arith.constant 0 : i32
      %dma_start3A_18 = arith.constant 0 : i32
      %dma_start3A_19 = tpu.memref_slice %arg3[%add3A, %dma_start3A_17, %dma_start3A_18] : memref<32x50x128xi32, #tpu.memory_space<hbm>> -> memref<1x50x128xi32, #tpu.memory_space<hbm>>
      %dma_start3A_20 = tpu.memref_squeeze %dma_start3A_19 : memref<1x50x128xi32, #tpu.memory_space<hbm>> -> memref<50x128xi32, #tpu.memory_space<hbm>>
      %dma_start3A_21 = arith.constant 0 : i32
      %dma_start3A_22 = arith.constant 0 : i32
      %dma_start3A_23 = tpu.memref_slice %arg3[%add3A, %dma_start3A_21, %dma_start3A_22] : memref<32x50x128xi32, #tpu.memory_space<hbm>> -> memref<1x50x128xi32, #tpu.memory_space<hbm>>
      %dma_start3A_24 = tpu.memref_squeeze %dma_start3A_23 : memref<1x50x128xi32, #tpu.memory_space<hbm>> -> memref<50x128xi32, #tpu.memory_space<hbm>>
      tpu.enqueue_dma source(%dma_start3A_24 : memref<50x128xi32, #tpu.memory_space<hbm>>) target(%arg5 : memref<50x128xi32, #tpu.memory_space<vmem>>) target_semaphore(%run_scoped3A : memref<!tpu.dma_semaphore, #tpu.memory_space<semaphore_mem>>)
      %dma_wait3A = arith.constant 0 : i32
      %dma_wait3A_25 = arith.constant 0 : i32
      %dma_wait3A_26 = tpu.memref_slice %arg3[%add3A, %dma_wait3A, %dma_wait3A_25] : memref<32x50x128xi32, #tpu.memory_space<hbm>> -> memref<1x50x128xi32, #tpu.memory_space<hbm>>
      %dma_wait3A_27 = tpu.memref_squeeze %dma_wait3A_26 : memref<1x50x128xi32, #tpu.memory_space<hbm>> -> memref<50x128xi32, #tpu.memory_space<hbm>>
      %dma_wait3A_28 = arith.constant 0 : i32
      %dma_wait3A_29 = arith.constant 0 : i32
      %dma_wait3A_30 = tpu.memref_slice %arg3[%add3A, %dma_wait3A_28, %dma_wait3A_29] : memref<32x50x128xi32, #tpu.memory_space<hbm>> -> memref<1x50x128xi32, #tpu.memory_space<hbm>>
      %dma_wait3A_31 = tpu.memref_squeeze %dma_wait3A_30 : memref<1x50x128xi32, #tpu.memory_space<hbm>> -> memref<50x128xi32, #tpu.memory_space<hbm>>
      tpu.wait_dma2 semaphore(%run_scoped3A : memref<!tpu.dma_semaphore, #tpu.memory_space<semaphore_mem>>) src(%dma_wait3A_31 : memref<50x128xi32, #tpu.memory_space<hbm>>) dst(%arg5 : memref<50x128xi32, #tpu.memory_space<vmem>>)
      tpu.yield
    }) : () -> ()
    %dma_start3A = arith.constant 0 : i32
    %dma_start3A_1 = arith.constant 0 : i32
    %dma_start3A_2 = arith.constant 0 : i32
    %dma_start3A_3 = arith.constant 0 : i32
    %dma_start3A_4 = tpu.memref_slice %arg6[%dma_start3A_1, %dma_start3A_2, %dma_start3A_3] : memref<2x128x128xf32, #tpu.memory_space<vmem>> -> memref<1x128x128xf32, #tpu.memory_space<vmem>>
    %dma_start3A_5 = tpu.memref_squeeze %dma_start3A_4 : memref<1x128x128xf32, #tpu.memory_space<vmem>> -> memref<128x128xf32, #tpu.memory_space<vmem>>
    %dma_start3A_6 = arith.constant 0 : i32
    %dma_start3A_7 = tpu.memref_slice %arg5[%dma_start3A, %dma_start3A_6] : memref<50x128xi32, #tpu.memory_space<vmem>> -> memref<1x128xi32, #tpu.memory_space<vmem>>
    %dma_start3A_8 = tpu.memref_squeeze %dma_start3A_7 : memref<1x128xi32, #tpu.memory_space<vmem>> -> memref<128xi32, #tpu.memory_space<vmem>>
    %dma_start3A_9 = arith.constant 0 : i32
    %dma_start3A_10 = arith.constant 0 : i32
    %dma_start3A_11 = tpu.memref_slice %arg2[%dma_start3A_9, %dma_start3A_10] : memref<50000x128xf32, #tpu.memory_space<hbm>> -> memref<50000x128xf32, #tpu.memory_space<hbm>>
    tpu.enqueue_indirect_dma source(%dma_start3A_11 : memref<50000x128xf32, #tpu.memory_space<hbm>>) target(%dma_start3A_5 : memref<128x128xf32, #tpu.memory_space<vmem>>) offsets(%dma_start3A_8 : memref<128xi32, #tpu.memory_space<vmem>>) semaphore(%arg7 : memref<!tpu.dma_semaphore, #tpu.memory_space<semaphore_mem>>)
    %scan3A = arith.constant 0 : i32
    %scan3A_12 = arith.constant 0 : i32
    %scan3A_13 = arith.constant 25 : i32
    %scan3A_14 = arith.addi %scan3A_12, %scan3A_13 : i32
    %scan3A_15 = arith.constant 1 : i32
    scf.for %scan3A_17 = %scan3A_12 to %scan3A_14 step %scan3A_15  : i32 {
      %mul3A_18 = arith.constant 2 : i32
      %mul3A_19 = arith.muli %scan3A_17, %mul3A_18 : i32
      %dma_wait3A = arith.constant 0 : i32
      %dma_wait3A_20 = arith.constant 0 : i32
      %dma_wait3A_21 = arith.constant 0 : i32
      %dma_wait3A_22 = arith.constant 0 : i32
      %dma_wait3A_23 = tpu.memref_slice %arg6[%dma_wait3A_20, %dma_wait3A_21, %dma_wait3A_22] : memref<2x128x128xf32, #tpu.memory_space<vmem>> -> memref<1x128x128xf32, #tpu.memory_space<vmem>>
      %dma_wait3A_24 = tpu.memref_squeeze %dma_wait3A_23 : memref<1x128x128xf32, #tpu.memory_space<vmem>> -> memref<128x128xf32, #tpu.memory_space<vmem>>
      %dma_wait3A_25 = arith.constant 0 : i32
      %dma_wait3A_26 = tpu.memref_slice %arg5[%dma_wait3A, %dma_wait3A_25] : memref<50x128xi32, #tpu.memory_space<vmem>> -> memref<1x128xi32, #tpu.memory_space<vmem>>
      %dma_wait3A_27 = tpu.memref_squeeze %dma_wait3A_26 : memref<1x128xi32, #tpu.memory_space<vmem>> -> memref<128xi32, #tpu.memory_space<vmem>>
      %dma_wait3A_28 = arith.constant 0 : i32
      %dma_wait3A_29 = arith.constant 0 : i32
      %dma_wait3A_30 = tpu.memref_slice %arg2[%dma_wait3A_28, %dma_wait3A_29] : memref<50000x128xf32, #tpu.memory_space<hbm>> -> memref<50000x128xf32, #tpu.memory_space<hbm>>
      tpu.wait_indirect_dma semaphore(%arg7 : memref<!tpu.dma_semaphore, #tpu.memory_space<semaphore_mem>>) src(%dma_wait3A_30 : memref<50000x128xf32, #tpu.memory_space<hbm>>) dst(%dma_wait3A_24 : memref<128x128xf32, #tpu.memory_space<vmem>>)
      %add3A_31 = arith.constant 1 : i32
      %add3A_32 = arith.addi %mul3A_19, %add3A_31 : i32
      %dma_start3A_33 = arith.constant 1 : i32
      %dma_start3A_34 = arith.constant 0 : i32
      %dma_start3A_35 = arith.constant 0 : i32
      %dma_start3A_36 = tpu.memref_slice %arg6[%dma_start3A_33, %dma_start3A_34, %dma_start3A_35] : memref<2x128x128xf32, #tpu.memory_space<vmem>> -> memref<1x128x128xf32, #tpu.memory_space<vmem>>
      %dma_start3A_37 = tpu.memref_squeeze %dma_start3A_36 : memref<1x128x128xf32, #tpu.memory_space<vmem>> -> memref<128x128xf32, #tpu.memory_space<vmem>>
      %dma_start3A_38 = arith.constant 0 : i32
      %dma_start3A_39 = tpu.memref_slice %arg5[%add3A_32, %dma_start3A_38] : memref<50x128xi32, #tpu.memory_space<vmem>> -> memref<1x128xi32, #tpu.memory_space<vmem>>
      %dma_start3A_40 = tpu.memref_squeeze %dma_start3A_39 : memref<1x128xi32, #tpu.memory_space<vmem>> -> memref<128xi32, #tpu.memory_space<vmem>>
      %dma_start3A_41 = arith.constant 0 : i32
      %dma_start3A_42 = arith.constant 0 : i32
      %dma_start3A_43 = tpu.memref_slice %arg2[%dma_start3A_41, %dma_start3A_42] : memref<50000x128xf32, #tpu.memory_space<hbm>> -> memref<50000x128xf32, #tpu.memory_space<hbm>>
      tpu.enqueue_indirect_dma source(%dma_start3A_43 : memref<50000x128xf32, #tpu.memory_space<hbm>>) target(%dma_start3A_37 : memref<128x128xf32, #tpu.memory_space<vmem>>) offsets(%dma_start3A_40 : memref<128xi32, #tpu.memory_space<vmem>>) semaphore(%arg8 : memref<!tpu.dma_semaphore, #tpu.memory_space<semaphore_mem>>)
      %mul3A_44 = arith.constant 50 : i32
      %mul3A_45 = arith.muli %add3A, %mul3A_44 : i32
      %add3A_46 = arith.addi %mul3A_45, %mul3A_19 : i32
      %mul3A_47 = arith.constant 128 : i32
      %mul3A_48 = arith.muli %add3A_46, %mul3A_47 : i32
      %multiple_of3A = tpu.assume_multiple %mul3A_48, 128 : i32
      %run_scoped3A = arith.constant 0 : i32
      "tpu.region"() ({
        %run_scoped3A_74 = tpu.sem_alloc : memref<!tpu.dma_semaphore, #tpu.memory_space<semaphore_mem>>
        %dma_start3A_75 = arith.constant 0 : i32
        %dma_start3A_76 = arith.constant 0 : i32
        %dma_start3A_77 = tpu.memref_slice %arg6[%run_scoped3A, %dma_start3A_75, %dma_start3A_76] : memref<2x128x128xf32, #tpu.memory_space<vmem>> -> memref<1x128x128xf32, #tpu.memory_space<vmem>>
        %dma_start3A_78 = tpu.memref_squeeze %dma_start3A_77 : memref<1x128x128xf32, #tpu.memory_space<vmem>> -> memref<128x128xf32, #tpu.memory_space<vmem>>
        %dma_start3A_79 = arith.constant 0 : i32
        %dma_start3A_80 = tpu.memref_slice %arg4[%multiple_of3A, %dma_start3A_79] : memref<204800x128xf32, #tpu.memory_space<hbm>> -> memref<128x128xf32, #tpu.memory_space<hbm>>
        %dma_start3A_81 = arith.constant 0 : i32
        %dma_start3A_82 = tpu.memref_slice %arg4[%multiple_of3A, %dma_start3A_81] : memref<204800x128xf32, #tpu.memory_space<hbm>> -> memref<128x128xf32, #tpu.memory_space<hbm>>
        %dma_start3A_83 = arith.constant 0 : i32
        %dma_start3A_84 = arith.constant 0 : i32
        %dma_start3A_85 = tpu.memref_slice %arg6[%run_scoped3A, %dma_start3A_83, %dma_start3A_84] : memref<2x128x128xf32, #tpu.memory_space<vmem>> -> memref<1x128x128xf32, #tpu.memory_space<vmem>>
        %dma_start3A_86 = tpu.memref_squeeze %dma_start3A_85 : memref<1x128x128xf32, #tpu.memory_space<vmem>> -> memref<128x128xf32, #tpu.memory_space<vmem>>
        tpu.enqueue_dma source(%dma_start3A_86 : memref<128x128xf32, #tpu.memory_space<vmem>>) target(%dma_start3A_82 : memref<128x128xf32, #tpu.memory_space<hbm>>) target_semaphore(%run_scoped3A_74 : memref<!tpu.dma_semaphore, #tpu.memory_space<semaphore_mem>>)
        %dma_wait3A_87 = arith.constant 0 : i32
        %dma_wait3A_88 = arith.constant 0 : i32
        %dma_wait3A_89 = tpu.memref_slice %arg6[%run_scoped3A, %dma_wait3A_87, %dma_wait3A_88] : memref<2x128x128xf32, #tpu.memory_space<vmem>> -> memref<1x128x128xf32, #tpu.memory_space<vmem>>
        %dma_wait3A_90 = tpu.memref_squeeze %dma_wait3A_89 : memref<1x128x128xf32, #tpu.memory_space<vmem>> -> memref<128x128xf32, #tpu.memory_space<vmem>>
        %dma_wait3A_91 = arith.constant 0 : i32
        %dma_wait3A_92 = tpu.memref_slice %arg4[%multiple_of3A, %dma_wait3A_91] : memref<204800x128xf32, #tpu.memory_space<hbm>> -> memref<128x128xf32, #tpu.memory_space<hbm>>
        %dma_wait3A_93 = arith.constant 0 : i32
        %dma_wait3A_94 = tpu.memref_slice %arg4[%multiple_of3A, %dma_wait3A_93] : memref<204800x128xf32, #tpu.memory_space<hbm>> -> memref<128x128xf32, #tpu.memory_space<hbm>>
        %dma_wait3A_95 = arith.constant 0 : i32
        %dma_wait3A_96 = arith.constant 0 : i32
        %dma_wait3A_97 = tpu.memref_slice %arg6[%run_scoped3A, %dma_wait3A_95, %dma_wait3A_96] : memref<2x128x128xf32, #tpu.memory_space<vmem>> -> memref<1x128x128xf32, #tpu.memory_space<vmem>>
        %dma_wait3A_98 = tpu.memref_squeeze %dma_wait3A_97 : memref<1x128x128xf32, #tpu.memory_space<vmem>> -> memref<128x128xf32, #tpu.memory_space<vmem>>
        tpu.wait_dma2 semaphore(%run_scoped3A_74 : memref<!tpu.dma_semaphore, #tpu.memory_space<semaphore_mem>>) src(%dma_wait3A_98 : memref<128x128xf32, #tpu.memory_space<vmem>>) dst(%dma_wait3A_94 : memref<128x128xf32, #tpu.memory_space<hbm>>)
        tpu.yield
      }) : () -> ()
      %dma_wait3A_49 = arith.constant 0 : i32
      %dma_wait3A_50 = arith.constant 1 : i32
      %dma_wait3A_51 = arith.constant 0 : i32
      %dma_wait3A_52 = arith.constant 0 : i32
      %dma_wait3A_53 = tpu.memref_slice %arg6[%dma_wait3A_50, %dma_wait3A_51, %dma_wait3A_52] : memref<2x128x128xf32, #tpu.memory_space<vmem>> -> memref<1x128x128xf32, #tpu.memory_space<vmem>>
      %dma_wait3A_54 = tpu.memref_squeeze %dma_wait3A_53 : memref<1x128x128xf32, #tpu.memory_space<vmem>> -> memref<128x128xf32, #tpu.memory_space<vmem>>
      %dma_wait3A_55 = arith.constant 0 : i32
      %dma_wait3A_56 = tpu.memref_slice %arg5[%dma_wait3A_49, %dma_wait3A_55] : memref<50x128xi32, #tpu.memory_space<vmem>> -> memref<1x128xi32, #tpu.memory_space<vmem>>
      %dma_wait3A_57 = tpu.memref_squeeze %dma_wait3A_56 : memref<1x128xi32, #tpu.memory_space<vmem>> -> memref<128xi32, #tpu.memory_space<vmem>>
      %dma_wait3A_58 = arith.constant 0 : i32
      %dma_wait3A_59 = arith.constant 0 : i32
      %dma_wait3A_60 = tpu.memref_slice %arg2[%dma_wait3A_58, %dma_wait3A_59] : memref<50000x128xf32, #tpu.memory_space<hbm>> -> memref<50000x128xf32, #tpu.memory_space<hbm>>
      tpu.wait_indirect_dma semaphore(%arg8 : memref<!tpu.dma_semaphore, #tpu.memory_space<semaphore_mem>>) src(%dma_wait3A_60 : memref<50000x128xf32, #tpu.memory_space<hbm>>) dst(%dma_wait3A_54 : memref<128x128xf32, #tpu.memory_space<vmem>>)
      %add3A_61 = arith.constant 2 : i32
      %add3A_62 = arith.addi %mul3A_19, %add3A_61 : i32
      %lt3A = arith.constant 50 : i32
      %lt3A_63 = arith.cmpi slt, %add3A_62, %lt3A : i32
      %convert_element_type3A = arith.extui %lt3A_63 : i1 to i32
      %cond3A = arith.constant 0 : i32
      %cond3A_64 = arith.cmpi ne, %convert_element_type3A, %cond3A : i32
      scf.if %cond3A_64 {
        %add3A_74 = arith.constant 2 : i32
        %add3A_75 = arith.addi %mul3A_19, %add3A_74 : i32
        %dma_start3A_76 = arith.constant 0 : i32
        %dma_start3A_77 = arith.constant 0 : i32
        %dma_start3A_78 = arith.constant 0 : i32
        %dma_start3A_79 = tpu.memref_slice %arg6[%dma_start3A_76, %dma_start3A_77, %dma_start3A_78] : memref<2x128x128xf32, #tpu.memory_space<vmem>> -> memref<1x128x128xf32, #tpu.memory_space<vmem>>
        %dma_start3A_80 = tpu.memref_squeeze %dma_start3A_79 : memref<1x128x128xf32, #tpu.memory_space<vmem>> -> memref<128x128xf32, #tpu.memory_space<vmem>>
        %dma_start3A_81 = arith.constant 0 : i32
        %dma_start3A_82 = tpu.memref_slice %arg5[%add3A_75, %dma_start3A_81] : memref<50x128xi32, #tpu.memory_space<vmem>> -> memref<1x128xi32, #tpu.memory_space<vmem>>
        %dma_start3A_83 = tpu.memref_squeeze %dma_start3A_82 : memref<1x128xi32, #tpu.memory_space<vmem>> -> memref<128xi32, #tpu.memory_space<vmem>>
        %dma_start3A_84 = arith.constant 0 : i32
        %dma_start3A_85 = arith.constant 0 : i32
        %dma_start3A_86 = tpu.memref_slice %arg2[%dma_start3A_84, %dma_start3A_85] : memref<50000x128xf32, #tpu.memory_space<hbm>> -> memref<50000x128xf32, #tpu.memory_space<hbm>>
        tpu.enqueue_indirect_dma source(%dma_start3A_86 : memref<50000x128xf32, #tpu.memory_space<hbm>>) target(%dma_start3A_80 : memref<128x128xf32, #tpu.memory_space<vmem>>) offsets(%dma_start3A_83 : memref<128xi32, #tpu.memory_space<vmem>>) semaphore(%arg7 : memref<!tpu.dma_semaphore, #tpu.memory_space<semaphore_mem>>)
      } else {
      }
      %add3A_65 = arith.constant 1 : i32
      %add3A_66 = arith.addi %mul3A_19, %add3A_65 : i32
      %mul3A_67 = arith.constant 50 : i32
      %mul3A_68 = arith.muli %add3A, %mul3A_67 : i32
      %add3A_69 = arith.addi %mul3A_68, %add3A_66 : i32
      %mul3A_70 = arith.constant 128 : i32
      %mul3A_71 = arith.muli %add3A_69, %mul3A_70 : i32
      %multiple_of3A_72 = tpu.assume_multiple %mul3A_71, 128 : i32
      %run_scoped3A_73 = arith.constant 1 : i32
      "tpu.region"() ({
        %run_scoped3A_74 = tpu.sem_alloc : memref<!tpu.dma_semaphore, #tpu.memory_space<semaphore_mem>>
        %dma_start3A_75 = arith.constant 0 : i32
        %dma_start3A_76 = arith.constant 0 : i32
        %dma_start3A_77 = tpu.memref_slice %arg6[%run_scoped3A_73, %dma_start3A_75, %dma_start3A_76] : memref<2x128x128xf32, #tpu.memory_space<vmem>> -> memref<1x128x128xf32, #tpu.memory_space<vmem>>
        %dma_start3A_78 = tpu.memref_squeeze %dma_start3A_77 : memref<1x128x128xf32, #tpu.memory_space<vmem>> -> memref<128x128xf32, #tpu.memory_space<vmem>>
        %dma_start3A_79 = arith.constant 0 : i32
        %dma_start3A_80 = tpu.memref_slice %arg4[%multiple_of3A_72, %dma_start3A_79] : memref<204800x128xf32, #tpu.memory_space<hbm>> -> memref<128x128xf32, #tpu.memory_space<hbm>>
        %dma_start3A_81 = arith.constant 0 : i32
        %dma_start3A_82 = tpu.memref_slice %arg4[%multiple_of3A_72, %dma_start3A_81] : memref<204800x128xf32, #tpu.memory_space<hbm>> -> memref<128x128xf32, #tpu.memory_space<hbm>>
        %dma_start3A_83 = arith.constant 0 : i32
        %dma_start3A_84 = arith.constant 0 : i32
        %dma_start3A_85 = tpu.memref_slice %arg6[%run_scoped3A_73, %dma_start3A_83, %dma_start3A_84] : memref<2x128x128xf32, #tpu.memory_space<vmem>> -> memref<1x128x128xf32, #tpu.memory_space<vmem>>
        %dma_start3A_86 = tpu.memref_squeeze %dma_start3A_85 : memref<1x128x128xf32, #tpu.memory_space<vmem>> -> memref<128x128xf32, #tpu.memory_space<vmem>>
        tpu.enqueue_dma source(%dma_start3A_86 : memref<128x128xf32, #tpu.memory_space<vmem>>) target(%dma_start3A_82 : memref<128x128xf32, #tpu.memory_space<hbm>>) target_semaphore(%run_scoped3A_74 : memref<!tpu.dma_semaphore, #tpu.memory_space<semaphore_mem>>)
        %dma_wait3A_87 = arith.constant 0 : i32
        %dma_wait3A_88 = arith.constant 0 : i32
        %dma_wait3A_89 = tpu.memref_slice %arg6[%run_scoped3A_73, %dma_wait3A_87, %dma_wait3A_88] : memref<2x128x128xf32, #tpu.memory_space<vmem>> -> memref<1x128x128xf32, #tpu.memory_space<vmem>>
        %dma_wait3A_90 = tpu.memref_squeeze %dma_wait3A_89 : memref<1x128x128xf32, #tpu.memory_space<vmem>> -> memref<128x128xf32, #tpu.memory_space<vmem>>
        %dma_wait3A_91 = arith.constant 0 : i32
        %dma_wait3A_92 = tpu.memref_slice %arg4[%multiple_of3A_72, %dma_wait3A_91] : memref<204800x128xf32, #tpu.memory_space<hbm>> -> memref<128x128xf32, #tpu.memory_space<hbm>>
        %dma_wait3A_93 = arith.constant 0 : i32
        %dma_wait3A_94 = tpu.memref_slice %arg4[%multiple_of3A_72, %dma_wait3A_93] : memref<204800x128xf32, #tpu.memory_space<hbm>> -> memref<128x128xf32, #tpu.memory_space<hbm>>
        %dma_wait3A_95 = arith.constant 0 : i32
        %dma_wait3A_96 = arith.constant 0 : i32
        %dma_wait3A_97 = tpu.memref_slice %arg6[%run_scoped3A_73, %dma_wait3A_95, %dma_wait3A_96] : memref<2x128x128xf32, #tpu.memory_space<vmem>> -> memref<1x128x128xf32, #tpu.memory_space<vmem>>
        %dma_wait3A_98 = tpu.memref_squeeze %dma_wait3A_97 : memref<1x128x128xf32, #tpu.memory_space<vmem>> -> memref<128x128xf32, #tpu.memory_space<vmem>>
        tpu.wait_dma2 semaphore(%run_scoped3A_74 : memref<!tpu.dma_semaphore, #tpu.memory_space<semaphore_mem>>) src(%dma_wait3A_98 : memref<128x128xf32, #tpu.memory_space<vmem>>) dst(%dma_wait3A_94 : memref<128x128xf32, #tpu.memory_space<hbm>>)
        tpu.yield
      }) : () -> ()
    }
    %scan3A_16 = arith.constant 25 : i32
    return
  }
}

#map = affine_map<(d0, d1) -> (0, 0)>
#map1 = affine_map<(d0, d1) -> (0, 0, 0)>
module attributes {stable_mosaic.version = 14 : i64} {
  func.func @body(%arg0: i32, %arg1: i32, %arg2: memref<50000x128xi32, #tpu.memory_space<hbm>>, %arg3: memref<50000x128xf32, #tpu.memory_space<hbm>>, %arg4: memref<32x5x128xi32, #tpu.memory_space<hbm>>, %arg5: memref<20480x128xi32, #tpu.memory_space<hbm>>, %arg6: memref<20480x128xf32, #tpu.memory_space<hbm>>, %arg7: memref<5x128xi32, #tpu.memory_space<vmem>>, %arg8: memref<2x128x128xi32, #tpu.memory_space<vmem>>, %arg9: memref<2x128x128xf32, #tpu.memory_space<vmem>>, %arg10: memref<!tpu.dma_semaphore, #tpu.memory_space<semaphore_mem>>, %arg11: memref<!tpu.dma_semaphore, #tpu.memory_space<semaphore_mem>>) attributes {dimension_semantics = [#tpu.dimension_semantics<core_parallel>, #tpu.dimension_semantics<subcore_parallel>], iteration_bounds = array<i64: 2, 16>, scalar_prefetch = 0 : i64, scratch_operands = 5 : i64, tpu.core_type = #tpu.core_type<sc_vector_subcore>, window_params = [{transform_indices = #map}, {transform_indices = #map}, {transform_indices = #map1}, {transform_indices = #map}, {transform_indices = #map}]} {
    %mul3A = arith.constant 2 : i32
    %mul3A_0 = arith.muli %arg1, %mul3A : i32
    %add3A = arith.addi %mul3A_0, %arg0 : i32
    "tpu.region"() ({
      %run_scoped3A_59 = tpu.sem_alloc : memref<!tpu.dma_semaphore, #tpu.memory_space<semaphore_mem>>
      %dma_start3A_60 = arith.constant 0 : i32
      %dma_start3A_61 = arith.constant 0 : i32
      %dma_start3A_62 = tpu.memref_slice %arg4[%add3A, %dma_start3A_60, %dma_start3A_61] : memref<32x5x128xi32, #tpu.memory_space<hbm>> -> memref<1x5x128xi32, #tpu.memory_space<hbm>>
      %dma_start3A_63 = tpu.memref_squeeze %dma_start3A_62 : memref<1x5x128xi32, #tpu.memory_space<hbm>> -> memref<5x128xi32, #tpu.memory_space<hbm>>
      %dma_start3A_64 = arith.constant 0 : i32
      %dma_start3A_65 = arith.constant 0 : i32
      %dma_start3A_66 = tpu.memref_slice %arg4[%add3A, %dma_start3A_64, %dma_start3A_65] : memref<32x5x128xi32, #tpu.memory_space<hbm>> -> memref<1x5x128xi32, #tpu.memory_space<hbm>>
      %dma_start3A_67 = tpu.memref_squeeze %dma_start3A_66 : memref<1x5x128xi32, #tpu.memory_space<hbm>> -> memref<5x128xi32, #tpu.memory_space<hbm>>
      tpu.enqueue_dma source(%dma_start3A_67 : memref<5x128xi32, #tpu.memory_space<hbm>>) target(%arg7 : memref<5x128xi32, #tpu.memory_space<vmem>>) target_semaphore(%run_scoped3A_59 : memref<!tpu.dma_semaphore, #tpu.memory_space<semaphore_mem>>)
      %dma_wait3A_68 = arith.constant 0 : i32
      %dma_wait3A_69 = arith.constant 0 : i32
      %dma_wait3A_70 = tpu.memref_slice %arg4[%add3A, %dma_wait3A_68, %dma_wait3A_69] : memref<32x5x128xi32, #tpu.memory_space<hbm>> -> memref<1x5x128xi32, #tpu.memory_space<hbm>>
      %dma_wait3A_71 = tpu.memref_squeeze %dma_wait3A_70 : memref<1x5x128xi32, #tpu.memory_space<hbm>> -> memref<5x128xi32, #tpu.memory_space<hbm>>
      %dma_wait3A_72 = arith.constant 0 : i32
      %dma_wait3A_73 = arith.constant 0 : i32
      %dma_wait3A_74 = tpu.memref_slice %arg4[%add3A, %dma_wait3A_72, %dma_wait3A_73] : memref<32x5x128xi32, #tpu.memory_space<hbm>> -> memref<1x5x128xi32, #tpu.memory_space<hbm>>
      %dma_wait3A_75 = tpu.memref_squeeze %dma_wait3A_74 : memref<1x5x128xi32, #tpu.memory_space<hbm>> -> memref<5x128xi32, #tpu.memory_space<hbm>>
      tpu.wait_dma2 semaphore(%run_scoped3A_59 : memref<!tpu.dma_semaphore, #tpu.memory_space<semaphore_mem>>) src(%dma_wait3A_75 : memref<5x128xi32, #tpu.memory_space<hbm>>) dst(%arg7 : memref<5x128xi32, #tpu.memory_space<vmem>>)
      tpu.yield
    }) : () -> ()
    %dma_start3A = arith.constant 0 : i32
    %dma_start3A_1 = arith.constant 0 : i32
    %dma_start3A_2 = arith.constant 0 : i32
    %dma_start3A_3 = arith.constant 0 : i32
    %dma_start3A_4 = tpu.memref_slice %arg8[%dma_start3A_1, %dma_start3A_2, %dma_start3A_3] : memref<2x128x128xi32, #tpu.memory_space<vmem>> -> memref<1x128x128xi32, #tpu.memory_space<vmem>>
    %dma_start3A_5 = tpu.memref_squeeze %dma_start3A_4 : memref<1x128x128xi32, #tpu.memory_space<vmem>> -> memref<128x128xi32, #tpu.memory_space<vmem>>
    %dma_start3A_6 = arith.constant 0 : i32
    %dma_start3A_7 = tpu.memref_slice %arg7[%dma_start3A, %dma_start3A_6] : memref<5x128xi32, #tpu.memory_space<vmem>> -> memref<1x128xi32, #tpu.memory_space<vmem>>
    %dma_start3A_8 = tpu.memref_squeeze %dma_start3A_7 : memref<1x128xi32, #tpu.memory_space<vmem>> -> memref<128xi32, #tpu.memory_space<vmem>>
    %dma_start3A_9 = arith.constant 0 : i32
    %dma_start3A_10 = arith.constant 0 : i32
    %dma_start3A_11 = tpu.memref_slice %arg2[%dma_start3A_9, %dma_start3A_10] : memref<50000x128xi32, #tpu.memory_space<hbm>> -> memref<50000x128xi32, #tpu.memory_space<hbm>>
    tpu.enqueue_indirect_dma source(%dma_start3A_11 : memref<50000x128xi32, #tpu.memory_space<hbm>>) target(%dma_start3A_5 : memref<128x128xi32, #tpu.memory_space<vmem>>) offsets(%dma_start3A_8 : memref<128xi32, #tpu.memory_space<vmem>>) semaphore(%arg10 : memref<!tpu.dma_semaphore, #tpu.memory_space<semaphore_mem>>)
    %dma_start3A_12 = arith.constant 0 : i32
    %dma_start3A_13 = arith.constant 0 : i32
    %dma_start3A_14 = arith.constant 0 : i32
    %dma_start3A_15 = arith.constant 0 : i32
    %dma_start3A_16 = tpu.memref_slice %arg9[%dma_start3A_13, %dma_start3A_14, %dma_start3A_15] : memref<2x128x128xf32, #tpu.memory_space<vmem>> -> memref<1x128x128xf32, #tpu.memory_space<vmem>>
    %dma_start3A_17 = tpu.memref_squeeze %dma_start3A_16 : memref<1x128x128xf32, #tpu.memory_space<vmem>> -> memref<128x128xf32, #tpu.memory_space<vmem>>
    %dma_start3A_18 = arith.constant 0 : i32
    %dma_start3A_19 = tpu.memref_slice %arg7[%dma_start3A_12, %dma_start3A_18] : memref<5x128xi32, #tpu.memory_space<vmem>> -> memref<1x128xi32, #tpu.memory_space<vmem>>
    %dma_start3A_20 = tpu.memref_squeeze %dma_start3A_19 : memref<1x128xi32, #tpu.memory_space<vmem>> -> memref<128xi32, #tpu.memory_space<vmem>>
    %dma_start3A_21 = arith.constant 0 : i32
    %dma_start3A_22 = arith.constant 0 : i32
    %dma_start3A_23 = tpu.memref_slice %arg3[%dma_start3A_21, %dma_start3A_22] : memref<50000x128xf32, #tpu.memory_space<hbm>> -> memref<50000x128xf32, #tpu.memory_space<hbm>>
    tpu.enqueue_indirect_dma source(%dma_start3A_23 : memref<50000x128xf32, #tpu.memory_space<hbm>>) target(%dma_start3A_17 : memref<128x128xf32, #tpu.memory_space<vmem>>) offsets(%dma_start3A_20 : memref<128xi32, #tpu.memory_space<vmem>>) semaphore(%arg10 : memref<!tpu.dma_semaphore, #tpu.memory_space<semaphore_mem>>)
    %scan3A = arith.constant 0 : i32
    %scan3A_24 = arith.constant 0 : i32
    %scan3A_25 = arith.constant 2 : i32
    %scan3A_26 = arith.addi %scan3A_24, %scan3A_25 : i32
    %scan3A_27 = arith.constant 1 : i32
    scf.for %scan3A_59 = %scan3A_24 to %scan3A_26 step %scan3A_27  : i32 {
      %mul3A_60 = arith.constant 2 : i32
      %mul3A_61 = arith.muli %scan3A_59, %mul3A_60 : i32
      %dma_wait3A_62 = arith.constant 0 : i32
      %dma_wait3A_63 = arith.constant 0 : i32
      %dma_wait3A_64 = arith.constant 0 : i32
      %dma_wait3A_65 = arith.constant 0 : i32
      %dma_wait3A_66 = tpu.memref_slice %arg8[%dma_wait3A_63, %dma_wait3A_64, %dma_wait3A_65] : memref<2x128x128xi32, #tpu.memory_space<vmem>> -> memref<1x128x128xi32, #tpu.memory_space<vmem>>
      %dma_wait3A_67 = tpu.memref_squeeze %dma_wait3A_66 : memref<1x128x128xi32, #tpu.memory_space<vmem>> -> memref<128x128xi32, #tpu.memory_space<vmem>>
      %dma_wait3A_68 = arith.constant 0 : i32
      %dma_wait3A_69 = tpu.memref_slice %arg7[%dma_wait3A_62, %dma_wait3A_68] : memref<5x128xi32, #tpu.memory_space<vmem>> -> memref<1x128xi32, #tpu.memory_space<vmem>>
      %dma_wait3A_70 = tpu.memref_squeeze %dma_wait3A_69 : memref<1x128xi32, #tpu.memory_space<vmem>> -> memref<128xi32, #tpu.memory_space<vmem>>
      %dma_wait3A_71 = arith.constant 0 : i32
      %dma_wait3A_72 = arith.constant 0 : i32
      %dma_wait3A_73 = tpu.memref_slice %arg2[%dma_wait3A_71, %dma_wait3A_72] : memref<50000x128xi32, #tpu.memory_space<hbm>> -> memref<50000x128xi32, #tpu.memory_space<hbm>>
      tpu.wait_indirect_dma semaphore(%arg10 : memref<!tpu.dma_semaphore, #tpu.memory_space<semaphore_mem>>) src(%dma_wait3A_73 : memref<50000x128xi32, #tpu.memory_space<hbm>>) dst(%dma_wait3A_67 : memref<128x128xi32, #tpu.memory_space<vmem>>)
      %dma_wait3A_74 = arith.constant 0 : i32
      %dma_wait3A_75 = arith.constant 0 : i32
      %dma_wait3A_76 = arith.constant 0 : i32
      %dma_wait3A_77 = arith.constant 0 : i32
      %dma_wait3A_78 = tpu.memref_slice %arg9[%dma_wait3A_75, %dma_wait3A_76, %dma_wait3A_77] : memref<2x128x128xf32, #tpu.memory_space<vmem>> -> memref<1x128x128xf32, #tpu.memory_space<vmem>>
      %dma_wait3A_79 = tpu.memref_squeeze %dma_wait3A_78 : memref<1x128x128xf32, #tpu.memory_space<vmem>> -> memref<128x128xf32, #tpu.memory_space<vmem>>
      %dma_wait3A_80 = arith.constant 0 : i32
      %dma_wait3A_81 = tpu.memref_slice %arg7[%dma_wait3A_74, %dma_wait3A_80] : memref<5x128xi32, #tpu.memory_space<vmem>> -> memref<1x128xi32, #tpu.memory_space<vmem>>
      %dma_wait3A_82 = tpu.memref_squeeze %dma_wait3A_81 : memref<1x128xi32, #tpu.memory_space<vmem>> -> memref<128xi32, #tpu.memory_space<vmem>>
      %dma_wait3A_83 = arith.constant 0 : i32
      %dma_wait3A_84 = arith.constant 0 : i32
      %dma_wait3A_85 = tpu.memref_slice %arg3[%dma_wait3A_83, %dma_wait3A_84] : memref<50000x128xf32, #tpu.memory_space<hbm>> -> memref<50000x128xf32, #tpu.memory_space<hbm>>
      tpu.wait_indirect_dma semaphore(%arg10 : memref<!tpu.dma_semaphore, #tpu.memory_space<semaphore_mem>>) src(%dma_wait3A_85 : memref<50000x128xf32, #tpu.memory_space<hbm>>) dst(%dma_wait3A_79 : memref<128x128xf32, #tpu.memory_space<vmem>>)
      %add3A_86 = arith.constant 1 : i32
      %add3A_87 = arith.addi %mul3A_61, %add3A_86 : i32
      %dma_start3A_88 = arith.constant 1 : i32
      %dma_start3A_89 = arith.constant 0 : i32
      %dma_start3A_90 = arith.constant 0 : i32
      %dma_start3A_91 = tpu.memref_slice %arg8[%dma_start3A_88, %dma_start3A_89, %dma_start3A_90] : memref<2x128x128xi32, #tpu.memory_space<vmem>> -> memref<1x128x128xi32, #tpu.memory_space<vmem>>
      %dma_start3A_92 = tpu.memref_squeeze %dma_start3A_91 : memref<1x128x128xi32, #tpu.memory_space<vmem>> -> memref<128x128xi32, #tpu.memory_space<vmem>>
      %dma_start3A_93 = arith.constant 0 : i32
      %dma_start3A_94 = tpu.memref_slice %arg7[%add3A_87, %dma_start3A_93] : memref<5x128xi32, #tpu.memory_space<vmem>> -> memref<1x128xi32, #tpu.memory_space<vmem>>
      %dma_start3A_95 = tpu.memref_squeeze %dma_start3A_94 : memref<1x128xi32, #tpu.memory_space<vmem>> -> memref<128xi32, #tpu.memory_space<vmem>>
      %dma_start3A_96 = arith.constant 0 : i32
      %dma_start3A_97 = arith.constant 0 : i32
      %dma_start3A_98 = tpu.memref_slice %arg2[%dma_start3A_96, %dma_start3A_97] : memref<50000x128xi32, #tpu.memory_space<hbm>> -> memref<50000x128xi32, #tpu.memory_space<hbm>>
      tpu.enqueue_indirect_dma source(%dma_start3A_98 : memref<50000x128xi32, #tpu.memory_space<hbm>>) target(%dma_start3A_92 : memref<128x128xi32, #tpu.memory_space<vmem>>) offsets(%dma_start3A_95 : memref<128xi32, #tpu.memory_space<vmem>>) semaphore(%arg11 : memref<!tpu.dma_semaphore, #tpu.memory_space<semaphore_mem>>)
      %dma_start3A_99 = arith.constant 1 : i32
      %dma_start3A_100 = arith.constant 0 : i32
      %dma_start3A_101 = arith.constant 0 : i32
      %dma_start3A_102 = tpu.memref_slice %arg9[%dma_start3A_99, %dma_start3A_100, %dma_start3A_101] : memref<2x128x128xf32, #tpu.memory_space<vmem>> -> memref<1x128x128xf32, #tpu.memory_space<vmem>>
      %dma_start3A_103 = tpu.memref_squeeze %dma_start3A_102 : memref<1x128x128xf32, #tpu.memory_space<vmem>> -> memref<128x128xf32, #tpu.memory_space<vmem>>
      %dma_start3A_104 = arith.constant 0 : i32
      %dma_start3A_105 = tpu.memref_slice %arg7[%add3A_87, %dma_start3A_104] : memref<5x128xi32, #tpu.memory_space<vmem>> -> memref<1x128xi32, #tpu.memory_space<vmem>>
      %dma_start3A_106 = tpu.memref_squeeze %dma_start3A_105 : memref<1x128xi32, #tpu.memory_space<vmem>> -> memref<128xi32, #tpu.memory_space<vmem>>
      %dma_start3A_107 = arith.constant 0 : i32
      %dma_start3A_108 = arith.constant 0 : i32
      %dma_start3A_109 = tpu.memref_slice %arg3[%dma_start3A_107, %dma_start3A_108] : memref<50000x128xf32, #tpu.memory_space<hbm>> -> memref<50000x128xf32, #tpu.memory_space<hbm>>
      tpu.enqueue_indirect_dma source(%dma_start3A_109 : memref<50000x128xf32, #tpu.memory_space<hbm>>) target(%dma_start3A_103 : memref<128x128xf32, #tpu.memory_space<vmem>>) offsets(%dma_start3A_106 : memref<128xi32, #tpu.memory_space<vmem>>) semaphore(%arg11 : memref<!tpu.dma_semaphore, #tpu.memory_space<semaphore_mem>>)
      %mul3A_110 = arith.constant 5 : i32
      %mul3A_111 = arith.muli %add3A, %mul3A_110 : i32
      %add3A_112 = arith.addi %mul3A_111, %mul3A_61 : i32
      %mul3A_113 = arith.constant 128 : i32
      %mul3A_114 = arith.muli %add3A_112, %mul3A_113 : i32
      %multiple_of3A_115 = tpu.assume_multiple %mul3A_114, 128 : i32
      %run_scoped3A_116 = arith.constant 0 : i32
      "tpu.region"() ({
        %run_scoped3A_156 = tpu.sem_alloc : memref<!tpu.dma_semaphore, #tpu.memory_space<semaphore_mem>>
        %dma_start3A_157 = arith.constant 0 : i32
        %dma_start3A_158 = arith.constant 0 : i32
        %dma_start3A_159 = tpu.memref_slice %arg8[%run_scoped3A_116, %dma_start3A_157, %dma_start3A_158] : memref<2x128x128xi32, #tpu.memory_space<vmem>> -> memref<1x128x128xi32, #tpu.memory_space<vmem>>
        %dma_start3A_160 = tpu.memref_squeeze %dma_start3A_159 : memref<1x128x128xi32, #tpu.memory_space<vmem>> -> memref<128x128xi32, #tpu.memory_space<vmem>>
        %dma_start3A_161 = arith.constant 0 : i32
        %dma_start3A_162 = tpu.memref_slice %arg5[%multiple_of3A_115, %dma_start3A_161] : memref<20480x128xi32, #tpu.memory_space<hbm>> -> memref<128x128xi32, #tpu.memory_space<hbm>>
        %dma_start3A_163 = arith.constant 0 : i32
        %dma_start3A_164 = tpu.memref_slice %arg5[%multiple_of3A_115, %dma_start3A_163] : memref<20480x128xi32, #tpu.memory_space<hbm>> -> memref<128x128xi32, #tpu.memory_space<hbm>>
        %dma_start3A_165 = arith.constant 0 : i32
        %dma_start3A_166 = arith.constant 0 : i32
        %dma_start3A_167 = tpu.memref_slice %arg8[%run_scoped3A_116, %dma_start3A_165, %dma_start3A_166] : memref<2x128x128xi32, #tpu.memory_space<vmem>> -> memref<1x128x128xi32, #tpu.memory_space<vmem>>
        %dma_start3A_168 = tpu.memref_squeeze %dma_start3A_167 : memref<1x128x128xi32, #tpu.memory_space<vmem>> -> memref<128x128xi32, #tpu.memory_space<vmem>>
        tpu.enqueue_dma source(%dma_start3A_168 : memref<128x128xi32, #tpu.memory_space<vmem>>) target(%dma_start3A_164 : memref<128x128xi32, #tpu.memory_space<hbm>>) target_semaphore(%run_scoped3A_156 : memref<!tpu.dma_semaphore, #tpu.memory_space<semaphore_mem>>)
        %dma_wait3A_169 = arith.constant 0 : i32
        %dma_wait3A_170 = arith.constant 0 : i32
        %dma_wait3A_171 = tpu.memref_slice %arg8[%run_scoped3A_116, %dma_wait3A_169, %dma_wait3A_170] : memref<2x128x128xi32, #tpu.memory_space<vmem>> -> memref<1x128x128xi32, #tpu.memory_space<vmem>>
        %dma_wait3A_172 = tpu.memref_squeeze %dma_wait3A_171 : memref<1x128x128xi32, #tpu.memory_space<vmem>> -> memref<128x128xi32, #tpu.memory_space<vmem>>
        %dma_wait3A_173 = arith.constant 0 : i32
        %dma_wait3A_174 = tpu.memref_slice %arg5[%multiple_of3A_115, %dma_wait3A_173] : memref<20480x128xi32, #tpu.memory_space<hbm>> -> memref<128x128xi32, #tpu.memory_space<hbm>>
        %dma_wait3A_175 = arith.constant 0 : i32
        %dma_wait3A_176 = tpu.memref_slice %arg5[%multiple_of3A_115, %dma_wait3A_175] : memref<20480x128xi32, #tpu.memory_space<hbm>> -> memref<128x128xi32, #tpu.memory_space<hbm>>
        %dma_wait3A_177 = arith.constant 0 : i32
        %dma_wait3A_178 = arith.constant 0 : i32
        %dma_wait3A_179 = tpu.memref_slice %arg8[%run_scoped3A_116, %dma_wait3A_177, %dma_wait3A_178] : memref<2x128x128xi32, #tpu.memory_space<vmem>> -> memref<1x128x128xi32, #tpu.memory_space<vmem>>
        %dma_wait3A_180 = tpu.memref_squeeze %dma_wait3A_179 : memref<1x128x128xi32, #tpu.memory_space<vmem>> -> memref<128x128xi32, #tpu.memory_space<vmem>>
        tpu.wait_dma2 semaphore(%run_scoped3A_156 : memref<!tpu.dma_semaphore, #tpu.memory_space<semaphore_mem>>) src(%dma_wait3A_180 : memref<128x128xi32, #tpu.memory_space<vmem>>) dst(%dma_wait3A_176 : memref<128x128xi32, #tpu.memory_space<hbm>>)
        tpu.yield
      }) : () -> ()
      %run_scoped3A_117 = arith.constant 0 : i32
      "tpu.region"() ({
        %run_scoped3A_156 = tpu.sem_alloc : memref<!tpu.dma_semaphore, #tpu.memory_space<semaphore_mem>>
        %dma_start3A_157 = arith.constant 0 : i32
        %dma_start3A_158 = arith.constant 0 : i32
        %dma_start3A_159 = tpu.memref_slice %arg9[%run_scoped3A_117, %dma_start3A_157, %dma_start3A_158] : memref<2x128x128xf32, #tpu.memory_space<vmem>> -> memref<1x128x128xf32, #tpu.memory_space<vmem>>
        %dma_start3A_160 = tpu.memref_squeeze %dma_start3A_159 : memref<1x128x128xf32, #tpu.memory_space<vmem>> -> memref<128x128xf32, #tpu.memory_space<vmem>>
        %dma_start3A_161 = arith.constant 0 : i32
        %dma_start3A_162 = tpu.memref_slice %arg6[%multiple_of3A_115, %dma_start3A_161] : memref<20480x128xf32, #tpu.memory_space<hbm>> -> memref<128x128xf32, #tpu.memory_space<hbm>>
        %dma_start3A_163 = arith.constant 0 : i32
        %dma_start3A_164 = tpu.memref_slice %arg6[%multiple_of3A_115, %dma_start3A_163] : memref<20480x128xf32, #tpu.memory_space<hbm>> -> memref<128x128xf32, #tpu.memory_space<hbm>>
        %dma_start3A_165 = arith.constant 0 : i32
        %dma_start3A_166 = arith.constant 0 : i32
        %dma_start3A_167 = tpu.memref_slice %arg9[%run_scoped3A_117, %dma_start3A_165, %dma_start3A_166] : memref<2x128x128xf32, #tpu.memory_space<vmem>> -> memref<1x128x128xf32, #tpu.memory_space<vmem>>
        %dma_start3A_168 = tpu.memref_squeeze %dma_start3A_167 : memref<1x128x128xf32, #tpu.memory_space<vmem>> -> memref<128x128xf32, #tpu.memory_space<vmem>>
        tpu.enqueue_dma source(%dma_start3A_168 : memref<128x128xf32, #tpu.memory_space<vmem>>) target(%dma_start3A_164 : memref<128x128xf32, #tpu.memory_space<hbm>>) target_semaphore(%run_scoped3A_156 : memref<!tpu.dma_semaphore, #tpu.memory_space<semaphore_mem>>)
        %dma_wait3A_169 = arith.constant 0 : i32
        %dma_wait3A_170 = arith.constant 0 : i32
        %dma_wait3A_171 = tpu.memref_slice %arg9[%run_scoped3A_117, %dma_wait3A_169, %dma_wait3A_170] : memref<2x128x128xf32, #tpu.memory_space<vmem>> -> memref<1x128x128xf32, #tpu.memory_space<vmem>>
        %dma_wait3A_172 = tpu.memref_squeeze %dma_wait3A_171 : memref<1x128x128xf32, #tpu.memory_space<vmem>> -> memref<128x128xf32, #tpu.memory_space<vmem>>
        %dma_wait3A_173 = arith.constant 0 : i32
        %dma_wait3A_174 = tpu.memref_slice %arg6[%multiple_of3A_115, %dma_wait3A_173] : memref<20480x128xf32, #tpu.memory_space<hbm>> -> memref<128x128xf32, #tpu.memory_space<hbm>>
        %dma_wait3A_175 = arith.constant 0 : i32
        %dma_wait3A_176 = tpu.memref_slice %arg6[%multiple_of3A_115, %dma_wait3A_175] : memref<20480x128xf32, #tpu.memory_space<hbm>> -> memref<128x128xf32, #tpu.memory_space<hbm>>
        %dma_wait3A_177 = arith.constant 0 : i32
        %dma_wait3A_178 = arith.constant 0 : i32
        %dma_wait3A_179 = tpu.memref_slice %arg9[%run_scoped3A_117, %dma_wait3A_177, %dma_wait3A_178] : memref<2x128x128xf32, #tpu.memory_space<vmem>> -> memref<1x128x128xf32, #tpu.memory_space<vmem>>
        %dma_wait3A_180 = tpu.memref_squeeze %dma_wait3A_179 : memref<1x128x128xf32, #tpu.memory_space<vmem>> -> memref<128x128xf32, #tpu.memory_space<vmem>>
        tpu.wait_dma2 semaphore(%run_scoped3A_156 : memref<!tpu.dma_semaphore, #tpu.memory_space<semaphore_mem>>) src(%dma_wait3A_180 : memref<128x128xf32, #tpu.memory_space<vmem>>) dst(%dma_wait3A_176 : memref<128x128xf32, #tpu.memory_space<hbm>>)
        tpu.yield
      }) : () -> ()
      %dma_wait3A_118 = arith.constant 0 : i32
      %dma_wait3A_119 = arith.constant 1 : i32
      %dma_wait3A_120 = arith.constant 0 : i32
      %dma_wait3A_121 = arith.constant 0 : i32
      %dma_wait3A_122 = tpu.memref_slice %arg8[%dma_wait3A_119, %dma_wait3A_120, %dma_wait3A_121] : memref<2x128x128xi32, #tpu.memory_space<vmem>> -> memref<1x128x128xi32, #tpu.memory_space<vmem>>
      %dma_wait3A_123 = tpu.memref_squeeze %dma_wait3A_122 : memref<1x128x128xi32, #tpu.memory_space<vmem>> -> memref<128x128xi32, #tpu.memory_space<vmem>>
      %dma_wait3A_124 = arith.constant 0 : i32
      %dma_wait3A_125 = tpu.memref_slice %arg7[%dma_wait3A_118, %dma_wait3A_124] : memref<5x128xi32, #tpu.memory_space<vmem>> -> memref<1x128xi32, #tpu.memory_space<vmem>>
      %dma_wait3A_126 = tpu.memref_squeeze %dma_wait3A_125 : memref<1x128xi32, #tpu.memory_space<vmem>> -> memref<128xi32, #tpu.memory_space<vmem>>
      %dma_wait3A_127 = arith.constant 0 : i32
      %dma_wait3A_128 = arith.constant 0 : i32
      %dma_wait3A_129 = tpu.memref_slice %arg2[%dma_wait3A_127, %dma_wait3A_128] : memref<50000x128xi32, #tpu.memory_space<hbm>> -> memref<50000x128xi32, #tpu.memory_space<hbm>>
      tpu.wait_indirect_dma semaphore(%arg11 : memref<!tpu.dma_semaphore, #tpu.memory_space<semaphore_mem>>) src(%dma_wait3A_129 : memref<50000x128xi32, #tpu.memory_space<hbm>>) dst(%dma_wait3A_123 : memref<128x128xi32, #tpu.memory_space<vmem>>)
      %dma_wait3A_130 = arith.constant 0 : i32
      %dma_wait3A_131 = arith.constant 1 : i32
      %dma_wait3A_132 = arith.constant 0 : i32
      %dma_wait3A_133 = arith.constant 0 : i32
      %dma_wait3A_134 = tpu.memref_slice %arg9[%dma_wait3A_131, %dma_wait3A_132, %dma_wait3A_133] : memref<2x128x128xf32, #tpu.memory_space<vmem>> -> memref<1x128x128xf32, #tpu.memory_space<vmem>>
      %dma_wait3A_135 = tpu.memref_squeeze %dma_wait3A_134 : memref<1x128x128xf32, #tpu.memory_space<vmem>> -> memref<128x128xf32, #tpu.memory_space<vmem>>
      %dma_wait3A_136 = arith.constant 0 : i32
      %dma_wait3A_137 = tpu.memref_slice %arg7[%dma_wait3A_130, %dma_wait3A_136] : memref<5x128xi32, #tpu.memory_space<vmem>> -> memref<1x128xi32, #tpu.memory_space<vmem>>
      %dma_wait3A_138 = tpu.memref_squeeze %dma_wait3A_137 : memref<1x128xi32, #tpu.memory_space<vmem>> -> memref<128xi32, #tpu.memory_space<vmem>>
      %dma_wait3A_139 = arith.constant 0 : i32
      %dma_wait3A_140 = arith.constant 0 : i32
      %dma_wait3A_141 = tpu.memref_slice %arg3[%dma_wait3A_139, %dma_wait3A_140] : memref<50000x128xf32, #tpu.memory_space<hbm>> -> memref<50000x128xf32, #tpu.memory_space<hbm>>
      tpu.wait_indirect_dma semaphore(%arg11 : memref<!tpu.dma_semaphore, #tpu.memory_space<semaphore_mem>>) src(%dma_wait3A_141 : memref<50000x128xf32, #tpu.memory_space<hbm>>) dst(%dma_wait3A_135 : memref<128x128xf32, #tpu.memory_space<vmem>>)
      %add3A_142 = arith.constant 2 : i32
      %add3A_143 = arith.addi %mul3A_61, %add3A_142 : i32
      %lt3A = arith.constant 5 : i32
      %lt3A_144 = arith.cmpi slt, %add3A_143, %lt3A : i32
      %convert_element_type3A = arith.extui %lt3A_144 : i1 to i32
      %cond3A = arith.constant 0 : i32
      %cond3A_145 = arith.cmpi ne, %convert_element_type3A, %cond3A : i32
      scf.if %cond3A_145 {
        %add3A_156 = arith.constant 2 : i32
        %add3A_157 = arith.addi %mul3A_61, %add3A_156 : i32
        %dma_start3A_158 = arith.constant 0 : i32
        %dma_start3A_159 = arith.constant 0 : i32
        %dma_start3A_160 = arith.constant 0 : i32
        %dma_start3A_161 = tpu.memref_slice %arg8[%dma_start3A_158, %dma_start3A_159, %dma_start3A_160] : memref<2x128x128xi32, #tpu.memory_space<vmem>> -> memref<1x128x128xi32, #tpu.memory_space<vmem>>
        %dma_start3A_162 = tpu.memref_squeeze %dma_start3A_161 : memref<1x128x128xi32, #tpu.memory_space<vmem>> -> memref<128x128xi32, #tpu.memory_space<vmem>>
        %dma_start3A_163 = arith.constant 0 : i32
        %dma_start3A_164 = tpu.memref_slice %arg7[%add3A_157, %dma_start3A_163] : memref<5x128xi32, #tpu.memory_space<vmem>> -> memref<1x128xi32, #tpu.memory_space<vmem>>
        %dma_start3A_165 = tpu.memref_squeeze %dma_start3A_164 : memref<1x128xi32, #tpu.memory_space<vmem>> -> memref<128xi32, #tpu.memory_space<vmem>>
        %dma_start3A_166 = arith.constant 0 : i32
        %dma_start3A_167 = arith.constant 0 : i32
        %dma_start3A_168 = tpu.memref_slice %arg2[%dma_start3A_166, %dma_start3A_167] : memref<50000x128xi32, #tpu.memory_space<hbm>> -> memref<50000x128xi32, #tpu.memory_space<hbm>>
        tpu.enqueue_indirect_dma source(%dma_start3A_168 : memref<50000x128xi32, #tpu.memory_space<hbm>>) target(%dma_start3A_162 : memref<128x128xi32, #tpu.memory_space<vmem>>) offsets(%dma_start3A_165 : memref<128xi32, #tpu.memory_space<vmem>>) semaphore(%arg10 : memref<!tpu.dma_semaphore, #tpu.memory_space<semaphore_mem>>)
        %dma_start3A_169 = arith.constant 0 : i32
        %dma_start3A_170 = arith.constant 0 : i32
        %dma_start3A_171 = arith.constant 0 : i32
        %dma_start3A_172 = tpu.memref_slice %arg9[%dma_start3A_169, %dma_start3A_170, %dma_start3A_171] : memref<2x128x128xf32, #tpu.memory_space<vmem>> -> memref<1x128x128xf32, #tpu.memory_space<vmem>>
        %dma_start3A_173 = tpu.memref_squeeze %dma_start3A_172 : memref<1x128x128xf32, #tpu.memory_space<vmem>> -> memref<128x128xf32, #tpu.memory_space<vmem>>
        %dma_start3A_174 = arith.constant 0 : i32
        %dma_start3A_175 = tpu.memref_slice %arg7[%add3A_157, %dma_start3A_174] : memref<5x128xi32, #tpu.memory_space<vmem>> -> memref<1x128xi32, #tpu.memory_space<vmem>>
        %dma_start3A_176 = tpu.memref_squeeze %dma_start3A_175 : memref<1x128xi32, #tpu.memory_space<vmem>> -> memref<128xi32, #tpu.memory_space<vmem>>
        %dma_start3A_177 = arith.constant 0 : i32
        %dma_start3A_178 = arith.constant 0 : i32
        %dma_start3A_179 = tpu.memref_slice %arg3[%dma_start3A_177, %dma_start3A_178] : memref<50000x128xf32, #tpu.memory_space<hbm>> -> memref<50000x128xf32, #tpu.memory_space<hbm>>
        tpu.enqueue_indirect_dma source(%dma_start3A_179 : memref<50000x128xf32, #tpu.memory_space<hbm>>) target(%dma_start3A_173 : memref<128x128xf32, #tpu.memory_space<vmem>>) offsets(%dma_start3A_176 : memref<128xi32, #tpu.memory_space<vmem>>) semaphore(%arg10 : memref<!tpu.dma_semaphore, #tpu.memory_space<semaphore_mem>>)
      } else {
      }
      %add3A_146 = arith.constant 1 : i32
      %add3A_147 = arith.addi %mul3A_61, %add3A_146 : i32
      %mul3A_148 = arith.constant 5 : i32
      %mul3A_149 = arith.muli %add3A, %mul3A_148 : i32
      %add3A_150 = arith.addi %mul3A_149, %add3A_147 : i32
      %mul3A_151 = arith.constant 128 : i32
      %mul3A_152 = arith.muli %add3A_150, %mul3A_151 : i32
      %multiple_of3A_153 = tpu.assume_multiple %mul3A_152, 128 : i32
      %run_scoped3A_154 = arith.constant 1 : i32
      "tpu.region"() ({
        %run_scoped3A_156 = tpu.sem_alloc : memref<!tpu.dma_semaphore, #tpu.memory_space<semaphore_mem>>
        %dma_start3A_157 = arith.constant 0 : i32
        %dma_start3A_158 = arith.constant 0 : i32
        %dma_start3A_159 = tpu.memref_slice %arg8[%run_scoped3A_154, %dma_start3A_157, %dma_start3A_158] : memref<2x128x128xi32, #tpu.memory_space<vmem>> -> memref<1x128x128xi32, #tpu.memory_space<vmem>>
        %dma_start3A_160 = tpu.memref_squeeze %dma_start3A_159 : memref<1x128x128xi32, #tpu.memory_space<vmem>> -> memref<128x128xi32, #tpu.memory_space<vmem>>
        %dma_start3A_161 = arith.constant 0 : i32
        %dma_start3A_162 = tpu.memref_slice %arg5[%multiple_of3A_153, %dma_start3A_161] : memref<20480x128xi32, #tpu.memory_space<hbm>> -> memref<128x128xi32, #tpu.memory_space<hbm>>
        %dma_start3A_163 = arith.constant 0 : i32
        %dma_start3A_164 = tpu.memref_slice %arg5[%multiple_of3A_153, %dma_start3A_163] : memref<20480x128xi32, #tpu.memory_space<hbm>> -> memref<128x128xi32, #tpu.memory_space<hbm>>
        %dma_start3A_165 = arith.constant 0 : i32
        %dma_start3A_166 = arith.constant 0 : i32
        %dma_start3A_167 = tpu.memref_slice %arg8[%run_scoped3A_154, %dma_start3A_165, %dma_start3A_166] : memref<2x128x128xi32, #tpu.memory_space<vmem>> -> memref<1x128x128xi32, #tpu.memory_space<vmem>>
        %dma_start3A_168 = tpu.memref_squeeze %dma_start3A_167 : memref<1x128x128xi32, #tpu.memory_space<vmem>> -> memref<128x128xi32, #tpu.memory_space<vmem>>
        tpu.enqueue_dma source(%dma_start3A_168 : memref<128x128xi32, #tpu.memory_space<vmem>>) target(%dma_start3A_164 : memref<128x128xi32, #tpu.memory_space<hbm>>) target_semaphore(%run_scoped3A_156 : memref<!tpu.dma_semaphore, #tpu.memory_space<semaphore_mem>>)
        %dma_wait3A_169 = arith.constant 0 : i32
        %dma_wait3A_170 = arith.constant 0 : i32
        %dma_wait3A_171 = tpu.memref_slice %arg8[%run_scoped3A_154, %dma_wait3A_169, %dma_wait3A_170] : memref<2x128x128xi32, #tpu.memory_space<vmem>> -> memref<1x128x128xi32, #tpu.memory_space<vmem>>
        %dma_wait3A_172 = tpu.memref_squeeze %dma_wait3A_171 : memref<1x128x128xi32, #tpu.memory_space<vmem>> -> memref<128x128xi32, #tpu.memory_space<vmem>>
        %dma_wait3A_173 = arith.constant 0 : i32
        %dma_wait3A_174 = tpu.memref_slice %arg5[%multiple_of3A_153, %dma_wait3A_173] : memref<20480x128xi32, #tpu.memory_space<hbm>> -> memref<128x128xi32, #tpu.memory_space<hbm>>
        %dma_wait3A_175 = arith.constant 0 : i32
        %dma_wait3A_176 = tpu.memref_slice %arg5[%multiple_of3A_153, %dma_wait3A_175] : memref<20480x128xi32, #tpu.memory_space<hbm>> -> memref<128x128xi32, #tpu.memory_space<hbm>>
        %dma_wait3A_177 = arith.constant 0 : i32
        %dma_wait3A_178 = arith.constant 0 : i32
        %dma_wait3A_179 = tpu.memref_slice %arg8[%run_scoped3A_154, %dma_wait3A_177, %dma_wait3A_178] : memref<2x128x128xi32, #tpu.memory_space<vmem>> -> memref<1x128x128xi32, #tpu.memory_space<vmem>>
        %dma_wait3A_180 = tpu.memref_squeeze %dma_wait3A_179 : memref<1x128x128xi32, #tpu.memory_space<vmem>> -> memref<128x128xi32, #tpu.memory_space<vmem>>
        tpu.wait_dma2 semaphore(%run_scoped3A_156 : memref<!tpu.dma_semaphore, #tpu.memory_space<semaphore_mem>>) src(%dma_wait3A_180 : memref<128x128xi32, #tpu.memory_space<vmem>>) dst(%dma_wait3A_176 : memref<128x128xi32, #tpu.memory_space<hbm>>)
        tpu.yield
      }) : () -> ()
      %run_scoped3A_155 = arith.constant 1 : i32
      "tpu.region"() ({
        %run_scoped3A_156 = tpu.sem_alloc : memref<!tpu.dma_semaphore, #tpu.memory_space<semaphore_mem>>
        %dma_start3A_157 = arith.constant 0 : i32
        %dma_start3A_158 = arith.constant 0 : i32
        %dma_start3A_159 = tpu.memref_slice %arg9[%run_scoped3A_155, %dma_start3A_157, %dma_start3A_158] : memref<2x128x128xf32, #tpu.memory_space<vmem>> -> memref<1x128x128xf32, #tpu.memory_space<vmem>>
        %dma_start3A_160 = tpu.memref_squeeze %dma_start3A_159 : memref<1x128x128xf32, #tpu.memory_space<vmem>> -> memref<128x128xf32, #tpu.memory_space<vmem>>
        %dma_start3A_161 = arith.constant 0 : i32
        %dma_start3A_162 = tpu.memref_slice %arg6[%multiple_of3A_153, %dma_start3A_161] : memref<20480x128xf32, #tpu.memory_space<hbm>> -> memref<128x128xf32, #tpu.memory_space<hbm>>
        %dma_start3A_163 = arith.constant 0 : i32
        %dma_start3A_164 = tpu.memref_slice %arg6[%multiple_of3A_153, %dma_start3A_163] : memref<20480x128xf32, #tpu.memory_space<hbm>> -> memref<128x128xf32, #tpu.memory_space<hbm>>
        %dma_start3A_165 = arith.constant 0 : i32
        %dma_start3A_166 = arith.constant 0 : i32
        %dma_start3A_167 = tpu.memref_slice %arg9[%run_scoped3A_155, %dma_start3A_165, %dma_start3A_166] : memref<2x128x128xf32, #tpu.memory_space<vmem>> -> memref<1x128x128xf32, #tpu.memory_space<vmem>>
        %dma_start3A_168 = tpu.memref_squeeze %dma_start3A_167 : memref<1x128x128xf32, #tpu.memory_space<vmem>> -> memref<128x128xf32, #tpu.memory_space<vmem>>
        tpu.enqueue_dma source(%dma_start3A_168 : memref<128x128xf32, #tpu.memory_space<vmem>>) target(%dma_start3A_164 : memref<128x128xf32, #tpu.memory_space<hbm>>) target_semaphore(%run_scoped3A_156 : memref<!tpu.dma_semaphore, #tpu.memory_space<semaphore_mem>>)
        %dma_wait3A_169 = arith.constant 0 : i32
        %dma_wait3A_170 = arith.constant 0 : i32
        %dma_wait3A_171 = tpu.memref_slice %arg9[%run_scoped3A_155, %dma_wait3A_169, %dma_wait3A_170] : memref<2x128x128xf32, #tpu.memory_space<vmem>> -> memref<1x128x128xf32, #tpu.memory_space<vmem>>
        %dma_wait3A_172 = tpu.memref_squeeze %dma_wait3A_171 : memref<1x128x128xf32, #tpu.memory_space<vmem>> -> memref<128x128xf32, #tpu.memory_space<vmem>>
        %dma_wait3A_173 = arith.constant 0 : i32
        %dma_wait3A_174 = tpu.memref_slice %arg6[%multiple_of3A_153, %dma_wait3A_173] : memref<20480x128xf32, #tpu.memory_space<hbm>> -> memref<128x128xf32, #tpu.memory_space<hbm>>
        %dma_wait3A_175 = arith.constant 0 : i32
        %dma_wait3A_176 = tpu.memref_slice %arg6[%multiple_of3A_153, %dma_wait3A_175] : memref<20480x128xf32, #tpu.memory_space<hbm>> -> memref<128x128xf32, #tpu.memory_space<hbm>>
        %dma_wait3A_177 = arith.constant 0 : i32
        %dma_wait3A_178 = arith.constant 0 : i32
        %dma_wait3A_179 = tpu.memref_slice %arg9[%run_scoped3A_155, %dma_wait3A_177, %dma_wait3A_178] : memref<2x128x128xf32, #tpu.memory_space<vmem>> -> memref<1x128x128xf32, #tpu.memory_space<vmem>>
        %dma_wait3A_180 = tpu.memref_squeeze %dma_wait3A_179 : memref<1x128x128xf32, #tpu.memory_space<vmem>> -> memref<128x128xf32, #tpu.memory_space<vmem>>
        tpu.wait_dma2 semaphore(%run_scoped3A_156 : memref<!tpu.dma_semaphore, #tpu.memory_space<semaphore_mem>>) src(%dma_wait3A_180 : memref<128x128xf32, #tpu.memory_space<vmem>>) dst(%dma_wait3A_176 : memref<128x128xf32, #tpu.memory_space<hbm>>)
        tpu.yield
      }) : () -> ()
    }
    %scan3A_28 = arith.constant 2 : i32
    %dma_wait3A = arith.constant 0 : i32
    %dma_wait3A_29 = arith.constant 0 : i32
    %dma_wait3A_30 = arith.constant 0 : i32
    %dma_wait3A_31 = arith.constant 0 : i32
    %dma_wait3A_32 = tpu.memref_slice %arg8[%dma_wait3A_29, %dma_wait3A_30, %dma_wait3A_31] : memref<2x128x128xi32, #tpu.memory_space<vmem>> -> memref<1x128x128xi32, #tpu.memory_space<vmem>>
    %dma_wait3A_33 = tpu.memref_squeeze %dma_wait3A_32 : memref<1x128x128xi32, #tpu.memory_space<vmem>> -> memref<128x128xi32, #tpu.memory_space<vmem>>
    %dma_wait3A_34 = arith.constant 0 : i32
    %dma_wait3A_35 = tpu.memref_slice %arg7[%dma_wait3A, %dma_wait3A_34] : memref<5x128xi32, #tpu.memory_space<vmem>> -> memref<1x128xi32, #tpu.memory_space<vmem>>
    %dma_wait3A_36 = tpu.memref_squeeze %dma_wait3A_35 : memref<1x128xi32, #tpu.memory_space<vmem>> -> memref<128xi32, #tpu.memory_space<vmem>>
    %dma_wait3A_37 = arith.constant 0 : i32
    %dma_wait3A_38 = arith.constant 0 : i32
    %dma_wait3A_39 = tpu.memref_slice %arg2[%dma_wait3A_37, %dma_wait3A_38] : memref<50000x128xi32, #tpu.memory_space<hbm>> -> memref<50000x128xi32, #tpu.memory_space<hbm>>
    tpu.wait_indirect_dma semaphore(%arg10 : memref<!tpu.dma_semaphore, #tpu.memory_space<semaphore_mem>>) src(%dma_wait3A_39 : memref<50000x128xi32, #tpu.memory_space<hbm>>) dst(%dma_wait3A_33 : memref<128x128xi32, #tpu.memory_space<vmem>>)
    %dma_wait3A_40 = arith.constant 0 : i32
    %dma_wait3A_41 = arith.constant 0 : i32
    %dma_wait3A_42 = arith.constant 0 : i32
    %dma_wait3A_43 = arith.constant 0 : i32
    %dma_wait3A_44 = tpu.memref_slice %arg9[%dma_wait3A_41, %dma_wait3A_42, %dma_wait3A_43] : memref<2x128x128xf32, #tpu.memory_space<vmem>> -> memref<1x128x128xf32, #tpu.memory_space<vmem>>
    %dma_wait3A_45 = tpu.memref_squeeze %dma_wait3A_44 : memref<1x128x128xf32, #tpu.memory_space<vmem>> -> memref<128x128xf32, #tpu.memory_space<vmem>>
    %dma_wait3A_46 = arith.constant 0 : i32
    %dma_wait3A_47 = tpu.memref_slice %arg7[%dma_wait3A_40, %dma_wait3A_46] : memref<5x128xi32, #tpu.memory_space<vmem>> -> memref<1x128xi32, #tpu.memory_space<vmem>>
    %dma_wait3A_48 = tpu.memref_squeeze %dma_wait3A_47 : memref<1x128xi32, #tpu.memory_space<vmem>> -> memref<128xi32, #tpu.memory_space<vmem>>
    %dma_wait3A_49 = arith.constant 0 : i32
    %dma_wait3A_50 = arith.constant 0 : i32
    %dma_wait3A_51 = tpu.memref_slice %arg3[%dma_wait3A_49, %dma_wait3A_50] : memref<50000x128xf32, #tpu.memory_space<hbm>> -> memref<50000x128xf32, #tpu.memory_space<hbm>>
    tpu.wait_indirect_dma semaphore(%arg10 : memref<!tpu.dma_semaphore, #tpu.memory_space<semaphore_mem>>) src(%dma_wait3A_51 : memref<50000x128xf32, #tpu.memory_space<hbm>>) dst(%dma_wait3A_45 : memref<128x128xf32, #tpu.memory_space<vmem>>)
    %mul3A_52 = arith.constant 5 : i32
    %mul3A_53 = arith.muli %add3A, %mul3A_52 : i32
    %add3A_54 = arith.constant 4 : i32
    %add3A_55 = arith.addi %mul3A_53, %add3A_54 : i32
    %mul3A_56 = arith.constant 128 : i32
    %mul3A_57 = arith.muli %add3A_55, %mul3A_56 : i32
    %multiple_of3A = tpu.assume_multiple %mul3A_57, 128 : i32
    %run_scoped3A = arith.constant 0 : i32
    "tpu.region"() ({
      %run_scoped3A_59 = tpu.sem_alloc : memref<!tpu.dma_semaphore, #tpu.memory_space<semaphore_mem>>
      %dma_start3A_60 = arith.constant 0 : i32
      %dma_start3A_61 = arith.constant 0 : i32
      %dma_start3A_62 = tpu.memref_slice %arg8[%run_scoped3A, %dma_start3A_60, %dma_start3A_61] : memref<2x128x128xi32, #tpu.memory_space<vmem>> -> memref<1x128x128xi32, #tpu.memory_space<vmem>>
      %dma_start3A_63 = tpu.memref_squeeze %dma_start3A_62 : memref<1x128x128xi32, #tpu.memory_space<vmem>> -> memref<128x128xi32, #tpu.memory_space<vmem>>
      %dma_start3A_64 = arith.constant 0 : i32
      %dma_start3A_65 = tpu.memref_slice %arg5[%multiple_of3A, %dma_start3A_64] : memref<20480x128xi32, #tpu.memory_space<hbm>> -> memref<128x128xi32, #tpu.memory_space<hbm>>
      %dma_start3A_66 = arith.constant 0 : i32
      %dma_start3A_67 = tpu.memref_slice %arg5[%multiple_of3A, %dma_start3A_66] : memref<20480x128xi32, #tpu.memory_space<hbm>> -> memref<128x128xi32, #tpu.memory_space<hbm>>
      %dma_start3A_68 = arith.constant 0 : i32
      %dma_start3A_69 = arith.constant 0 : i32
      %dma_start3A_70 = tpu.memref_slice %arg8[%run_scoped3A, %dma_start3A_68, %dma_start3A_69] : memref<2x128x128xi32, #tpu.memory_space<vmem>> -> memref<1x128x128xi32, #tpu.memory_space<vmem>>
      %dma_start3A_71 = tpu.memref_squeeze %dma_start3A_70 : memref<1x128x128xi32, #tpu.memory_space<vmem>> -> memref<128x128xi32, #tpu.memory_space<vmem>>
      tpu.enqueue_dma source(%dma_start3A_71 : memref<128x128xi32, #tpu.memory_space<vmem>>) target(%dma_start3A_67 : memref<128x128xi32, #tpu.memory_space<hbm>>) target_semaphore(%run_scoped3A_59 : memref<!tpu.dma_semaphore, #tpu.memory_space<semaphore_mem>>)
      %dma_wait3A_72 = arith.constant 0 : i32
      %dma_wait3A_73 = arith.constant 0 : i32
      %dma_wait3A_74 = tpu.memref_slice %arg8[%run_scoped3A, %dma_wait3A_72, %dma_wait3A_73] : memref<2x128x128xi32, #tpu.memory_space<vmem>> -> memref<1x128x128xi32, #tpu.memory_space<vmem>>
      %dma_wait3A_75 = tpu.memref_squeeze %dma_wait3A_74 : memref<1x128x128xi32, #tpu.memory_space<vmem>> -> memref<128x128xi32, #tpu.memory_space<vmem>>
      %dma_wait3A_76 = arith.constant 0 : i32
      %dma_wait3A_77 = tpu.memref_slice %arg5[%multiple_of3A, %dma_wait3A_76] : memref<20480x128xi32, #tpu.memory_space<hbm>> -> memref<128x128xi32, #tpu.memory_space<hbm>>
      %dma_wait3A_78 = arith.constant 0 : i32
      %dma_wait3A_79 = tpu.memref_slice %arg5[%multiple_of3A, %dma_wait3A_78] : memref<20480x128xi32, #tpu.memory_space<hbm>> -> memref<128x128xi32, #tpu.memory_space<hbm>>
      %dma_wait3A_80 = arith.constant 0 : i32
      %dma_wait3A_81 = arith.constant 0 : i32
      %dma_wait3A_82 = tpu.memref_slice %arg8[%run_scoped3A, %dma_wait3A_80, %dma_wait3A_81] : memref<2x128x128xi32, #tpu.memory_space<vmem>> -> memref<1x128x128xi32, #tpu.memory_space<vmem>>
      %dma_wait3A_83 = tpu.memref_squeeze %dma_wait3A_82 : memref<1x128x128xi32, #tpu.memory_space<vmem>> -> memref<128x128xi32, #tpu.memory_space<vmem>>
      tpu.wait_dma2 semaphore(%run_scoped3A_59 : memref<!tpu.dma_semaphore, #tpu.memory_space<semaphore_mem>>) src(%dma_wait3A_83 : memref<128x128xi32, #tpu.memory_space<vmem>>) dst(%dma_wait3A_79 : memref<128x128xi32, #tpu.memory_space<hbm>>)
      tpu.yield
    }) : () -> ()
    %run_scoped3A_58 = arith.constant 0 : i32
    "tpu.region"() ({
      %run_scoped3A_59 = tpu.sem_alloc : memref<!tpu.dma_semaphore, #tpu.memory_space<semaphore_mem>>
      %dma_start3A_60 = arith.constant 0 : i32
      %dma_start3A_61 = arith.constant 0 : i32
      %dma_start3A_62 = tpu.memref_slice %arg9[%run_scoped3A_58, %dma_start3A_60, %dma_start3A_61] : memref<2x128x128xf32, #tpu.memory_space<vmem>> -> memref<1x128x128xf32, #tpu.memory_space<vmem>>
      %dma_start3A_63 = tpu.memref_squeeze %dma_start3A_62 : memref<1x128x128xf32, #tpu.memory_space<vmem>> -> memref<128x128xf32, #tpu.memory_space<vmem>>
      %dma_start3A_64 = arith.constant 0 : i32
      %dma_start3A_65 = tpu.memref_slice %arg6[%multiple_of3A, %dma_start3A_64] : memref<20480x128xf32, #tpu.memory_space<hbm>> -> memref<128x128xf32, #tpu.memory_space<hbm>>
      %dma_start3A_66 = arith.constant 0 : i32
      %dma_start3A_67 = tpu.memref_slice %arg6[%multiple_of3A, %dma_start3A_66] : memref<20480x128xf32, #tpu.memory_space<hbm>> -> memref<128x128xf32, #tpu.memory_space<hbm>>
      %dma_start3A_68 = arith.constant 0 : i32
      %dma_start3A_69 = arith.constant 0 : i32
      %dma_start3A_70 = tpu.memref_slice %arg9[%run_scoped3A_58, %dma_start3A_68, %dma_start3A_69] : memref<2x128x128xf32, #tpu.memory_space<vmem>> -> memref<1x128x128xf32, #tpu.memory_space<vmem>>
      %dma_start3A_71 = tpu.memref_squeeze %dma_start3A_70 : memref<1x128x128xf32, #tpu.memory_space<vmem>> -> memref<128x128xf32, #tpu.memory_space<vmem>>
      tpu.enqueue_dma source(%dma_start3A_71 : memref<128x128xf32, #tpu.memory_space<vmem>>) target(%dma_start3A_67 : memref<128x128xf32, #tpu.memory_space<hbm>>) target_semaphore(%run_scoped3A_59 : memref<!tpu.dma_semaphore, #tpu.memory_space<semaphore_mem>>)
      %dma_wait3A_72 = arith.constant 0 : i32
      %dma_wait3A_73 = arith.constant 0 : i32
      %dma_wait3A_74 = tpu.memref_slice %arg9[%run_scoped3A_58, %dma_wait3A_72, %dma_wait3A_73] : memref<2x128x128xf32, #tpu.memory_space<vmem>> -> memref<1x128x128xf32, #tpu.memory_space<vmem>>
      %dma_wait3A_75 = tpu.memref_squeeze %dma_wait3A_74 : memref<1x128x128xf32, #tpu.memory_space<vmem>> -> memref<128x128xf32, #tpu.memory_space<vmem>>
      %dma_wait3A_76 = arith.constant 0 : i32
      %dma_wait3A_77 = tpu.memref_slice %arg6[%multiple_of3A, %dma_wait3A_76] : memref<20480x128xf32, #tpu.memory_space<hbm>> -> memref<128x128xf32, #tpu.memory_space<hbm>>
      %dma_wait3A_78 = arith.constant 0 : i32
      %dma_wait3A_79 = tpu.memref_slice %arg6[%multiple_of3A, %dma_wait3A_78] : memref<20480x128xf32, #tpu.memory_space<hbm>> -> memref<128x128xf32, #tpu.memory_space<hbm>>
      %dma_wait3A_80 = arith.constant 0 : i32
      %dma_wait3A_81 = arith.constant 0 : i32
      %dma_wait3A_82 = tpu.memref_slice %arg9[%run_scoped3A_58, %dma_wait3A_80, %dma_wait3A_81] : memref<2x128x128xf32, #tpu.memory_space<vmem>> -> memref<1x128x128xf32, #tpu.memory_space<vmem>>
      %dma_wait3A_83 = tpu.memref_squeeze %dma_wait3A_82 : memref<1x128x128xf32, #tpu.memory_space<vmem>> -> memref<128x128xf32, #tpu.memory_space<vmem>>
      tpu.wait_dma2 semaphore(%run_scoped3A_59 : memref<!tpu.dma_semaphore, #tpu.memory_space<semaphore_mem>>) src(%dma_wait3A_83 : memref<128x128xf32, #tpu.memory_space<vmem>>) dst(%dma_wait3A_79 : memref<128x128xf32, #tpu.memory_space<hbm>>)
      tpu.yield
    }) : () -> ()
    return
  }
}

module attributes {stable_mosaic.version = 14 : i64} {
  func.func @_attn_body(%arg0: i32, %arg1: memref<1x128xf32, #tpu.memory_space<vmem>>, %arg2: memref<256x128xf32, #tpu.memory_space<vmem>>, %arg3: memref<5120x128xf32, #tpu.memory_space<vmem>>, %arg4: memref<5120x1xf32, #tpu.memory_space<vmem>>, %arg5: memref<5120x1xf32, #tpu.memory_space<vmem>>, %arg6: memref<256x256xf32, #tpu.memory_space<vmem>>, %arg7: memref<256x256xf32, #tpu.memory_space<vmem>>, %arg8: memref<256x256xf32, #tpu.memory_space<vmem>>, %arg9: memref<256x256xf32, #tpu.memory_space<vmem>>, %arg10: memref<1x256xf32, #tpu.memory_space<vmem>>, %arg11: memref<1x256xf32, #tpu.memory_space<vmem>>, %arg12: memref<1x256xf32, #tpu.memory_space<vmem>>, %arg13: memref<1x256xf32, #tpu.memory_space<vmem>>, %arg14: memref<384x128xf32, #tpu.memory_space<vmem>>, %arg15: memref<1x128xf32, #tpu.memory_space<vmem>>, %arg16: memref<128x128xf32, #tpu.memory_space<vmem>>, %arg17: memref<1x128xf32, #tpu.memory_space<vmem>>, %arg18: memref<256x128xf32, #tpu.memory_space<vmem>>) attributes {dimension_semantics = [#tpu.dimension_semantics<arbitrary>], iteration_bounds = array<i64: 4>, scalar_prefetch = 0 : i64, scratch_operands = 0 : i64, tpu.core_type = #tpu.core_type<tc>, window_params = [{pipeline_mode = #tpu.pipeline_mode<synchronous>, transform_indices = @transform_0, window_bounds = array<i64: 1, 128>}, {transform_indices = @transform_1, window_bounds = array<i64: 256, 128>}, {transform_indices = @transform_2, window_bounds = array<i64: 5120, 128>}, {transform_indices = @transform_3, window_bounds = array<i64: 5120, 1>}, {transform_indices = @transform_4, window_bounds = array<i64: 5120, 1>}, {pipeline_mode = #tpu.pipeline_mode<synchronous>, transform_indices = @transform_5, window_bounds = array<i64: 256, 256>}, {pipeline_mode = #tpu.pipeline_mode<synchronous>, transform_indices = @transform_6, window_bounds = array<i64: 256, 256>}, {pipeline_mode = #tpu.pipeline_mode<synchronous>, transform_indices = @transform_7, window_bounds = array<i64: 256, 256>}, {pipeline_mode = #tpu.pipeline_mode<synchronous>, transform_indices = @transform_8, window_bounds = array<i64: 256, 256>}, {pipeline_mode = #tpu.pipeline_mode<synchronous>, transform_indices = @transform_9, window_bounds = array<i64: 1, 256>}, {pipeline_mode = #tpu.pipeline_mode<synchronous>, transform_indices = @transform_10, window_bounds = array<i64: 1, 256>}, {pipeline_mode = #tpu.pipeline_mode<synchronous>, transform_indices = @transform_11, window_bounds = array<i64: 1, 256>}, {pipeline_mode = #tpu.pipeline_mode<synchronous>, transform_indices = @transform_12, window_bounds = array<i64: 1, 256>}, {pipeline_mode = #tpu.pipeline_mode<synchronous>, transform_indices = @transform_13, window_bounds = array<i64: 384, 128>}, {pipeline_mode = #tpu.pipeline_mode<synchronous>, transform_indices = @transform_14, window_bounds = array<i64: 1, 128>}, {pipeline_mode = #tpu.pipeline_mode<synchronous>, transform_indices = @transform_15, window_bounds = array<i64: 128, 128>}, {pipeline_mode = #tpu.pipeline_mode<synchronous>, transform_indices = @transform_16, window_bounds = array<i64: 1, 128>}, {transform_indices = @transform_17, window_bounds = array<i64: 256, 128>}]} {
    %get3A = arith.constant 0 : index
    %get3A_0 = arith.constant 0 : index
    %get3A_1 = vector.load %arg2[%get3A, %get3A_0] : memref<256x128xf32, #tpu.memory_space<vmem>>, vector<256x128xf32>
    %get3A_2 = arith.constant 0 : index
    %get3A_3 = arith.constant 0 : index
    %get3A_4 = vector.load %arg3[%get3A_2, %get3A_3] : memref<5120x128xf32, #tpu.memory_space<vmem>>, vector<5120x128xf32>
    %get3A_5 = arith.constant 0 : index
    %get3A_6 = arith.constant 0 : index
    %get3A_7 = vector.load %arg6[%get3A_5, %get3A_6] : memref<256x256xf32, #tpu.memory_space<vmem>>, vector<256x256xf32>
    %get3A_8 = arith.constant 0 : index
    %get3A_9 = arith.constant 0 : index
    %get3A_10 = vector.load %arg7[%get3A_8, %get3A_9] : memref<256x256xf32, #tpu.memory_space<vmem>>, vector<256x256xf32>
    %get3A_11 = arith.constant 0 : index
    %get3A_12 = arith.constant 0 : index
    %get3A_13 = vector.load %arg8[%get3A_11, %get3A_12] : memref<256x256xf32, #tpu.memory_space<vmem>>, vector<256x256xf32>
    %get3A_14 = arith.constant 0 : index
    %get3A_15 = arith.constant 0 : index
    %get3A_16 = vector.load %arg1[%get3A_14, %get3A_15] : memref<1x128xf32, #tpu.memory_space<vmem>>, vector<1x128xf32>
    %slice3A = vector.extract_strided_slice %get3A_7 {offsets = [128, 0], sizes = [128, 256], strides = [1, 1]} : vector<256x256xf32> to vector<128x256xf32>
    %reduce_sum3A = arith.constant dense<0.000000e+00> : vector<256xf32>
    %reduce_sum3A_17 = vector.multi_reduction <add>, %slice3A, %reduce_sum3A [0] : vector<128x256xf32> to vector<256xf32>
    %broadcast_in_dim3A = vector.shape_cast %reduce_sum3A_17 : vector<256xf32> to vector<1x256xf32>
    %get3A_18 = arith.constant 0 : index
    %get3A_19 = arith.constant 0 : index
    %get3A_20 = vector.load %arg10[%get3A_18, %get3A_19] : memref<1x256xf32, #tpu.memory_space<vmem>>, vector<1x256xf32>
    %add3A = arith.addf %broadcast_in_dim3A, %get3A_20 : vector<1x256xf32>
    %slice3A_21 = vector.extract_strided_slice %get3A_7 {offsets = [0, 0], sizes = [128, 256], strides = [1, 1]} : vector<256x256xf32> to vector<128x256xf32>
    %dot_general3A = arith.constant dense<0.000000e+00> : vector<256x256xf32>
    %dot_general3A_22 = tpu.matmul %get3A_1, %slice3A_21, %dot_general3A {dimension_numbers = #tpu.dot_dimension_numbers<[1], [0], [0], [1], [0, 0, 1, 1], [], []>, transpose_lhs_hint = false} : vector<256x128xf32>, vector<128x256xf32>, vector<256x256xf32> -> vector<256x256xf32>
    %add3A_23 = vector.broadcast %add3A : vector<1x256xf32> to vector<256x256xf32>
    %add3A_24 = arith.addf %dot_general3A_22, %add3A_23 : vector<256x256xf32>
    %mul3A = arith.constant 0.159154937 : f32
    %mul3A_25 = vector.broadcast %mul3A : f32 to vector<1x128xf32>
    %mul3A_26 = arith.mulf %get3A_16, %mul3A_25 : vector<1x128xf32>
    %get3A_27 = arith.constant 0 : index
    %get3A_28 = arith.constant 0 : index
    %get3A_29 = vector.load %arg4[%get3A_27, %get3A_28] : memref<5120x1xf32, #tpu.memory_space<vmem>>, vector<5120x1xf32>
    %broadcast_in_dim3A_30 = vector.shape_cast %get3A_29 : vector<5120x1xf32> to vector<5120x1xf32>
    %broadcast_in_dim3A_31 = vector.broadcast %broadcast_in_dim3A_30 : vector<5120x1xf32> to vector<5120x128xf32>
    %mul3A_32 = vector.broadcast %mul3A_26 : vector<1x128xf32> to vector<5120x128xf32>
    %mul3A_33 = arith.mulf %broadcast_in_dim3A_31, %mul3A_32 : vector<5120x128xf32>
    %add3A_34 = arith.constant 5.000000e-01 : f32
    %add3A_35 = vector.broadcast %add3A_34 : f32 to vector<5120x128xf32>
    %add3A_36 = arith.addf %mul3A_33, %add3A_35 : vector<5120x128xf32>
    %floor3A = math.floor %add3A_36 : vector<5120x128xf32>
    %sub3A = arith.subf %mul3A_33, %floor3A : vector<5120x128xf32>
    %mul3A_37 = arith.mulf %sub3A, %sub3A : vector<5120x128xf32>
    %mul3A_38 = arith.constant -21.2832184 : f32
    %mul3A_39 = vector.broadcast %mul3A_38 : f32 to vector<5120x128xf32>
    %mul3A_40 = arith.mulf %mul3A_39, %mul3A_37 : vector<5120x128xf32>
    %add3A_41 = arith.constant 58.9126587 : f32
    %add3A_42 = vector.broadcast %add3A_41 : f32 to vector<5120x128xf32>
    %add3A_43 = arith.addf %mul3A_40, %add3A_42 : vector<5120x128xf32>
    %mul3A_44 = arith.mulf %add3A_43, %mul3A_37 : vector<5120x128xf32>
    %sub3A_45 = arith.constant 85.2959899 : f32
    %sub3A_46 = vector.broadcast %sub3A_45 : f32 to vector<5120x128xf32>
    %sub3A_47 = arith.subf %mul3A_44, %sub3A_46 : vector<5120x128xf32>
    %mul3A_48 = arith.mulf %sub3A_47, %mul3A_37 : vector<5120x128xf32>
    %add3A_49 = arith.constant 64.9306182 : f32
    %add3A_50 = vector.broadcast %add3A_49 : f32 to vector<5120x128xf32>
    %add3A_51 = arith.addf %mul3A_48, %add3A_50 : vector<5120x128xf32>
    %mul3A_52 = arith.mulf %add3A_51, %mul3A_37 : vector<5120x128xf32>
    %sub3A_53 = arith.constant 19.7390347 : f32
    %sub3A_54 = vector.broadcast %sub3A_53 : f32 to vector<5120x128xf32>
    %sub3A_55 = arith.subf %mul3A_52, %sub3A_54 : vector<5120x128xf32>
    %mul3A_56 = arith.mulf %sub3A_55, %mul3A_37 : vector<5120x128xf32>
    %add3A_57 = arith.constant 0.999999463 : f32
    %add3A_58 = vector.broadcast %add3A_57 : f32 to vector<5120x128xf32>
    %add3A_59 = arith.addf %mul3A_56, %add3A_58 : vector<5120x128xf32>
    %slice3A_60 = vector.extract_strided_slice %get3A_10 {offsets = [0, 0], sizes = [128, 256], strides = [1, 1]} : vector<256x256xf32> to vector<128x256xf32>
    %dot_general3A_61 = arith.constant dense<0.000000e+00> : vector<5120x256xf32>
    %dot_general3A_62 = tpu.matmul %get3A_4, %slice3A_60, %dot_general3A_61 {dimension_numbers = #tpu.dot_dimension_numbers<[1], [0], [0], [1], [0, 0, 1, 1], [], []>, transpose_lhs_hint = false} : vector<5120x128xf32>, vector<128x256xf32>, vector<5120x256xf32> -> vector<5120x256xf32>
    %slice3A_63 = vector.extract_strided_slice %get3A_10 {offsets = [128, 0], sizes = [128, 256], strides = [1, 1]} : vector<256x256xf32> to vector<128x256xf32>
    %dot_general3A_64 = arith.constant dense<0.000000e+00> : vector<5120x256xf32>
    %dot_general3A_65 = tpu.matmul %add3A_59, %slice3A_63, %dot_general3A_64 {dimension_numbers = #tpu.dot_dimension_numbers<[1], [0], [0], [1], [0, 0, 1, 1], [], []>, transpose_lhs_hint = false} : vector<5120x128xf32>, vector<128x256xf32>, vector<5120x256xf32> -> vector<5120x256xf32>
    %add3A_66 = arith.addf %dot_general3A_62, %dot_general3A_65 : vector<5120x256xf32>
    %get3A_67 = arith.constant 0 : index
    %get3A_68 = arith.constant 0 : index
    %get3A_69 = vector.load %arg11[%get3A_67, %get3A_68] : memref<1x256xf32, #tpu.memory_space<vmem>>, vector<1x256xf32>
    %add3A_70 = vector.broadcast %get3A_69 : vector<1x256xf32> to vector<5120x256xf32>
    %add3A_71 = arith.addf %add3A_66, %add3A_70 : vector<5120x256xf32>
    %slice3A_72 = vector.extract_strided_slice %get3A_13 {offsets = [0, 0], sizes = [128, 256], strides = [1, 1]} : vector<256x256xf32> to vector<128x256xf32>
    %dot_general3A_73 = arith.constant dense<0.000000e+00> : vector<5120x256xf32>
    %dot_general3A_74 = tpu.matmul %get3A_4, %slice3A_72, %dot_general3A_73 {dimension_numbers = #tpu.dot_dimension_numbers<[1], [0], [0], [1], [0, 0, 1, 1], [], []>, transpose_lhs_hint = false} : vector<5120x128xf32>, vector<128x256xf32>, vector<5120x256xf32> -> vector<5120x256xf32>
    %slice3A_75 = vector.extract_strided_slice %get3A_13 {offsets = [128, 0], sizes = [128, 256], strides = [1, 1]} : vector<256x256xf32> to vector<128x256xf32>
    %dot_general3A_76 = arith.constant dense<0.000000e+00> : vector<5120x256xf32>
    %dot_general3A_77 = tpu.matmul %add3A_59, %slice3A_75, %dot_general3A_76 {dimension_numbers = #tpu.dot_dimension_numbers<[1], [0], [0], [1], [0, 0, 1, 1], [], []>, transpose_lhs_hint = false} : vector<5120x128xf32>, vector<128x256xf32>, vector<5120x256xf32> -> vector<5120x256xf32>
    %add3A_78 = arith.addf %dot_general3A_74, %dot_general3A_77 : vector<5120x256xf32>
    %get3A_79 = arith.constant 0 : index
    %get3A_80 = arith.constant 0 : index
    %get3A_81 = vector.load %arg12[%get3A_79, %get3A_80] : memref<1x256xf32, #tpu.memory_space<vmem>>, vector<1x256xf32>
    %add3A_82 = vector.broadcast %get3A_81 : vector<1x256xf32> to vector<5120x256xf32>
    %add3A_83 = arith.addf %add3A_78, %add3A_82 : vector<5120x256xf32>
    %broadcast_in_dim3A_84 = vector.shape_cast %add3A_24 : vector<256x256xf32> to vector<256x1x256xf32>
    %broadcast_in_dim3A_85 = vector.shape_cast %broadcast_in_dim3A_84 : vector<256x1x256xf32> to vector<256x1x256xf32>
    %broadcast_in_dim3A_86 = vector.broadcast %broadcast_in_dim3A_85 : vector<256x1x256xf32> to vector<256x20x256xf32>
    %reshape3A = vector.shape_cast %broadcast_in_dim3A_86 : vector<256x20x256xf32> to vector<5120x256xf32>
    %iota3A = tpu.iota {dimensions = array<i32: 0>} : vector<256x4xi32>
    %iota3A_87 = tpu.iota {dimensions = array<i32: 1>} : vector<256x4xi32>
    %jit3A = arith.constant 64 : i32
    %div3A = vector.broadcast %jit3A : i32 to vector<256x4xi32>
    %div3A_88 = arith.divsi %iota3A, %div3A : vector<256x4xi32>
    %sign3A = arith.constant 0 : i32
    %sign3A_89 = vector.broadcast %sign3A : i32 to vector<256x4xi32>
    %sign3A_90 = arith.cmpi sgt, %iota3A, %sign3A_89 : vector<256x4xi32>
    %sign3A_91 = arith.extui %sign3A_90 : vector<256x4xi1> to vector<256x4xi32>
    %sign3A_92 = arith.constant 0 : i32
    %sign3A_93 = vector.broadcast %sign3A_92 : i32 to vector<256x4xi32>
    %sign3A_94 = arith.cmpi slt, %iota3A, %sign3A_93 : vector<256x4xi32>
    %sign3A_95 = arith.extui %sign3A_94 : vector<256x4xi1> to vector<256x4xi32>
    %sign3A_96 = arith.subi %sign3A_91, %sign3A_95 : vector<256x4xi32>
    %sign3A_97 = arith.constant 0 : i32
    %sign3A_98 = arith.cmpi sgt, %jit3A, %sign3A_97 : i32
    %sign3A_99 = arith.extui %sign3A_98 : i1 to i32
    %sign3A_100 = arith.constant 0 : i32
    %sign3A_101 = arith.cmpi slt, %jit3A, %sign3A_100 : i32
    %sign3A_102 = arith.extui %sign3A_101 : i1 to i32
    %sign3A_103 = arith.subi %sign3A_99, %sign3A_102 : i32
    %ne3A = vector.broadcast %sign3A_103 : i32 to vector<256x4xi32>
    %ne3A_104 = arith.cmpi ne, %sign3A_96, %ne3A : vector<256x4xi32>
    %rem3A = vector.broadcast %jit3A : i32 to vector<256x4xi32>
    %rem3A_105 = arith.remsi %iota3A, %rem3A : vector<256x4xi32>
    %ne3A_106 = arith.constant 0 : i32
    %ne3A_107 = vector.broadcast %ne3A_106 : i32 to vector<256x4xi32>
    %ne3A_108 = arith.cmpi ne, %rem3A_105, %ne3A_107 : vector<256x4xi32>
    %and3A = arith.andi %ne3A_104, %ne3A_108 : vector<256x4xi1>
    %sub3A_109 = arith.constant 1 : i32
    %sub3A_110 = vector.broadcast %sub3A_109 : i32 to vector<256x4xi32>
    %sub3A_111 = arith.subi %div3A_88, %sub3A_110 : vector<256x4xi32>
    %select_n3A = arith.select %and3A, %sub3A_111, %div3A_88 : vector<256x4xi1>, vector<256x4xi32>
    %eq3A = arith.cmpi eq, %select_n3A, %iota3A_87 : vector<256x4xi32>
    %convert_element_type3A = arith.extui %eq3A : vector<256x4xi1> to vector<256x4xi32>
    %convert_element_type3A_112 = arith.sitofp %convert_element_type3A : vector<256x4xi32> to vector<256x4xf32>
    %mul3A_113 = arith.mulf %reshape3A, %add3A_71 : vector<5120x256xf32>
    %dot_general3A_114 = arith.constant dense<0.000000e+00> : vector<5120x4xf32>
    %dot_general3A_115 = tpu.matmul %mul3A_113, %convert_element_type3A_112, %dot_general3A_114 {dimension_numbers = #tpu.dot_dimension_numbers<[1], [0], [0], [1], [0, 0, 1, 1], [], []>, transpose_lhs_hint = false} : vector<5120x256xf32>, vector<256x4xf32>, vector<5120x4xf32> -> vector<5120x4xf32>
    %mul3A_116 = arith.constant 1.250000e-01 : f32
    %mul3A_117 = vector.broadcast %mul3A_116 : f32 to vector<5120x4xf32>
    %mul3A_118 = arith.mulf %dot_general3A_115, %mul3A_117 : vector<5120x4xf32>
    %get3A_119 = arith.constant 0 : index
    %get3A_120 = arith.constant 0 : index
    %get3A_121 = vector.load %arg5[%get3A_119, %get3A_120] : memref<5120x1xf32, #tpu.memory_space<vmem>>, vector<5120x1xf32>
    %add3A_122 = vector.broadcast %get3A_121 : vector<5120x1xf32> to vector<5120x4xf32>
    %add3A_123 = arith.addf %mul3A_118, %add3A_122 : vector<5120x4xf32>
    %reshape3A_124 = vector.shape_cast %add3A_123 : vector<5120x4xf32> to vector<256x20x4xf32>
    %reduce_max3A = arith.constant dense<0xFF800000> : vector<256x4xf32>
    %reduce_max3A_125 = vector.multi_reduction <maximumf>, %reshape3A_124, %reduce_max3A [1] : vector<256x20x4xf32> to vector<256x4xf32>
    %broadcast_in_dim3A_126 = vector.shape_cast %reduce_max3A_125 : vector<256x4xf32> to vector<256x1x4xf32>
    %sub3A_127 = vector.broadcast %broadcast_in_dim3A_126 : vector<256x1x4xf32> to vector<256x20x4xf32>
    %sub3A_128 = arith.subf %reshape3A_124, %sub3A_127 : vector<256x20x4xf32>
    %exp3A = math.exp %sub3A_128 : vector<256x20x4xf32>
    %reduce_sum3A_129 = arith.constant dense<0.000000e+00> : vector<256x4xf32>
    %reduce_sum3A_130 = vector.multi_reduction <add>, %exp3A, %reduce_sum3A_129 [1] : vector<256x20x4xf32> to vector<256x4xf32>
    %broadcast_in_dim3A_131 = vector.shape_cast %reduce_sum3A_130 : vector<256x4xf32> to vector<256x1x4xf32>
    %div3A_132 = vector.broadcast %broadcast_in_dim3A_131 : vector<256x1x4xf32> to vector<256x20x4xf32>
    %div3A_133 = arith.divf %exp3A, %div3A_132 : vector<256x20x4xf32>
    %iota3A_134 = tpu.iota {dimensions = array<i32: 1>} : vector<4x256xi32>
    %jit3A_135 = arith.constant 64 : i32
    %div3A_136 = vector.broadcast %jit3A_135 : i32 to vector<4x256xi32>
    %div3A_137 = arith.divsi %iota3A_134, %div3A_136 : vector<4x256xi32>
    %sign3A_138 = arith.constant 0 : i32
    %sign3A_139 = vector.broadcast %sign3A_138 : i32 to vector<4x256xi32>
    %sign3A_140 = arith.cmpi sgt, %iota3A_134, %sign3A_139 : vector<4x256xi32>
    %sign3A_141 = arith.extui %sign3A_140 : vector<4x256xi1> to vector<4x256xi32>
    %sign3A_142 = arith.constant 0 : i32
    %sign3A_143 = vector.broadcast %sign3A_142 : i32 to vector<4x256xi32>
    %sign3A_144 = arith.cmpi slt, %iota3A_134, %sign3A_143 : vector<4x256xi32>
    %sign3A_145 = arith.extui %sign3A_144 : vector<4x256xi1> to vector<4x256xi32>
    %sign3A_146 = arith.subi %sign3A_141, %sign3A_145 : vector<4x256xi32>
    %sign3A_147 = arith.constant 0 : i32
    %sign3A_148 = arith.cmpi sgt, %jit3A_135, %sign3A_147 : i32
    %sign3A_149 = arith.extui %sign3A_148 : i1 to i32
    %sign3A_150 = arith.constant 0 : i32
    %sign3A_151 = arith.cmpi slt, %jit3A_135, %sign3A_150 : i32
    %sign3A_152 = arith.extui %sign3A_151 : i1 to i32
    %sign3A_153 = arith.subi %sign3A_149, %sign3A_152 : i32
    %ne3A_154 = vector.broadcast %sign3A_153 : i32 to vector<4x256xi32>
    %ne3A_155 = arith.cmpi ne, %sign3A_146, %ne3A_154 : vector<4x256xi32>
    %rem3A_156 = vector.broadcast %jit3A_135 : i32 to vector<4x256xi32>
    %rem3A_157 = arith.remsi %iota3A_134, %rem3A_156 : vector<4x256xi32>
    %ne3A_158 = arith.constant 0 : i32
    %ne3A_159 = vector.broadcast %ne3A_158 : i32 to vector<4x256xi32>
    %ne3A_160 = arith.cmpi ne, %rem3A_157, %ne3A_159 : vector<4x256xi32>
    %and3A_161 = arith.andi %ne3A_155, %ne3A_160 : vector<4x256xi1>
    %sub3A_162 = arith.constant 1 : i32
    %sub3A_163 = vector.broadcast %sub3A_162 : i32 to vector<4x256xi32>
    %sub3A_164 = arith.subi %div3A_137, %sub3A_163 : vector<4x256xi32>
    %select_n3A_165 = arith.select %and3A_161, %sub3A_164, %div3A_137 : vector<4x256xi1>, vector<4x256xi32>
    %iota3A_166 = tpu.iota {dimensions = array<i32: 0>} : vector<4x256xi32>
    %eq3A_167 = arith.cmpi eq, %select_n3A_165, %iota3A_166 : vector<4x256xi32>
    %convert_element_type3A_168 = arith.extui %eq3A_167 : vector<4x256xi1> to vector<4x256xi32>
    %convert_element_type3A_169 = arith.sitofp %convert_element_type3A_168 : vector<4x256xi32> to vector<4x256xf32>
    %reshape3A_170 = vector.shape_cast %div3A_133 : vector<256x20x4xf32> to vector<5120x4xf32>
    %dot_general3A_171 = arith.constant dense<0.000000e+00> : vector<5120x256xf32>
    %dot_general3A_172 = tpu.matmul %reshape3A_170, %convert_element_type3A_169, %dot_general3A_171 {dimension_numbers = #tpu.dot_dimension_numbers<[1], [0], [0], [1], [0, 0, 1, 1], [], []>, transpose_lhs_hint = false} : vector<5120x4xf32>, vector<4x256xf32>, vector<5120x256xf32> -> vector<5120x256xf32>
    %mul3A_173 = arith.mulf %dot_general3A_172, %add3A_83 : vector<5120x256xf32>
    %reshape3A_174 = vector.shape_cast %mul3A_173 : vector<5120x256xf32> to vector<256x20x256xf32>
    %reduce_sum3A_175 = arith.constant dense<0.000000e+00> : vector<256x256xf32>
    %reduce_sum3A_176 = vector.multi_reduction <add>, %reshape3A_174, %reduce_sum3A_175 [1] : vector<256x20x256xf32> to vector<256x256xf32>
    %get3A_177 = arith.constant 0 : index
    %get3A_178 = arith.constant 0 : index
    %get3A_179 = vector.load %arg9[%get3A_177, %get3A_178] : memref<256x256xf32, #tpu.memory_space<vmem>>, vector<256x256xf32>
    %dot_general3A_180 = arith.constant dense<0.000000e+00> : vector<256x256xf32>
    %dot_general3A_181 = tpu.matmul %reduce_sum3A_176, %get3A_179, %dot_general3A_180 {dimension_numbers = #tpu.dot_dimension_numbers<[1], [0], [0], [1], [0, 0, 1, 1], [], []>, transpose_lhs_hint = false} : vector<256x256xf32>, vector<256x256xf32>, vector<256x256xf32> -> vector<256x256xf32>
    %get3A_182 = arith.constant 0 : index
    %get3A_183 = arith.constant 0 : index
    %get3A_184 = vector.load %arg13[%get3A_182, %get3A_183] : memref<1x256xf32, #tpu.memory_space<vmem>>, vector<1x256xf32>
    %add3A_185 = vector.broadcast %get3A_184 : vector<1x256xf32> to vector<256x256xf32>
    %add3A_186 = arith.addf %dot_general3A_181, %add3A_185 : vector<256x256xf32>
    %get3A_187 = arith.constant 0 : index
    %get3A_188 = arith.constant 0 : index
    %get3A_189 = vector.load %arg14[%get3A_187, %get3A_188] : memref<384x128xf32, #tpu.memory_space<vmem>>, vector<384x128xf32>
    %slice3A_190 = vector.extract_strided_slice %get3A_189 {offsets = [0, 0], sizes = [256, 128], strides = [1, 1]} : vector<384x128xf32> to vector<256x128xf32>
    %dot_general3A_191 = arith.constant dense<0.000000e+00> : vector<256x128xf32>
    %dot_general3A_192 = tpu.matmul %add3A_186, %slice3A_190, %dot_general3A_191 {dimension_numbers = #tpu.dot_dimension_numbers<[1], [0], [0], [1], [0, 0, 1, 1], [], []>, transpose_lhs_hint = false} : vector<256x256xf32>, vector<256x128xf32>, vector<256x128xf32> -> vector<256x128xf32>
    %slice3A_193 = vector.extract_strided_slice %get3A_189 {offsets = [256, 0], sizes = [128, 128], strides = [1, 1]} : vector<384x128xf32> to vector<128x128xf32>
    %dot_general3A_194 = arith.constant dense<0.000000e+00> : vector<256x128xf32>
    %dot_general3A_195 = tpu.matmul %get3A_1, %slice3A_193, %dot_general3A_194 {dimension_numbers = #tpu.dot_dimension_numbers<[1], [0], [0], [1], [0, 0, 1, 1], [], []>, transpose_lhs_hint = false} : vector<256x128xf32>, vector<128x128xf32>, vector<256x128xf32> -> vector<256x128xf32>
    %add3A_196 = arith.addf %dot_general3A_192, %dot_general3A_195 : vector<256x128xf32>
    %get3A_197 = arith.constant 0 : index
    %get3A_198 = arith.constant 0 : index
    %get3A_199 = vector.load %arg15[%get3A_197, %get3A_198] : memref<1x128xf32, #tpu.memory_space<vmem>>, vector<1x128xf32>
    %add3A_200 = vector.broadcast %get3A_199 : vector<1x128xf32> to vector<256x128xf32>
    %add3A_201 = arith.addf %add3A_196, %add3A_200 : vector<256x128xf32>
    %max3A = arith.constant 0.000000e+00 : f32
    %max3A_202 = vector.broadcast %max3A : f32 to vector<256x128xf32>
    %max3A_203 = arith.maximumf %add3A_201, %max3A_202 : vector<256x128xf32>
    %get3A_204 = arith.constant 0 : index
    %get3A_205 = arith.constant 0 : index
    %get3A_206 = vector.load %arg16[%get3A_204, %get3A_205] : memref<128x128xf32, #tpu.memory_space<vmem>>, vector<128x128xf32>
    %dot_general3A_207 = arith.constant dense<0.000000e+00> : vector<256x128xf32>
    %dot_general3A_208 = tpu.matmul %max3A_203, %get3A_206, %dot_general3A_207 {dimension_numbers = #tpu.dot_dimension_numbers<[1], [0], [0], [1], [0, 0, 1, 1], [], []>, transpose_lhs_hint = false} : vector<256x128xf32>, vector<128x128xf32>, vector<256x128xf32> -> vector<256x128xf32>
    %get3A_209 = arith.constant 0 : index
    %get3A_210 = arith.constant 0 : index
    %get3A_211 = vector.load %arg17[%get3A_209, %get3A_210] : memref<1x128xf32, #tpu.memory_space<vmem>>, vector<1x128xf32>
    %add3A_212 = vector.broadcast %get3A_211 : vector<1x128xf32> to vector<256x128xf32>
    %add3A_213 = arith.addf %dot_general3A_208, %add3A_212 : vector<256x128xf32>
    %swap3A = arith.constant 0 : index
    %swap3A_214 = arith.constant 0 : index
    %swap3A_215 = vector.load %arg18[%swap3A, %swap3A_214] : memref<256x128xf32, #tpu.memory_space<vmem>>, vector<256x128xf32>
    tpu.vector_store %arg18[%swap3A, %swap3A_214], %add3A_213 {strides = array<i32>} : memref<256x128xf32, #tpu.memory_space<vmem>>, vector<256x128xf32>,
    return
  }
  func.func @transform_0(%arg0: i32) -> (i32, i32) {
    %c0_i32 = arith.constant 0 : i32
    %c0_i32_0 = arith.constant 0 : i32
    %c0_i32_1 = arith.constant 0 : i32
    return %c0_i32, %c0_i32_0 : i32, i32
  }
  func.func @transform_1(%arg0: i32) -> (i32, i32) {
    %c0_i32 = arith.constant 0 : i32
    %c0_i32_0 = arith.constant 0 : i32
    return %arg0, %c0_i32 : i32, i32
  }
  func.func @transform_2(%arg0: i32) -> (i32, i32) {
    %c0_i32 = arith.constant 0 : i32
    %c0_i32_0 = arith.constant 0 : i32
    return %arg0, %c0_i32 : i32, i32
  }
  func.func @transform_3(%arg0: i32) -> (i32, i32) {
    %c0_i32 = arith.constant 0 : i32
    %c0_i32_0 = arith.constant 0 : i32
    return %arg0, %c0_i32 : i32, i32
  }
  func.func @transform_4(%arg0: i32) -> (i32, i32) {
    %c0_i32 = arith.constant 0 : i32
    %c0_i32_0 = arith.constant 0 : i32
    return %arg0, %c0_i32 : i32, i32
  }
  func.func @transform_5(%arg0: i32) -> (i32, i32) {
    %c0_i32 = arith.constant 0 : i32
    %c0_i32_0 = arith.constant 0 : i32
    %c0_i32_1 = arith.constant 0 : i32
    return %c0_i32, %c0_i32_0 : i32, i32
  }
  func.func @transform_6(%arg0: i32) -> (i32, i32) {
    %c0_i32 = arith.constant 0 : i32
    %c0_i32_0 = arith.constant 0 : i32
    %c0_i32_1 = arith.constant 0 : i32
    return %c0_i32, %c0_i32_0 : i32, i32
  }
  func.func @transform_7(%arg0: i32) -> (i32, i32) {
    %c0_i32 = arith.constant 0 : i32
    %c0_i32_0 = arith.constant 0 : i32
    %c0_i32_1 = arith.constant 0 : i32
    return %c0_i32, %c0_i32_0 : i32, i32
  }
  func.func @transform_8(%arg0: i32) -> (i32, i32) {
    %c0_i32 = arith.constant 0 : i32
    %c0_i32_0 = arith.constant 0 : i32
    %c0_i32_1 = arith.constant 0 : i32
    return %c0_i32, %c0_i32_0 : i32, i32
  }
  func.func @transform_9(%arg0: i32) -> (i32, i32) {
    %c0_i32 = arith.constant 0 : i32
    %c0_i32_0 = arith.constant 0 : i32
    %c0_i32_1 = arith.constant 0 : i32
    return %c0_i32, %c0_i32_0 : i32, i32
  }
  func.func @transform_10(%arg0: i32) -> (i32, i32) {
    %c0_i32 = arith.constant 0 : i32
    %c0_i32_0 = arith.constant 0 : i32
    %c0_i32_1 = arith.constant 0 : i32
    return %c0_i32, %c0_i32_0 : i32, i32
  }
  func.func @transform_11(%arg0: i32) -> (i32, i32) {
    %c0_i32 = arith.constant 0 : i32
    %c0_i32_0 = arith.constant 0 : i32
    %c0_i32_1 = arith.constant 0 : i32
    return %c0_i32, %c0_i32_0 : i32, i32
  }
  func.func @transform_12(%arg0: i32) -> (i32, i32) {
    %c0_i32 = arith.constant 0 : i32
    %c0_i32_0 = arith.constant 0 : i32
    %c0_i32_1 = arith.constant 0 : i32
    return %c0_i32, %c0_i32_0 : i32, i32
  }
  func.func @transform_13(%arg0: i32) -> (i32, i32) {
    %c0_i32 = arith.constant 0 : i32
    %c0_i32_0 = arith.constant 0 : i32
    %c0_i32_1 = arith.constant 0 : i32
    return %c0_i32, %c0_i32_0 : i32, i32
  }
  func.func @transform_14(%arg0: i32) -> (i32, i32) {
    %c0_i32 = arith.constant 0 : i32
    %c0_i32_0 = arith.constant 0 : i32
    %c0_i32_1 = arith.constant 0 : i32
    return %c0_i32, %c0_i32_0 : i32, i32
  }
  func.func @transform_15(%arg0: i32) -> (i32, i32) {
    %c0_i32 = arith.constant 0 : i32
    %c0_i32_0 = arith.constant 0 : i32
    %c0_i32_1 = arith.constant 0 : i32
    return %c0_i32, %c0_i32_0 : i32, i32
  }
  func.func @transform_16(%arg0: i32) -> (i32, i32) {
    %c0_i32 = arith.constant 0 : i32
    %c0_i32_0 = arith.constant 0 : i32
    %c0_i32_1 = arith.constant 0 : i32
    return %c0_i32, %c0_i32_0 : i32, i32
  }
  func.func @transform_17(%arg0: i32) -> (i32, i32) {
    %c0_i32 = arith.constant 0 : i32
    %c0_i32_0 = arith.constant 0 : i32
    return %arg0, %c0_i32 : i32, i32
  }
}

module attributes {stable_mosaic.version = 14 : i64} {
  func.func @_attn_body(%arg0: i32, %arg1: memref<1x128xf32, #tpu.memory_space<vmem>>, %arg2: memref<256x128xf32, #tpu.memory_space<vmem>>, %arg3: memref<5120x128xf32, #tpu.memory_space<vmem>>, %arg4: memref<5120x1xf32, #tpu.memory_space<vmem>>, %arg5: memref<5120x1xf32, #tpu.memory_space<vmem>>, %arg6: memref<256x256xf32, #tpu.memory_space<vmem>>, %arg7: memref<256x256xf32, #tpu.memory_space<vmem>>, %arg8: memref<256x256xf32, #tpu.memory_space<vmem>>, %arg9: memref<256x256xf32, #tpu.memory_space<vmem>>, %arg10: memref<1x256xf32, #tpu.memory_space<vmem>>, %arg11: memref<1x256xf32, #tpu.memory_space<vmem>>, %arg12: memref<1x256xf32, #tpu.memory_space<vmem>>, %arg13: memref<1x256xf32, #tpu.memory_space<vmem>>, %arg14: memref<384x128xf32, #tpu.memory_space<vmem>>, %arg15: memref<1x128xf32, #tpu.memory_space<vmem>>, %arg16: memref<128x128xf32, #tpu.memory_space<vmem>>, %arg17: memref<1x128xf32, #tpu.memory_space<vmem>>, %arg18: memref<256x128xf32, #tpu.memory_space<vmem>>) attributes {dimension_semantics = [#tpu.dimension_semantics<arbitrary>], iteration_bounds = array<i64: 40>, scalar_prefetch = 0 : i64, scratch_operands = 0 : i64, tpu.core_type = #tpu.core_type<tc>, window_params = [{pipeline_mode = #tpu.pipeline_mode<synchronous>, transform_indices = @transform_0, window_bounds = array<i64: 1, 128>}, {transform_indices = @transform_1, window_bounds = array<i64: 256, 128>}, {transform_indices = @transform_2, window_bounds = array<i64: 5120, 128>}, {transform_indices = @transform_3, window_bounds = array<i64: 5120, 1>}, {transform_indices = @transform_4, window_bounds = array<i64: 5120, 1>}, {pipeline_mode = #tpu.pipeline_mode<synchronous>, transform_indices = @transform_5, window_bounds = array<i64: 256, 256>}, {pipeline_mode = #tpu.pipeline_mode<synchronous>, transform_indices = @transform_6, window_bounds = array<i64: 256, 256>}, {pipeline_mode = #tpu.pipeline_mode<synchronous>, transform_indices = @transform_7, window_bounds = array<i64: 256, 256>}, {pipeline_mode = #tpu.pipeline_mode<synchronous>, transform_indices = @transform_8, window_bounds = array<i64: 256, 256>}, {pipeline_mode = #tpu.pipeline_mode<synchronous>, transform_indices = @transform_9, window_bounds = array<i64: 1, 256>}, {pipeline_mode = #tpu.pipeline_mode<synchronous>, transform_indices = @transform_10, window_bounds = array<i64: 1, 256>}, {pipeline_mode = #tpu.pipeline_mode<synchronous>, transform_indices = @transform_11, window_bounds = array<i64: 1, 256>}, {pipeline_mode = #tpu.pipeline_mode<synchronous>, transform_indices = @transform_12, window_bounds = array<i64: 1, 256>}, {pipeline_mode = #tpu.pipeline_mode<synchronous>, transform_indices = @transform_13, window_bounds = array<i64: 384, 128>}, {pipeline_mode = #tpu.pipeline_mode<synchronous>, transform_indices = @transform_14, window_bounds = array<i64: 1, 128>}, {pipeline_mode = #tpu.pipeline_mode<synchronous>, transform_indices = @transform_15, window_bounds = array<i64: 128, 128>}, {pipeline_mode = #tpu.pipeline_mode<synchronous>, transform_indices = @transform_16, window_bounds = array<i64: 1, 128>}, {transform_indices = @transform_17, window_bounds = array<i64: 256, 128>}]} {
    %get3A = arith.constant 0 : index
    %get3A_0 = arith.constant 0 : index
    %get3A_1 = vector.load %arg2[%get3A, %get3A_0] : memref<256x128xf32, #tpu.memory_space<vmem>>, vector<256x128xf32>
    %get3A_2 = arith.constant 0 : index
    %get3A_3 = arith.constant 0 : index
    %get3A_4 = vector.load %arg3[%get3A_2, %get3A_3] : memref<5120x128xf32, #tpu.memory_space<vmem>>, vector<5120x128xf32>
    %get3A_5 = arith.constant 0 : index
    %get3A_6 = arith.constant 0 : index
    %get3A_7 = vector.load %arg6[%get3A_5, %get3A_6] : memref<256x256xf32, #tpu.memory_space<vmem>>, vector<256x256xf32>
    %get3A_8 = arith.constant 0 : index
    %get3A_9 = arith.constant 0 : index
    %get3A_10 = vector.load %arg7[%get3A_8, %get3A_9] : memref<256x256xf32, #tpu.memory_space<vmem>>, vector<256x256xf32>
    %get3A_11 = arith.constant 0 : index
    %get3A_12 = arith.constant 0 : index
    %get3A_13 = vector.load %arg8[%get3A_11, %get3A_12] : memref<256x256xf32, #tpu.memory_space<vmem>>, vector<256x256xf32>
    %get3A_14 = arith.constant 0 : index
    %get3A_15 = arith.constant 0 : index
    %get3A_16 = vector.load %arg1[%get3A_14, %get3A_15] : memref<1x128xf32, #tpu.memory_space<vmem>>, vector<1x128xf32>
    %slice3A = vector.extract_strided_slice %get3A_7 {offsets = [128, 0], sizes = [128, 256], strides = [1, 1]} : vector<256x256xf32> to vector<128x256xf32>
    %reduce_sum3A = arith.constant dense<0.000000e+00> : vector<256xf32>
    %reduce_sum3A_17 = vector.multi_reduction <add>, %slice3A, %reduce_sum3A [0] : vector<128x256xf32> to vector<256xf32>
    %broadcast_in_dim3A = vector.shape_cast %reduce_sum3A_17 : vector<256xf32> to vector<1x256xf32>
    %get3A_18 = arith.constant 0 : index
    %get3A_19 = arith.constant 0 : index
    %get3A_20 = vector.load %arg10[%get3A_18, %get3A_19] : memref<1x256xf32, #tpu.memory_space<vmem>>, vector<1x256xf32>
    %add3A = arith.addf %broadcast_in_dim3A, %get3A_20 : vector<1x256xf32>
    %slice3A_21 = vector.extract_strided_slice %get3A_7 {offsets = [0, 0], sizes = [128, 256], strides = [1, 1]} : vector<256x256xf32> to vector<128x256xf32>
    %dot_general3A = arith.constant dense<0.000000e+00> : vector<256x256xf32>
    %dot_general3A_22 = tpu.matmul %get3A_1, %slice3A_21, %dot_general3A {dimension_numbers = #tpu.dot_dimension_numbers<[1], [0], [0], [1], [0, 0, 1, 1], [], []>, transpose_lhs_hint = false} : vector<256x128xf32>, vector<128x256xf32>, vector<256x256xf32> -> vector<256x256xf32>
    %add3A_23 = vector.broadcast %add3A : vector<1x256xf32> to vector<256x256xf32>
    %add3A_24 = arith.addf %dot_general3A_22, %add3A_23 : vector<256x256xf32>
    %mul3A = arith.constant 0.159154937 : f32
    %mul3A_25 = vector.broadcast %mul3A : f32 to vector<1x128xf32>
    %mul3A_26 = arith.mulf %get3A_16, %mul3A_25 : vector<1x128xf32>
    %get3A_27 = arith.constant 0 : index
    %get3A_28 = arith.constant 0 : index
    %get3A_29 = vector.load %arg4[%get3A_27, %get3A_28] : memref<5120x1xf32, #tpu.memory_space<vmem>>, vector<5120x1xf32>
    %broadcast_in_dim3A_30 = vector.shape_cast %get3A_29 : vector<5120x1xf32> to vector<5120x1xf32>
    %broadcast_in_dim3A_31 = vector.broadcast %broadcast_in_dim3A_30 : vector<5120x1xf32> to vector<5120x128xf32>
    %mul3A_32 = vector.broadcast %mul3A_26 : vector<1x128xf32> to vector<5120x128xf32>
    %mul3A_33 = arith.mulf %broadcast_in_dim3A_31, %mul3A_32 : vector<5120x128xf32>
    %add3A_34 = arith.constant 5.000000e-01 : f32
    %add3A_35 = vector.broadcast %add3A_34 : f32 to vector<5120x128xf32>
    %add3A_36 = arith.addf %mul3A_33, %add3A_35 : vector<5120x128xf32>
    %floor3A = math.floor %add3A_36 : vector<5120x128xf32>
    %sub3A = arith.subf %mul3A_33, %floor3A : vector<5120x128xf32>
    %mul3A_37 = arith.mulf %sub3A, %sub3A : vector<5120x128xf32>
    %mul3A_38 = arith.constant -21.2832184 : f32
    %mul3A_39 = vector.broadcast %mul3A_38 : f32 to vector<5120x128xf32>
    %mul3A_40 = arith.mulf %mul3A_39, %mul3A_37 : vector<5120x128xf32>
    %add3A_41 = arith.constant 58.9126587 : f32
    %add3A_42 = vector.broadcast %add3A_41 : f32 to vector<5120x128xf32>
    %add3A_43 = arith.addf %mul3A_40, %add3A_42 : vector<5120x128xf32>
    %mul3A_44 = arith.mulf %add3A_43, %mul3A_37 : vector<5120x128xf32>
    %sub3A_45 = arith.constant 85.2959899 : f32
    %sub3A_46 = vector.broadcast %sub3A_45 : f32 to vector<5120x128xf32>
    %sub3A_47 = arith.subf %mul3A_44, %sub3A_46 : vector<5120x128xf32>
    %mul3A_48 = arith.mulf %sub3A_47, %mul3A_37 : vector<5120x128xf32>
    %add3A_49 = arith.constant 64.9306182 : f32
    %add3A_50 = vector.broadcast %add3A_49 : f32 to vector<5120x128xf32>
    %add3A_51 = arith.addf %mul3A_48, %add3A_50 : vector<5120x128xf32>
    %mul3A_52 = arith.mulf %add3A_51, %mul3A_37 : vector<5120x128xf32>
    %sub3A_53 = arith.constant 19.7390347 : f32
    %sub3A_54 = vector.broadcast %sub3A_53 : f32 to vector<5120x128xf32>
    %sub3A_55 = arith.subf %mul3A_52, %sub3A_54 : vector<5120x128xf32>
    %mul3A_56 = arith.mulf %sub3A_55, %mul3A_37 : vector<5120x128xf32>
    %add3A_57 = arith.constant 0.999999463 : f32
    %add3A_58 = vector.broadcast %add3A_57 : f32 to vector<5120x128xf32>
    %add3A_59 = arith.addf %mul3A_56, %add3A_58 : vector<5120x128xf32>
    %slice3A_60 = vector.extract_strided_slice %get3A_10 {offsets = [0, 0], sizes = [128, 256], strides = [1, 1]} : vector<256x256xf32> to vector<128x256xf32>
    %dot_general3A_61 = arith.constant dense<0.000000e+00> : vector<5120x256xf32>
    %dot_general3A_62 = tpu.matmul %get3A_4, %slice3A_60, %dot_general3A_61 {dimension_numbers = #tpu.dot_dimension_numbers<[1], [0], [0], [1], [0, 0, 1, 1], [], []>, transpose_lhs_hint = false} : vector<5120x128xf32>, vector<128x256xf32>, vector<5120x256xf32> -> vector<5120x256xf32>
    %slice3A_63 = vector.extract_strided_slice %get3A_10 {offsets = [128, 0], sizes = [128, 256], strides = [1, 1]} : vector<256x256xf32> to vector<128x256xf32>
    %dot_general3A_64 = arith.constant dense<0.000000e+00> : vector<5120x256xf32>
    %dot_general3A_65 = tpu.matmul %add3A_59, %slice3A_63, %dot_general3A_64 {dimension_numbers = #tpu.dot_dimension_numbers<[1], [0], [0], [1], [0, 0, 1, 1], [], []>, transpose_lhs_hint = false} : vector<5120x128xf32>, vector<128x256xf32>, vector<5120x256xf32> -> vector<5120x256xf32>
    %add3A_66 = arith.addf %dot_general3A_62, %dot_general3A_65 : vector<5120x256xf32>
    %get3A_67 = arith.constant 0 : index
    %get3A_68 = arith.constant 0 : index
    %get3A_69 = vector.load %arg11[%get3A_67, %get3A_68] : memref<1x256xf32, #tpu.memory_space<vmem>>, vector<1x256xf32>
    %add3A_70 = vector.broadcast %get3A_69 : vector<1x256xf32> to vector<5120x256xf32>
    %add3A_71 = arith.addf %add3A_66, %add3A_70 : vector<5120x256xf32>
    %slice3A_72 = vector.extract_strided_slice %get3A_13 {offsets = [0, 0], sizes = [128, 256], strides = [1, 1]} : vector<256x256xf32> to vector<128x256xf32>
    %dot_general3A_73 = arith.constant dense<0.000000e+00> : vector<5120x256xf32>
    %dot_general3A_74 = tpu.matmul %get3A_4, %slice3A_72, %dot_general3A_73 {dimension_numbers = #tpu.dot_dimension_numbers<[1], [0], [0], [1], [0, 0, 1, 1], [], []>, transpose_lhs_hint = false} : vector<5120x128xf32>, vector<128x256xf32>, vector<5120x256xf32> -> vector<5120x256xf32>
    %slice3A_75 = vector.extract_strided_slice %get3A_13 {offsets = [128, 0], sizes = [128, 256], strides = [1, 1]} : vector<256x256xf32> to vector<128x256xf32>
    %dot_general3A_76 = arith.constant dense<0.000000e+00> : vector<5120x256xf32>
    %dot_general3A_77 = tpu.matmul %add3A_59, %slice3A_75, %dot_general3A_76 {dimension_numbers = #tpu.dot_dimension_numbers<[1], [0], [0], [1], [0, 0, 1, 1], [], []>, transpose_lhs_hint = false} : vector<5120x128xf32>, vector<128x256xf32>, vector<5120x256xf32> -> vector<5120x256xf32>
    %add3A_78 = arith.addf %dot_general3A_74, %dot_general3A_77 : vector<5120x256xf32>
    %get3A_79 = arith.constant 0 : index
    %get3A_80 = arith.constant 0 : index
    %get3A_81 = vector.load %arg12[%get3A_79, %get3A_80] : memref<1x256xf32, #tpu.memory_space<vmem>>, vector<1x256xf32>
    %add3A_82 = vector.broadcast %get3A_81 : vector<1x256xf32> to vector<5120x256xf32>
    %add3A_83 = arith.addf %add3A_78, %add3A_82 : vector<5120x256xf32>
    %broadcast_in_dim3A_84 = vector.shape_cast %add3A_24 : vector<256x256xf32> to vector<256x1x256xf32>
    %broadcast_in_dim3A_85 = vector.shape_cast %broadcast_in_dim3A_84 : vector<256x1x256xf32> to vector<256x1x256xf32>
    %broadcast_in_dim3A_86 = vector.broadcast %broadcast_in_dim3A_85 : vector<256x1x256xf32> to vector<256x20x256xf32>
    %reshape3A = vector.shape_cast %broadcast_in_dim3A_86 : vector<256x20x256xf32> to vector<5120x256xf32>
    %iota3A = tpu.iota {dimensions = array<i32: 0>} : vector<256x4xi32>
    %iota3A_87 = tpu.iota {dimensions = array<i32: 1>} : vector<256x4xi32>
    %jit3A = arith.constant 64 : i32
    %div3A = vector.broadcast %jit3A : i32 to vector<256x4xi32>
    %div3A_88 = arith.divsi %iota3A, %div3A : vector<256x4xi32>
    %sign3A = arith.constant 0 : i32
    %sign3A_89 = vector.broadcast %sign3A : i32 to vector<256x4xi32>
    %sign3A_90 = arith.cmpi sgt, %iota3A, %sign3A_89 : vector<256x4xi32>
    %sign3A_91 = arith.extui %sign3A_90 : vector<256x4xi1> to vector<256x4xi32>
    %sign3A_92 = arith.constant 0 : i32
    %sign3A_93 = vector.broadcast %sign3A_92 : i32 to vector<256x4xi32>
    %sign3A_94 = arith.cmpi slt, %iota3A, %sign3A_93 : vector<256x4xi32>
    %sign3A_95 = arith.extui %sign3A_94 : vector<256x4xi1> to vector<256x4xi32>
    %sign3A_96 = arith.subi %sign3A_91, %sign3A_95 : vector<256x4xi32>
    %sign3A_97 = arith.constant 0 : i32
    %sign3A_98 = arith.cmpi sgt, %jit3A, %sign3A_97 : i32
    %sign3A_99 = arith.extui %sign3A_98 : i1 to i32
    %sign3A_100 = arith.constant 0 : i32
    %sign3A_101 = arith.cmpi slt, %jit3A, %sign3A_100 : i32
    %sign3A_102 = arith.extui %sign3A_101 : i1 to i32
    %sign3A_103 = arith.subi %sign3A_99, %sign3A_102 : i32
    %ne3A = vector.broadcast %sign3A_103 : i32 to vector<256x4xi32>
    %ne3A_104 = arith.cmpi ne, %sign3A_96, %ne3A : vector<256x4xi32>
    %rem3A = vector.broadcast %jit3A : i32 to vector<256x4xi32>
    %rem3A_105 = arith.remsi %iota3A, %rem3A : vector<256x4xi32>
    %ne3A_106 = arith.constant 0 : i32
    %ne3A_107 = vector.broadcast %ne3A_106 : i32 to vector<256x4xi32>
    %ne3A_108 = arith.cmpi ne, %rem3A_105, %ne3A_107 : vector<256x4xi32>
    %and3A = arith.andi %ne3A_104, %ne3A_108 : vector<256x4xi1>
    %sub3A_109 = arith.constant 1 : i32
    %sub3A_110 = vector.broadcast %sub3A_109 : i32 to vector<256x4xi32>
    %sub3A_111 = arith.subi %div3A_88, %sub3A_110 : vector<256x4xi32>
    %select_n3A = arith.select %and3A, %sub3A_111, %div3A_88 : vector<256x4xi1>, vector<256x4xi32>
    %eq3A = arith.cmpi eq, %select_n3A, %iota3A_87 : vector<256x4xi32>
    %convert_element_type3A = arith.extui %eq3A : vector<256x4xi1> to vector<256x4xi32>
    %convert_element_type3A_112 = arith.sitofp %convert_element_type3A : vector<256x4xi32> to vector<256x4xf32>
    %mul3A_113 = arith.mulf %reshape3A, %add3A_71 : vector<5120x256xf32>
    %dot_general3A_114 = arith.constant dense<0.000000e+00> : vector<5120x4xf32>
    %dot_general3A_115 = tpu.matmul %mul3A_113, %convert_element_type3A_112, %dot_general3A_114 {dimension_numbers = #tpu.dot_dimension_numbers<[1], [0], [0], [1], [0, 0, 1, 1], [], []>, transpose_lhs_hint = false} : vector<5120x256xf32>, vector<256x4xf32>, vector<5120x4xf32> -> vector<5120x4xf32>
    %mul3A_116 = arith.constant 1.250000e-01 : f32
    %mul3A_117 = vector.broadcast %mul3A_116 : f32 to vector<5120x4xf32>
    %mul3A_118 = arith.mulf %dot_general3A_115, %mul3A_117 : vector<5120x4xf32>
    %get3A_119 = arith.constant 0 : index
    %get3A_120 = arith.constant 0 : index
    %get3A_121 = vector.load %arg5[%get3A_119, %get3A_120] : memref<5120x1xf32, #tpu.memory_space<vmem>>, vector<5120x1xf32>
    %add3A_122 = vector.broadcast %get3A_121 : vector<5120x1xf32> to vector<5120x4xf32>
    %add3A_123 = arith.addf %mul3A_118, %add3A_122 : vector<5120x4xf32>
    %reshape3A_124 = vector.shape_cast %add3A_123 : vector<5120x4xf32> to vector<256x20x4xf32>
    %reduce_max3A = arith.constant dense<0xFF800000> : vector<256x4xf32>
    %reduce_max3A_125 = vector.multi_reduction <maximumf>, %reshape3A_124, %reduce_max3A [1] : vector<256x20x4xf32> to vector<256x4xf32>
    %broadcast_in_dim3A_126 = vector.shape_cast %reduce_max3A_125 : vector<256x4xf32> to vector<256x1x4xf32>
    %sub3A_127 = vector.broadcast %broadcast_in_dim3A_126 : vector<256x1x4xf32> to vector<256x20x4xf32>
    %sub3A_128 = arith.subf %reshape3A_124, %sub3A_127 : vector<256x20x4xf32>
    %exp3A = math.exp %sub3A_128 : vector<256x20x4xf32>
    %reduce_sum3A_129 = arith.constant dense<0.000000e+00> : vector<256x4xf32>
    %reduce_sum3A_130 = vector.multi_reduction <add>, %exp3A, %reduce_sum3A_129 [1] : vector<256x20x4xf32> to vector<256x4xf32>
    %broadcast_in_dim3A_131 = vector.shape_cast %reduce_sum3A_130 : vector<256x4xf32> to vector<256x1x4xf32>
    %div3A_132 = vector.broadcast %broadcast_in_dim3A_131 : vector<256x1x4xf32> to vector<256x20x4xf32>
    %div3A_133 = arith.divf %exp3A, %div3A_132 : vector<256x20x4xf32>
    %iota3A_134 = tpu.iota {dimensions = array<i32: 1>} : vector<4x256xi32>
    %jit3A_135 = arith.constant 64 : i32
    %div3A_136 = vector.broadcast %jit3A_135 : i32 to vector<4x256xi32>
    %div3A_137 = arith.divsi %iota3A_134, %div3A_136 : vector<4x256xi32>
    %sign3A_138 = arith.constant 0 : i32
    %sign3A_139 = vector.broadcast %sign3A_138 : i32 to vector<4x256xi32>
    %sign3A_140 = arith.cmpi sgt, %iota3A_134, %sign3A_139 : vector<4x256xi32>
    %sign3A_141 = arith.extui %sign3A_140 : vector<4x256xi1> to vector<4x256xi32>
    %sign3A_142 = arith.constant 0 : i32
    %sign3A_143 = vector.broadcast %sign3A_142 : i32 to vector<4x256xi32>
    %sign3A_144 = arith.cmpi slt, %iota3A_134, %sign3A_143 : vector<4x256xi32>
    %sign3A_145 = arith.extui %sign3A_144 : vector<4x256xi1> to vector<4x256xi32>
    %sign3A_146 = arith.subi %sign3A_141, %sign3A_145 : vector<4x256xi32>
    %sign3A_147 = arith.constant 0 : i32
    %sign3A_148 = arith.cmpi sgt, %jit3A_135, %sign3A_147 : i32
    %sign3A_149 = arith.extui %sign3A_148 : i1 to i32
    %sign3A_150 = arith.constant 0 : i32
    %sign3A_151 = arith.cmpi slt, %jit3A_135, %sign3A_150 : i32
    %sign3A_152 = arith.extui %sign3A_151 : i1 to i32
    %sign3A_153 = arith.subi %sign3A_149, %sign3A_152 : i32
    %ne3A_154 = vector.broadcast %sign3A_153 : i32 to vector<4x256xi32>
    %ne3A_155 = arith.cmpi ne, %sign3A_146, %ne3A_154 : vector<4x256xi32>
    %rem3A_156 = vector.broadcast %jit3A_135 : i32 to vector<4x256xi32>
    %rem3A_157 = arith.remsi %iota3A_134, %rem3A_156 : vector<4x256xi32>
    %ne3A_158 = arith.constant 0 : i32
    %ne3A_159 = vector.broadcast %ne3A_158 : i32 to vector<4x256xi32>
    %ne3A_160 = arith.cmpi ne, %rem3A_157, %ne3A_159 : vector<4x256xi32>
    %and3A_161 = arith.andi %ne3A_155, %ne3A_160 : vector<4x256xi1>
    %sub3A_162 = arith.constant 1 : i32
    %sub3A_163 = vector.broadcast %sub3A_162 : i32 to vector<4x256xi32>
    %sub3A_164 = arith.subi %div3A_137, %sub3A_163 : vector<4x256xi32>
    %select_n3A_165 = arith.select %and3A_161, %sub3A_164, %div3A_137 : vector<4x256xi1>, vector<4x256xi32>
    %iota3A_166 = tpu.iota {dimensions = array<i32: 0>} : vector<4x256xi32>
    %eq3A_167 = arith.cmpi eq, %select_n3A_165, %iota3A_166 : vector<4x256xi32>
    %convert_element_type3A_168 = arith.extui %eq3A_167 : vector<4x256xi1> to vector<4x256xi32>
    %convert_element_type3A_169 = arith.sitofp %convert_element_type3A_168 : vector<4x256xi32> to vector<4x256xf32>
    %reshape3A_170 = vector.shape_cast %div3A_133 : vector<256x20x4xf32> to vector<5120x4xf32>
    %dot_general3A_171 = arith.constant dense<0.000000e+00> : vector<5120x256xf32>
    %dot_general3A_172 = tpu.matmul %reshape3A_170, %convert_element_type3A_169, %dot_general3A_171 {dimension_numbers = #tpu.dot_dimension_numbers<[1], [0], [0], [1], [0, 0, 1, 1], [], []>, transpose_lhs_hint = false} : vector<5120x4xf32>, vector<4x256xf32>, vector<5120x256xf32> -> vector<5120x256xf32>
    %mul3A_173 = arith.mulf %dot_general3A_172, %add3A_83 : vector<5120x256xf32>
    %reshape3A_174 = vector.shape_cast %mul3A_173 : vector<5120x256xf32> to vector<256x20x256xf32>
    %reduce_sum3A_175 = arith.constant dense<0.000000e+00> : vector<256x256xf32>
    %reduce_sum3A_176 = vector.multi_reduction <add>, %reshape3A_174, %reduce_sum3A_175 [1] : vector<256x20x256xf32> to vector<256x256xf32>
    %get3A_177 = arith.constant 0 : index
    %get3A_178 = arith.constant 0 : index
    %get3A_179 = vector.load %arg9[%get3A_177, %get3A_178] : memref<256x256xf32, #tpu.memory_space<vmem>>, vector<256x256xf32>
    %dot_general3A_180 = arith.constant dense<0.000000e+00> : vector<256x256xf32>
    %dot_general3A_181 = tpu.matmul %reduce_sum3A_176, %get3A_179, %dot_general3A_180 {dimension_numbers = #tpu.dot_dimension_numbers<[1], [0], [0], [1], [0, 0, 1, 1], [], []>, transpose_lhs_hint = false} : vector<256x256xf32>, vector<256x256xf32>, vector<256x256xf32> -> vector<256x256xf32>
    %get3A_182 = arith.constant 0 : index
    %get3A_183 = arith.constant 0 : index
    %get3A_184 = vector.load %arg13[%get3A_182, %get3A_183] : memref<1x256xf32, #tpu.memory_space<vmem>>, vector<1x256xf32>
    %add3A_185 = vector.broadcast %get3A_184 : vector<1x256xf32> to vector<256x256xf32>
    %add3A_186 = arith.addf %dot_general3A_181, %add3A_185 : vector<256x256xf32>
    %get3A_187 = arith.constant 0 : index
    %get3A_188 = arith.constant 0 : index
    %get3A_189 = vector.load %arg14[%get3A_187, %get3A_188] : memref<384x128xf32, #tpu.memory_space<vmem>>, vector<384x128xf32>
    %slice3A_190 = vector.extract_strided_slice %get3A_189 {offsets = [0, 0], sizes = [256, 128], strides = [1, 1]} : vector<384x128xf32> to vector<256x128xf32>
    %dot_general3A_191 = arith.constant dense<0.000000e+00> : vector<256x128xf32>
    %dot_general3A_192 = tpu.matmul %add3A_186, %slice3A_190, %dot_general3A_191 {dimension_numbers = #tpu.dot_dimension_numbers<[1], [0], [0], [1], [0, 0, 1, 1], [], []>, transpose_lhs_hint = false} : vector<256x256xf32>, vector<256x128xf32>, vector<256x128xf32> -> vector<256x128xf32>
    %slice3A_193 = vector.extract_strided_slice %get3A_189 {offsets = [256, 0], sizes = [128, 128], strides = [1, 1]} : vector<384x128xf32> to vector<128x128xf32>
    %dot_general3A_194 = arith.constant dense<0.000000e+00> : vector<256x128xf32>
    %dot_general3A_195 = tpu.matmul %get3A_1, %slice3A_193, %dot_general3A_194 {dimension_numbers = #tpu.dot_dimension_numbers<[1], [0], [0], [1], [0, 0, 1, 1], [], []>, transpose_lhs_hint = false} : vector<256x128xf32>, vector<128x128xf32>, vector<256x128xf32> -> vector<256x128xf32>
    %add3A_196 = arith.addf %dot_general3A_192, %dot_general3A_195 : vector<256x128xf32>
    %get3A_197 = arith.constant 0 : index
    %get3A_198 = arith.constant 0 : index
    %get3A_199 = vector.load %arg15[%get3A_197, %get3A_198] : memref<1x128xf32, #tpu.memory_space<vmem>>, vector<1x128xf32>
    %add3A_200 = vector.broadcast %get3A_199 : vector<1x128xf32> to vector<256x128xf32>
    %add3A_201 = arith.addf %add3A_196, %add3A_200 : vector<256x128xf32>
    %max3A = arith.constant 0.000000e+00 : f32
    %max3A_202 = vector.broadcast %max3A : f32 to vector<256x128xf32>
    %max3A_203 = arith.maximumf %add3A_201, %max3A_202 : vector<256x128xf32>
    %get3A_204 = arith.constant 0 : index
    %get3A_205 = arith.constant 0 : index
    %get3A_206 = vector.load %arg16[%get3A_204, %get3A_205] : memref<128x128xf32, #tpu.memory_space<vmem>>, vector<128x128xf32>
    %dot_general3A_207 = arith.constant dense<0.000000e+00> : vector<256x128xf32>
    %dot_general3A_208 = tpu.matmul %max3A_203, %get3A_206, %dot_general3A_207 {dimension_numbers = #tpu.dot_dimension_numbers<[1], [0], [0], [1], [0, 0, 1, 1], [], []>, transpose_lhs_hint = false} : vector<256x128xf32>, vector<128x128xf32>, vector<256x128xf32> -> vector<256x128xf32>
    %get3A_209 = arith.constant 0 : index
    %get3A_210 = arith.constant 0 : index
    %get3A_211 = vector.load %arg17[%get3A_209, %get3A_210] : memref<1x128xf32, #tpu.memory_space<vmem>>, vector<1x128xf32>
    %add3A_212 = vector.broadcast %get3A_211 : vector<1x128xf32> to vector<256x128xf32>
    %add3A_213 = arith.addf %dot_general3A_208, %add3A_212 : vector<256x128xf32>
    %swap3A = arith.constant 0 : index
    %swap3A_214 = arith.constant 0 : index
    %swap3A_215 = vector.load %arg18[%swap3A, %swap3A_214] : memref<256x128xf32, #tpu.memory_space<vmem>>, vector<256x128xf32>
    tpu.vector_store %arg18[%swap3A, %swap3A_214], %add3A_213 {strides = array<i32>} : memref<256x128xf32, #tpu.memory_space<vmem>>, vector<256x128xf32>,
    return
  }
  func.func @transform_0(%arg0: i32) -> (i32, i32) {
    %c0_i32 = arith.constant 0 : i32
    %c0_i32_0 = arith.constant 0 : i32
    %c0_i32_1 = arith.constant 0 : i32
    return %c0_i32, %c0_i32_0 : i32, i32
  }
  func.func @transform_1(%arg0: i32) -> (i32, i32) {
    %c0_i32 = arith.constant 0 : i32
    %c0_i32_0 = arith.constant 0 : i32
    return %arg0, %c0_i32 : i32, i32
  }
  func.func @transform_2(%arg0: i32) -> (i32, i32) {
    %c0_i32 = arith.constant 0 : i32
    %c0_i32_0 = arith.constant 0 : i32
    return %arg0, %c0_i32 : i32, i32
  }
  func.func @transform_3(%arg0: i32) -> (i32, i32) {
    %c0_i32 = arith.constant 0 : i32
    %c0_i32_0 = arith.constant 0 : i32
    return %arg0, %c0_i32 : i32, i32
  }
  func.func @transform_4(%arg0: i32) -> (i32, i32) {
    %c0_i32 = arith.constant 0 : i32
    %c0_i32_0 = arith.constant 0 : i32
    return %arg0, %c0_i32 : i32, i32
  }
  func.func @transform_5(%arg0: i32) -> (i32, i32) {
    %c0_i32 = arith.constant 0 : i32
    %c0_i32_0 = arith.constant 0 : i32
    %c0_i32_1 = arith.constant 0 : i32
    return %c0_i32, %c0_i32_0 : i32, i32
  }
  func.func @transform_6(%arg0: i32) -> (i32, i32) {
    %c0_i32 = arith.constant 0 : i32
    %c0_i32_0 = arith.constant 0 : i32
    %c0_i32_1 = arith.constant 0 : i32
    return %c0_i32, %c0_i32_0 : i32, i32
  }
  func.func @transform_7(%arg0: i32) -> (i32, i32) {
    %c0_i32 = arith.constant 0 : i32
    %c0_i32_0 = arith.constant 0 : i32
    %c0_i32_1 = arith.constant 0 : i32
    return %c0_i32, %c0_i32_0 : i32, i32
  }
  func.func @transform_8(%arg0: i32) -> (i32, i32) {
    %c0_i32 = arith.constant 0 : i32
    %c0_i32_0 = arith.constant 0 : i32
    %c0_i32_1 = arith.constant 0 : i32
    return %c0_i32, %c0_i32_0 : i32, i32
  }
  func.func @transform_9(%arg0: i32) -> (i32, i32) {
    %c0_i32 = arith.constant 0 : i32
    %c0_i32_0 = arith.constant 0 : i32
    %c0_i32_1 = arith.constant 0 : i32
    return %c0_i32, %c0_i32_0 : i32, i32
  }
  func.func @transform_10(%arg0: i32) -> (i32, i32) {
    %c0_i32 = arith.constant 0 : i32
    %c0_i32_0 = arith.constant 0 : i32
    %c0_i32_1 = arith.constant 0 : i32
    return %c0_i32, %c0_i32_0 : i32, i32
  }
  func.func @transform_11(%arg0: i32) -> (i32, i32) {
    %c0_i32 = arith.constant 0 : i32
    %c0_i32_0 = arith.constant 0 : i32
    %c0_i32_1 = arith.constant 0 : i32
    return %c0_i32, %c0_i32_0 : i32, i32
  }
  func.func @transform_12(%arg0: i32) -> (i32, i32) {
    %c0_i32 = arith.constant 0 : i32
    %c0_i32_0 = arith.constant 0 : i32
    %c0_i32_1 = arith.constant 0 : i32
    return %c0_i32, %c0_i32_0 : i32, i32
  }
  func.func @transform_13(%arg0: i32) -> (i32, i32) {
    %c0_i32 = arith.constant 0 : i32
    %c0_i32_0 = arith.constant 0 : i32
    %c0_i32_1 = arith.constant 0 : i32
    return %c0_i32, %c0_i32_0 : i32, i32
  }
  func.func @transform_14(%arg0: i32) -> (i32, i32) {
    %c0_i32 = arith.constant 0 : i32
    %c0_i32_0 = arith.constant 0 : i32
    %c0_i32_1 = arith.constant 0 : i32
    return %c0_i32, %c0_i32_0 : i32, i32
  }
  func.func @transform_15(%arg0: i32) -> (i32, i32) {
    %c0_i32 = arith.constant 0 : i32
    %c0_i32_0 = arith.constant 0 : i32
    %c0_i32_1 = arith.constant 0 : i32
    return %c0_i32, %c0_i32_0 : i32, i32
  }
  func.func @transform_16(%arg0: i32) -> (i32, i32) {
    %c0_i32 = arith.constant 0 : i32
    %c0_i32_0 = arith.constant 0 : i32
    %c0_i32_1 = arith.constant 0 : i32
    return %c0_i32, %c0_i32_0 : i32, i32
  }
  func.func @transform_17(%arg0: i32) -> (i32, i32) {
    %c0_i32 = arith.constant 0 : i32
    %c0_i32_0 = arith.constant 0 : i32
    return %arg0, %c0_i32 : i32, i32
  }
}

module attributes {stable_mosaic.version = 14 : i64} {
  func.func @_final_body(%arg0: memref<512x128xf32, #tpu.memory_space<vmem>>, %arg1: memref<512x128xf32, #tpu.memory_space<vmem>>, %arg2: memref<256x128xf32, #tpu.memory_space<vmem>>, %arg3: memref<1x128xf32, #tpu.memory_space<vmem>>, %arg4: memref<1x128xf32, #tpu.memory_space<vmem>>, %arg5: memref<1x1xf32, #tpu.memory_space<vmem>>, %arg6: memref<512x1xf32, #tpu.memory_space<vmem>>) attributes {dimension_semantics = [], scalar_prefetch = 0 : i64, scratch_operands = 0 : i64, tpu.core_type = #tpu.core_type<tc>} {
    %get3A = arith.constant 0 : index
    %get3A_0 = arith.constant 0 : index
    %get3A_1 = vector.load %arg2[%get3A, %get3A_0] : memref<256x128xf32, #tpu.memory_space<vmem>>, vector<256x128xf32>
    %get3A_2 = arith.constant 0 : index
    %get3A_3 = arith.constant 0 : index
    %get3A_4 = vector.load %arg0[%get3A_2, %get3A_3] : memref<512x128xf32, #tpu.memory_space<vmem>>, vector<512x128xf32>
    %slice3A = vector.extract_strided_slice %get3A_1 {offsets = [0, 0], sizes = [128, 128], strides = [1, 1]} : vector<256x128xf32> to vector<128x128xf32>
    %dot_general3A = arith.constant dense<0.000000e+00> : vector<512x128xf32>
    %dot_general3A_5 = tpu.matmul %get3A_4, %slice3A, %dot_general3A {dimension_numbers = #tpu.dot_dimension_numbers<[1], [0], [0], [1], [0, 0, 1, 1], [], []>, transpose_lhs_hint = false} : vector<512x128xf32>, vector<128x128xf32>, vector<512x128xf32> -> vector<512x128xf32>
    %get3A_6 = arith.constant 0 : index
    %get3A_7 = arith.constant 0 : index
    %get3A_8 = vector.load %arg1[%get3A_6, %get3A_7] : memref<512x128xf32, #tpu.memory_space<vmem>>, vector<512x128xf32>
    %slice3A_9 = vector.extract_strided_slice %get3A_1 {offsets = [128, 0], sizes = [128, 128], strides = [1, 1]} : vector<256x128xf32> to vector<128x128xf32>
    %dot_general3A_10 = arith.constant dense<0.000000e+00> : vector<512x128xf32>
    %dot_general3A_11 = tpu.matmul %get3A_8, %slice3A_9, %dot_general3A_10 {dimension_numbers = #tpu.dot_dimension_numbers<[1], [0], [0], [1], [0, 0, 1, 1], [], []>, transpose_lhs_hint = false} : vector<512x128xf32>, vector<128x128xf32>, vector<512x128xf32> -> vector<512x128xf32>
    %add3A = arith.addf %dot_general3A_5, %dot_general3A_11 : vector<512x128xf32>
    %get3A_12 = arith.constant 0 : index
    %get3A_13 = arith.constant 0 : index
    %get3A_14 = vector.load %arg3[%get3A_12, %get3A_13] : memref<1x128xf32, #tpu.memory_space<vmem>>, vector<1x128xf32>
    %add3A_15 = vector.broadcast %get3A_14 : vector<1x128xf32> to vector<512x128xf32>
    %add3A_16 = arith.addf %add3A, %add3A_15 : vector<512x128xf32>
    %max3A = arith.constant 0.000000e+00 : f32
    %max3A_17 = vector.broadcast %max3A : f32 to vector<512x128xf32>
    %max3A_18 = arith.maximumf %add3A_16, %max3A_17 : vector<512x128xf32>
    %get3A_19 = arith.constant 0 : index
    %get3A_20 = arith.constant 0 : index
    %get3A_21 = vector.load %arg4[%get3A_19, %get3A_20] : memref<1x128xf32, #tpu.memory_space<vmem>>, vector<1x128xf32>
    %mul3A = vector.broadcast %get3A_21 : vector<1x128xf32> to vector<512x128xf32>
    %mul3A_22 = arith.mulf %max3A_18, %mul3A : vector<512x128xf32>
    %reduce_sum3A = arith.constant dense<0.000000e+00> : vector<512xf32>
    %reduce_sum3A_23 = vector.multi_reduction <add>, %mul3A_22, %reduce_sum3A [1] : vector<512x128xf32> to vector<512xf32>
    %broadcast_in_dim3A = vector.shape_cast %reduce_sum3A_23 : vector<512xf32> to vector<512x1xf32>
    %get3A_24 = arith.constant 0 : index
    %get3A_25 = arith.constant 0 : index
    %get3A_26 = vector.load %arg5[%get3A_24, %get3A_25] : memref<1x1xf32, #tpu.memory_space<vmem>>, vector<1x1xf32>
    %add3A_27 = vector.broadcast %get3A_26 : vector<1x1xf32> to vector<512x1xf32>
    %add3A_28 = arith.addf %broadcast_in_dim3A, %add3A_27 : vector<512x1xf32>
    %swap3A = arith.constant 0 : index
    %swap3A_29 = arith.constant 0 : index
    %swap3A_30 = vector.load %arg6[%swap3A, %swap3A_29] : memref<512x1xf32, #tpu.memory_space<vmem>>, vector<512x1xf32>
    tpu.vector_store %arg6[%swap3A, %swap3A_29], %add3A_28 {strides = array<i32>} : memref<512x1xf32, #tpu.memory_space<vmem>>, vector<512x1xf32>,
    return
  }
}

</mosaic_0001>

<sc_bundles>
// kernel: kernel.11.cloned.1.call-start
scs
__scs_entry_jumppad:
0x0: {  	(pc) =	sbr.rel $0x88, $3  }
0x1: {  	(tag) =	ssettag $0x0;
	lr =	simm.s32 $0x1  }
0x2: {  	[smem:$0x3F8B] =	sst lr;
	_ =	strace $0xD0000000  }
0x3: {  	_ = 	snop  }
0x4: {  	_ = 	snop  }
0x5: {  	_ = 	snop  }
0x6: {  	_ = 	snop  }
0x7: {  	_ = 	snop  }
__scs_overlays_trampoline_lowered:
0x8: {  	[smem:$0x3F9A] =	sst s0  }
0x9: {  	[smem:$0x3F9B] =	sst s1  }
0xa: {  	[smem:$0x3F9C] =	sst s2  }
0xb: {  	[smem:$0x3F9D] =	sst s3  }
0xc: {  	[smem:$0x3F9E] =	sst s4  }
0xd: {  	[smem:$0x3F9F] =	sst s5  }
0xe: {  	[smem:$0x3FA0] =	sst s6  }
0xf: {  	[smem:$0x3FA1] =	sst s7  }
0x10: {  	[smem:$0x3FA2] =	sst s8  }
0x11: {  	[smem:$0x3FA3] =	sst s9;
	s0 =	simm.s32 @!p0 $0x0  }
0x12: {  	s1 =	sld [smem:$0x3F89];
	s0 =	simm.s32 @p0 $0x1  }
0x13: {  	[smem:$0x3FA4] =	sst s0;
	s0 =	simm.s32 @!p1 $0x0  }
0x14: {  	s2 =	sld [smem:$0x3F88];
	s0 =	simm.s32 @p1 $0x1  }
0x15: {  	[smem:$0x3FA5] =	sst s0;
	s0 =	simm.s32 @!p2 $0x0  }
0x16: {  	s3 =	sld [smem:$0x3FDB];
	s0 =	simm.s32 @p2 $0x1  }
0x17: {  	s4 =	simm.s32 $0x1BF5;
	[smem:$0x3FA7] =	sst s0  }
0x18: {  	s0 =	sld [smem:$0x3F8A];
	_ =	swait.ge [sflag:s4], $0x0  }
0x19: {  	s7 =	sld [smem:$0x3F8B]  }
0x1a: {  	s8 =	sadd.s32 $0xFFFFE003, lr  }
0x1b: {  	s9 =	sadd.s32 $0xFFFFFEF7, lr;
	s5 =	simm.s32 $0xFFFFFFFF;
	p2 =	slt.u32 s8, $0xFFFFF086  }
0x1c: {  	p1 =	slt.u32 s9, $0xF7A;
	s5 =	simm.s32 @!p2 $0x0  }
0x1d: {  	s5 =	simm.s32 @p1 $0x1;
	p0 =	seq.s32 s7, s2  }
0x1e: {  	s7 =	smul.u32 @!p0 $0xF7A, s2;
	p2 =	seq.s32 @!p0 s5, $0x0  }
0x1f: {  	s9 =	smul.u32 $0xF7A, s1;
	s8 =	simm.s32 @!p0 $0x1BF5;
	p2 =	por !p2, p0  }
0x20: {  	[sflag:s8] =	ssyncset.s32 @!p0 $0xFFFFF086;
	s6 =	sadd.s32 @!p0 s3, s7;
	s7 =	simm.s32 @!p0 $0x108  }
0x21: {  	s3 =	sadd.s32 s3, s9;
	s6 =	sadd.s32 @!p0 $0x88, s6;
	s7 =	simm.s32 @p2 $0x1082  }
0x22: {  	[simem:s7], [sflag:s8] =	dma.local @!p0 [hbm:s6], $0xF7A  }
0x23: {  	s9 =	sor.u32 $0xD0000000, s2;
	s6 =	simm.s32 $0x108;
	_ =	swait.ge @!p0 [sflag:s8], $0x0  }
0x24: {  	s3 =	sadd.s32 $0x88, s3;
	s6 =	simm.s32 @!p1 $0x1082;
	[sflag:s4] =	ssyncset.s32 $0xFFFFF086  }
0x25: {  	[simem:s6], [sflag:s4] =	dma.local [hbm:s3], $0xF7A  }
0x26: {  	[smem:$0x3F8B] =	sst s1;
	(tag) =	ssettag s2;
	_ =	strace s9  }
0x27: {  	s1 =	sld [smem:$0x3F9B]  }
0x28: {  	s2 =	sld [smem:$0x3F9C]  }
0x29: {  	s4 =	sld [smem:$0x3F9E]  }
0x2a: {  	p0 =	seq.s32 s5, $0x0;
	s5 =	sld [smem:$0x3F9F]  }
0x2b: {  	s6 =	sld [smem:$0x3FA0]  }
0x2c: {  	s7 =	sld [smem:$0x3FA1]  }
0x2d: {  	s3 =	simm.s32 $0x108;
	s8 =	sld [smem:$0x3FA2]  }
0x2e: {  	s3 =	simm.s32 @!p0 $0x1082;
	s9 =	sld [smem:$0x3FA3]  }
0x2f: {  	lr =	sadd.s32 s0, s3;
	s0 =	sld [smem:$0x3F9A]  }
0x30: {  	s3 =	sld [smem:$0x3F9D]  }
0x31: {  	[smem:$0x3FA6] =	sst s10  }
0x32: {  	s10 =	sld [smem:$0x3FA4];
	_ =	sdelay $0x3  }
0x33: {  	p0 =	seq.s32 s10, $0x1;
	s10 =	sld [smem:$0x3FA6];
	_ =	sdelay $0x3  }
0x34: {  	[smem:$0x3FA6] =	sst s10  }
0x35: {  	s10 =	sld [smem:$0x3FA5];
	_ =	sdelay $0x3  }
0x36: {  	p1 =	seq.s32 s10, $0x1;
	s10 =	sld [smem:$0x3FA6];
	_ =	sdelay $0x3  }
0x37: {  	[smem:$0x3FA6] =	sst s10  }
0x38: {  	s10 =	sld [smem:$0x3FA7]  }
0x39: {  	_ = 	snop;
	(pc) =	sbr.ind lr, $3  }
0x3a: {  	_ = 	snop  }
0x3b: {  	_ = 	snop  }
0x3c: {  	p2 =	seq.s32 s10, $0x1;
	s10 =	sld [smem:$0x3FA6]  }
0x3d: {  	_ =	shalt  }
0x3e: {  	_ =	shalt  }
0x3f: {  	_ =	shalt  }
0x40: {  	_ =	shalt  }
0x41: {  	_ =	shalt  }
0x42: {  	_ =	shalt  }
0x43: {  	_ =	shalt  }
0x44: {  	_ =	shalt  }
0x45: {  	_ =	shalt  }
0x46: {  	_ =	shalt  }
0x47: {  	_ =	shalt  }
0x48: {  	_ =	shalt  }
0x49: {  	_ =	shalt  }
0x4a: {  	_ =	shalt  }
0x4b: {  	_ =	shalt  }
0x4c: {  	_ =	shalt  }
0x4d: {  	_ =	shalt  }
0x4e: {  	_ =	shalt  }
0x4f: {  	_ =	shalt  }
0x50: {  	_ =	shalt  }
0x51: {  	_ =	shalt  }
0x52: {  	_ =	shalt  }
0x53: {  	_ =	shalt  }
0x54: {  	_ =	shalt  }
0x55: {  	_ =	shalt  }
0x56: {  	_ =	shalt  }
0x57: {  	_ =	shalt  }
0x58: {  	_ =	shalt  }
0x59: {  	_ =	shalt  }
0x5a: {  	_ =	shalt  }
0x5b: {  	_ =	shalt  }
0x5c: {  	_ =	shalt  }
0x5d: {  	_ =	shalt  }
0x5e: {  	_ =	shalt  }
0x5f: {  	_ =	shalt  }
0x60: {  	_ =	shalt  }
0x61: {  	_ =	shalt  }
0x62: {  	_ =	shalt  }
0x63: {  	_ =	shalt  }
0x64: {  	_ =	shalt  }
0x65: {  	_ =	shalt  }
0x66: {  	_ =	shalt  }
0x67: {  	_ =	shalt  }
0x68: {  	_ =	shalt  }
0x69: {  	_ =	shalt  }
0x6a: {  	_ =	shalt  }
0x6b: {  	_ =	shalt  }
0x6c: {  	_ =	shalt  }
0x6d: {  	_ =	shalt  }
0x6e: {  	_ =	shalt  }
0x6f: {  	_ =	shalt  }
0x70: {  	_ =	shalt  }
0x71: {  	_ =	shalt  }
0x72: {  	_ =	shalt  }
0x73: {  	_ =	shalt  }
0x74: {  	_ =	shalt  }
0x75: {  	_ =	shalt  }
0x76: {  	_ =	shalt  }
0x77: {  	_ =	shalt  }
0x78: {  	_ =	shalt  }
0x79: {  	_ =	shalt  }
0x7a: {  	_ =	shalt  }
0x7b: {  	_ =	shalt  }
0x7c: {  	_ =	shalt  }
0x7d: {  	_ =	shalt  }
0x7e: {  	_ =	shalt  }
0x7f: {  	_ =	shalt  }
0x80: {  	_ =	shalt  }
0x81: {  	_ =	shalt  }
0x82: {  	_ =	shalt  }
0x83: {  	_ =	shalt  }
0x84: {  	_ =	shalt  }
0x85: {  	_ =	shalt  }
0x86: {  	_ =	shalt  }
0x87: {  	_ =	shalt  }
.Lfunc_end0:
.L_simem_size_0:
called_computation_lowered:
.L_overlay_start_0:
0x88: {  	s2 =	sld [smem:$0x3FD9]  }
0x89: {  	s3 =	sld [smem:$0x3FFE];
	_ =	sdelay $0x1  }
0x8a: {  	s1 =	srdreg.scid  }
0x8b: {  	s0 =	sand.u32 $0x1, s1  }
0x8c: {  	s17 =	sshll.u32 s0, $0xA;
	s2 =	sadd.s32 s3, s2  }
0x8d: {  	s2 =	sadd.s32 s2, s17  }
0x8e: {  	[smem:$0x3FB2] =	sst s2  }
0x8f: {  	_ = 	snop  }
0x90: {  	s2 =	sld [smem:$0x3FC4];
	(tm) =	ssettm $0x1  }
0x91: {  	s18 =	sld [smem:$0x3FFB];
	_ =	sdelay $0x3  }
0x92: {  	_ =	strace s18  }
0x93: {  	s3 =	sld [smem:$0x3FFC];
	_ =	sdelay $0x3  }
0x94: {  	_ =	strace s3  }
0x95: {  	s3 =	sld [smem:$0x3FFD];
	_ =	sdelay $0x3  }
0x96: {  	_ =	strace s3  }
0x97: {  	_ =	strace $0x8FFFFFFF  }
0x98: {  	s19 =	sld [smem:$0x3FDB];
	_ =	sdelay $0x1  }
0x99: {  	s4 =	simm.s32 $_scs_section_size  }
0x9a: {  	s5 =	simm.s32 $_size__tile_overlayer_lowered;
	s6 =	simm.s32 $_tile_overlayer_lowered  }
0x9b: {  	s22 =	simm.s32 $0x1BFF;
	s21 =	sshll.u32 s6, $0x1;
	s3 =	sadd.s32 s4, s19  }
0x9c: {  	s7 =	simm.s32 $0x0;
	s20 =	sshll.u32 s5, $0x1;
	s5 =	sadd.s32 s21, s3  }
0x9d: {  	[timem:s7], [sflag:s22] =	dma.local [hbm:s5], s20  }
0x9e: {  	_ =	swait.ge [sflag:s22], s20  }
0x9f: {  	s4 =	ssub.s32 $0x0, s20;
	[sflag:s22] =	ssyncset.done $0x0  }
0xa0: {  	[sflag:s22] =	ssyncadd.s32 s4;
	_ =	sdelay $0x1  }
0xa1: {  	s23 =	simm.s32 $0x1B8B  }
0xa2: {  	_ =	swait.ge [sflag:s23], $0x1  }
0xa3: {  	[sflag:s23] =	ssyncset.done $0x0  }
0xa4: {  	s25 =	simm.s32 $0x1B8E;
	s24 =	sld [smem:$0x3FFE];
	[sflag:s23] =	ssyncadd.s32 $0xFFFFFFFF  }
0xa5: {  	s26 =	simm.s32 $execute0_lowered;
	[smem:$0x3FD2] =	sst s25  }
0xa6: {  	s5 =	sshll.u32 s26, $0x1;
	_ =	strace $0x80000046;
	[dreg:$0x1] =	wrdreg $0xFFFFFFFF  }
0xa7: {  	s28 =	simm.s32 $_size_execute0_lowered;
	s3 =	sadd.s32 s3, s5;
	[dreg:$0x0] =	wrdreg $0x0  }
0xa8: {  	s5 =	sshll.u32 s28, $0x1;
	[dreg:$0x2] =	wrdreg s3  }
0xa9: {  	[dreg:$0x3] =	wrdreg s5  }
0xaa: {  	[dreg:$0x4] =	wrdreg $0xC0  }
0xab: {  	_ =	task [dreg:s7], $0x5FFFF  }
0xac: {  	[dreg:$0x1] =	wrdreg $0xFFFFFFFF  }
0xad: {  	[dreg:$0x0] =	wrdreg $0x60  }
0xae: {  	[dreg:$0x2] =	wrdreg s24  }
0xaf: {  	[dreg:$0x3] =	wrdreg s2  }
0xb0: {  	[dreg:$0x4] =	wrdreg $0x9  }
0xb1: {  	_ =	task.clear_ibuf [dreg:s7], $0x5FFFF;
	_ =	strace $0x90000046  }
0xb2: {  	s29 =	simm.s32 $0x9;
	_ =	strace $0x80000048  }
0xb3: {  	_ =	swait.ge [sflag:s29], $0x1  }
0xb4: {  	[sflag:s29] =	ssyncadd.s32 $0xFFFFFFFF  }
0xb5: {  	_ =	strace $0x90000048  }
0xb6: {  	_ =	sfence  }
0xb7: {  	s30 =	sld [smem:$0x0];
	_ =	sdelay $0x2  }
0xb8: {  	s31 =	sshll.u32 s1, $0xD;
	s1 =	sshrl.u32 s1, $0x2  }
0xb9: {  	s3 =	sand.u32 $0x4000, s31;
	s1 =	sadd.s32 s1, s30  }
0xba: {  	s0 =	sor.u32 s3, s0;
	s1 =	sshll.u32 s1, $0x11  }
0xbb: {  	s0 =	sor.u32 s1, s0  }
0xbc: {  	s0 =	sadd.s32 $0x8F2B, s0  }
0xbd: {  	[sflag:s0] =	ssyncadd.remote.s32 $0x1  }
0xbe: {  	_ =	sfence.sel $0xFFFF  }
0xbf: {  	[dreg:$0x0] =	wrdreg $0xFFFFFFFF;
	(pc) =	sbr.abs _section_cstart, $3  }
0xc0: {  	[dreg:$0x1] =	wrdreg $0xFFFFFFFF  }
0xc1: {  	_ =	task.clear_ibuf [dreg:s7], $0x2FFFF;
	_ =	strace $0x9FFFFFFF  }
0xc2: {  	(tm) =	ssettm $0x7FFFFFFF  }
0xc3: {  	_ =	shalt  }
tec
execute0_lowered:
.L_overlay_start_1:
0x0: {  	(tag) =	ssettag $0x1  }
0x1: {  	s1 =	srdreg.scid;
	s0 =	stileid.u32  }
0x2: {  	s11 =	rddreg [dreg:$0x0];
	s12 =	sand.u32 $0x1, s1;
	s30 =	sshll.u32 s0, $0x1  }
0x3: {  	s2 =	rddreg [dreg:$0x1];
	s13 =	sor.u32 s12, s30  }
0x4: {  	s3 =	simm.s32 $0x0;
	s1 =	rddreg [dreg:$0x2];
	s4 =	sshll.u32 s13, $0x4  }
0x5: {  	[smem:$0x7FF] =	sst s3;
	s4 =	sadd.s32 s4, s11  }
0x6: {  	_ =	strace $0x80000047;
	s5 =	sadd.s32 $0xCE000, s4;
	s4 =	simm.s32 $0x2  }
0x7: {  	[tilespmem:s3], [sflag:$0x2] =	stream.linear.gather [hbm4b:s5+s3], $0x80, $0x38;
	[tilespmem:$0x4080] =	vst v63  }
0x8: {  	_ =	swait.ge [sflag:s4], $0x80  }
0x9: {  	s7 =	simm.s32 $0x20;
	[sflag:s4] =	ssyncset.done $0x0  }
0xa: {  	s8 =	simm.s32 $0x80;
	s6 =	sadd.s32 $0xCE200, s11;
	[sflag:s4] =	ssyncadd.s32 $0xFFFFFF80  }
0xb: {  	[tilespmem:s8], [sflag:$0x1] =	stream.indirect.gather [hbm4b:s6+s7], $0x80, s3, s7, $0xb8;
	[tilespmem:$0x4080] =	vst v63  }
0xc: {  	s9 =	simm.s32 $0x2080;
	s10 =	simm.s32 $0x1  }
0xd: {  	[tilespmem:s9], [sflag:$0x1] =	stream.indirect.gather [hbm4b:s2+s7], $0x80, s3, s7, $0xb8;
	[tilespmem:$0x4080] =	vst v63  }
0xe: {  	_ =	swait.ge [sflag:s10], $0x1000  }
0xf: {  	[sflag:s10] =	ssyncset.done $0x0  }
0x10: {  	s12 =	ssub.s32 $0x2, s12;
	[sflag:s10] =	ssyncadd.s32 $0xFFFFF000  }
0x11: {  	s13 =	sshll.u32 s13, $0x9;
	s14 =	sshrl.u32 s12, $0x1;
	_ =	swait.ge [sflag:s10], $0x1000  }
0x12: {  	s13 =	sadd.s32 s13, s11;
	s14 =	ssub.s32 s12, s14;
	[sflag:s10] =	ssyncset.done $0x0  }
0x13: {  	s11 =	sadd.s32 $0xAA00, s13;
	s31 =	smax.u32 s14, $0x1;
	[sflag:s10] =	ssyncadd.s32 $0xFFFFF000  }
0x14: {  	[hbm4b:s11+s3] =	stream.linear.scatter [tilespmem:s8], [sflag:$0x2], $0x1000, $0x38;
	[tilespmem:$0x4080] =	vst v63  }
0x15: {  	p0 =	sne.s32 s31, $0x1;
	_ =	swait.ge [sflag:s4], $0x1000  }
.Ltmp0:
0x16: {  	[sflag:s4] =	ssyncset.done $0x0;
	(pc) =	sbr.rel @!p0 .LBB2_2-.Ltmp0, $4  }
0x17: {  	s12 =	sadd.s32 $0xEA00, s13;
	[sflag:s4] =	ssyncadd.s32 $0xFFFFF000  }
0x18: {  	[hbm4b:s12+s3] =	stream.linear.scatter [tilespmem:s9], [sflag:$0x2], $0x1000, $0x38;
	[tilespmem:$0x4080] =	vst v63  }
0x19: {  	_ =	swait.ge [sflag:s4], $0x1000  }
0x1a: {  	s13 =	sadd.s32 $0xFFFFFFFF, s31;
	[sflag:s4] =	ssyncset.done $0x0  }
.LBB2_1:
0x1b: {  	p0 =	sne.s32 s13, $0x1;
	s13 =	sadd.s32 $0xFFFFFFFF, s13;
	[sflag:s4] =	ssyncadd.s32 $0xFFFFF000  }
0x1c: {  	[tilespmem:s3], [sflag:$0x2] =	stream.linear.gather [hbm4b:s5+s3], $0x80, $0x38;
	[tilespmem:$0x4080] =	vst v63  }
0x1d: {  	_ =	swait.ge [sflag:s4], $0x80  }
0x1e: {  	[sflag:s4] =	ssyncset.done $0x0  }
0x1f: {  	[sflag:s4] =	ssyncadd.s32 $0xFFFFFF80  }
0x20: {  	[tilespmem:s8], [sflag:$0x1] =	stream.indirect.gather [hbm4b:s6+s7], $0x80, s3, s7, $0xb8;
	[tilespmem:$0x4080] =	vst v63  }
0x21: {  	_ = 	snop  }
0x22: {  	[tilespmem:s9], [sflag:$0x1] =	stream.indirect.gather [hbm4b:s2+s7], $0x80, s3, s7, $0xb8;
	[tilespmem:$0x4080] =	vst v63  }
0x23: {  	_ =	swait.ge [sflag:s10], $0x1000  }
0x24: {  	[sflag:s10] =	ssyncset.done $0x0  }
0x25: {  	[sflag:s10] =	ssyncadd.s32 $0xFFFFF000  }
0x26: {  	_ =	swait.ge [sflag:s10], $0x1000  }
0x27: {  	[sflag:s10] =	ssyncset.done $0x0  }
0x28: {  	[sflag:s10] =	ssyncadd.s32 $0xFFFFF000  }
0x29: {  	[hbm4b:s11+s3] =	stream.linear.scatter [tilespmem:s8], [sflag:$0x2], $0x1000, $0x38;
	[tilespmem:$0x4080] =	vst v63  }
0x2a: {  	_ =	swait.ge [sflag:s4], $0x1000  }
.Ltmp1:
0x2b: {  	[sflag:s4] =	ssyncset.done $0x0;
	(pc) =	sbr.rel @p0 .LBB2_1-.Ltmp1, $4  }
0x2c: {  	[sflag:s4] =	ssyncadd.s32 $0xFFFFF000  }
0x2d: {  	[hbm4b:s12+s3] =	stream.linear.scatter [tilespmem:s9], [sflag:$0x2], $0x1000, $0x38;
	[tilespmem:$0x4080] =	vst v63  }
0x2e: {  	_ =	swait.ge [sflag:s4], $0x1000  }
0x2f: {  	[sflag:s4] =	ssyncset.done $0x0  }
.LBB2_2:
0x30: {  	[sflag:s4] =	ssyncadd.s32 $0xFFFFF000  }
0x31: {  	_ =	sfence.sel $0x180000  }
0x32: {  	[bflag:$0x0] =	sbarrier.arrive $0xFFFF  }
0x33: {  	p0 =	sne.s32 s0, $0x0;
	_ =	strace $0x90000047  }
0x34: {  	s0 =	sadd.s32 @!p0 $0x100000, s1;
	[bflag:$0x2] =	sbarrier.arrive $0xFFFF  }
0x35: {  	[sflag:s0] =	ssyncadd.tile.s32 @!p0 $0x1;
	_ =	shalt  }
.Lfunc_end2:
_tile_overlayer_lowered:
.L_overlay_start_2:
0x36: {  	(tag) =	ssettag $0x2  }
0x37: {  	s0 =	rddreg [dreg:$0x0];
	s2 =	stileid.u32  }
0x38: {  	s1 =	rddreg [dreg:$0x1];
	p0 =	sne.s32 s2, $0x0  }
0x39: {  	s3 =	rddreg [dreg:$0x2];
	[bflag:$0x3] =	sbarrier.arrive $0xFFFF;
	s2 =	simm.s32 @!p0 $0x1C02  }
0x3a: {  	[timem:s3], [sflag:s2] =	dma.local @!p0 [hbm:s0], s1  }
0x3b: {  	s0 =	simm.s32 @!p0 $0x2  }
0x3c: {  	_ =	swait.ge @!p0 [sflag:s0], s1  }
0x3d: {  	s1 =	ssub.s32 @!p0 $0x0, s1;
	[sflag:s0] =	ssyncset.done @!p0 $0x0  }
0x3e: {  	[sflag:s0] =	ssyncadd.s32 @!p0 s1  }
0x3f: {  	[bflag:$0x3] =	sbarrier.arrive $0xFFFF  }
0x40: {  	_ =	shalt  }

// kernel: kernel.14.cloned.1.call-start
scs
__scs_entry_jumppad:
0x0: {  	(pc) =	sbr.rel $0x88, $3  }
0x1: {  	(tag) =	ssettag $0x0;
	lr =	simm.s32 $0x1  }
0x2: {  	[smem:$0x3F8B] =	sst lr;
	_ =	strace $0xD0000000  }
0x3: {  	_ = 	snop  }
0x4: {  	_ = 	snop  }
0x5: {  	_ = 	snop  }
0x6: {  	_ = 	snop  }
0x7: {  	_ = 	snop  }
__scs_overlays_trampoline_lowered:
0x8: {  	[smem:$0x3F9A] =	sst s0  }
0x9: {  	[smem:$0x3F9B] =	sst s1  }
0xa: {  	[smem:$0x3F9C] =	sst s2  }
0xb: {  	[smem:$0x3F9D] =	sst s3  }
0xc: {  	[smem:$0x3F9E] =	sst s4  }
0xd: {  	[smem:$0x3F9F] =	sst s5  }
0xe: {  	[smem:$0x3FA0] =	sst s6  }
0xf: {  	[smem:$0x3FA1] =	sst s7  }
0x10: {  	[smem:$0x3FA2] =	sst s8  }
0x11: {  	[smem:$0x3FA3] =	sst s9;
	s0 =	simm.s32 @!p0 $0x0  }
0x12: {  	s1 =	sld [smem:$0x3F89];
	s0 =	simm.s32 @p0 $0x1  }
0x13: {  	[smem:$0x3FA4] =	sst s0;
	s0 =	simm.s32 @!p1 $0x0  }
0x14: {  	s2 =	sld [smem:$0x3F88];
	s0 =	simm.s32 @p1 $0x1  }
0x15: {  	[smem:$0x3FA5] =	sst s0;
	s0 =	simm.s32 @!p2 $0x0  }
0x16: {  	s3 =	sld [smem:$0x3FDB];
	s0 =	simm.s32 @p2 $0x1  }
0x17: {  	s4 =	simm.s32 $0x1BF5;
	[smem:$0x3FA7] =	sst s0  }
0x18: {  	s0 =	sld [smem:$0x3F8A];
	_ =	swait.ge [sflag:s4], $0x0  }
0x19: {  	s7 =	sld [smem:$0x3F8B]  }
0x1a: {  	s8 =	sadd.s32 $0xFFFFE003, lr  }
0x1b: {  	s9 =	sadd.s32 $0xFFFFFEF7, lr;
	s5 =	simm.s32 $0xFFFFFFFF;
	p2 =	slt.u32 s8, $0xFFFFF086  }
0x1c: {  	p1 =	slt.u32 s9, $0xF7A;
	s5 =	simm.s32 @!p2 $0x0  }
0x1d: {  	s5 =	simm.s32 @p1 $0x1;
	p0 =	seq.s32 s7, s2  }
0x1e: {  	s7 =	smul.u32 @!p0 $0xF7A, s2;
	p2 =	seq.s32 @!p0 s5, $0x0  }
0x1f: {  	s9 =	smul.u32 $0xF7A, s1;
	s8 =	simm.s32 @!p0 $0x1BF5;
	p2 =	por !p2, p0  }
0x20: {  	[sflag:s8] =	ssyncset.s32 @!p0 $0xFFFFF086;
	s6 =	sadd.s32 @!p0 s3, s7;
	s7 =	simm.s32 @!p0 $0x108  }
0x21: {  	s3 =	sadd.s32 s3, s9;
	s6 =	sadd.s32 @!p0 $0x88, s6;
	s7 =	simm.s32 @p2 $0x1082  }
0x22: {  	[simem:s7], [sflag:s8] =	dma.local @!p0 [hbm:s6], $0xF7A  }
0x23: {  	s9 =	sor.u32 $0xD0000000, s2;
	s6 =	simm.s32 $0x108;
	_ =	swait.ge @!p0 [sflag:s8], $0x0  }
0x24: {  	s3 =	sadd.s32 $0x88, s3;
	s6 =	simm.s32 @!p1 $0x1082;
	[sflag:s4] =	ssyncset.s32 $0xFFFFF086  }
0x25: {  	[simem:s6], [sflag:s4] =	dma.local [hbm:s3], $0xF7A  }
0x26: {  	[smem:$0x3F8B] =	sst s1;
	(tag) =	ssettag s2;
	_ =	strace s9  }
0x27: {  	s1 =	sld [smem:$0x3F9B]  }
0x28: {  	s2 =	sld [smem:$0x3F9C]  }
0x29: {  	s4 =	sld [smem:$0x3F9E]  }
0x2a: {  	p0 =	seq.s32 s5, $0x0;
	s5 =	sld [smem:$0x3F9F]  }
0x2b: {  	s6 =	sld [smem:$0x3FA0]  }
0x2c: {  	s7 =	sld [smem:$0x3FA1]  }
0x2d: {  	s3 =	simm.s32 $0x108;
	s8 =	sld [smem:$0x3FA2]  }
0x2e: {  	s3 =	simm.s32 @!p0 $0x1082;
	s9 =	sld [smem:$0x3FA3]  }
0x2f: {  	lr =	sadd.s32 s0, s3;
	s0 =	sld [smem:$0x3F9A]  }
0x30: {  	s3 =	sld [smem:$0x3F9D]  }
0x31: {  	[smem:$0x3FA6] =	sst s10  }
0x32: {  	s10 =	sld [smem:$0x3FA4];
	_ =	sdelay $0x3  }
0x33: {  	p0 =	seq.s32 s10, $0x1;
	s10 =	sld [smem:$0x3FA6];
	_ =	sdelay $0x3  }
0x34: {  	[smem:$0x3FA6] =	sst s10  }
0x35: {  	s10 =	sld [smem:$0x3FA5];
	_ =	sdelay $0x3  }
0x36: {  	p1 =	seq.s32 s10, $0x1;
	s10 =	sld [smem:$0x3FA6];
	_ =	sdelay $0x3  }
0x37: {  	[smem:$0x3FA6] =	sst s10  }
0x38: {  	s10 =	sld [smem:$0x3FA7]  }
0x39: {  	_ = 	snop;
	(pc) =	sbr.ind lr, $3  }
0x3a: {  	_ = 	snop  }
0x3b: {  	_ = 	snop  }
0x3c: {  	p2 =	seq.s32 s10, $0x1;
	s10 =	sld [smem:$0x3FA6]  }
0x3d: {  	_ =	shalt  }
0x3e: {  	_ =	shalt  }
0x3f: {  	_ =	shalt  }
0x40: {  	_ =	shalt  }
0x41: {  	_ =	shalt  }
0x42: {  	_ =	shalt  }
0x43: {  	_ =	shalt  }
0x44: {  	_ =	shalt  }
0x45: {  	_ =	shalt  }
0x46: {  	_ =	shalt  }
0x47: {  	_ =	shalt  }
0x48: {  	_ =	shalt  }
0x49: {  	_ =	shalt  }
0x4a: {  	_ =	shalt  }
0x4b: {  	_ =	shalt  }
0x4c: {  	_ =	shalt  }
0x4d: {  	_ =	shalt  }
0x4e: {  	_ =	shalt  }
0x4f: {  	_ =	shalt  }
0x50: {  	_ =	shalt  }
0x51: {  	_ =	shalt  }
0x52: {  	_ =	shalt  }
0x53: {  	_ =	shalt  }
0x54: {  	_ =	shalt  }
0x55: {  	_ =	shalt  }
0x56: {  	_ =	shalt  }
0x57: {  	_ =	shalt  }
0x58: {  	_ =	shalt  }
0x59: {  	_ =	shalt  }
0x5a: {  	_ =	shalt  }
0x5b: {  	_ =	shalt  }
0x5c: {  	_ =	shalt  }
0x5d: {  	_ =	shalt  }
0x5e: {  	_ =	shalt  }
0x5f: {  	_ =	shalt  }
0x60: {  	_ =	shalt  }
0x61: {  	_ =	shalt  }
0x62: {  	_ =	shalt  }
0x63: {  	_ =	shalt  }
0x64: {  	_ =	shalt  }
0x65: {  	_ =	shalt  }
0x66: {  	_ =	shalt  }
0x67: {  	_ =	shalt  }
0x68: {  	_ =	shalt  }
0x69: {  	_ =	shalt  }
0x6a: {  	_ =	shalt  }
0x6b: {  	_ =	shalt  }
0x6c: {  	_ =	shalt  }
0x6d: {  	_ =	shalt  }
0x6e: {  	_ =	shalt  }
0x6f: {  	_ =	shalt  }
0x70: {  	_ =	shalt  }
0x71: {  	_ =	shalt  }
0x72: {  	_ =	shalt  }
0x73: {  	_ =	shalt  }
0x74: {  	_ =	shalt  }
0x75: {  	_ =	shalt  }
0x76: {  	_ =	shalt  }
0x77: {  	_ =	shalt  }
0x78: {  	_ =	shalt  }
0x79: {  	_ =	shalt  }
0x7a: {  	_ =	shalt  }
0x7b: {  	_ =	shalt  }
0x7c: {  	_ =	shalt  }
0x7d: {  	_ =	shalt  }
0x7e: {  	_ =	shalt  }
0x7f: {  	_ =	shalt  }
0x80: {  	_ =	shalt  }
0x81: {  	_ =	shalt  }
0x82: {  	_ =	shalt  }
0x83: {  	_ =	shalt  }
0x84: {  	_ =	shalt  }
0x85: {  	_ =	shalt  }
0x86: {  	_ =	shalt  }
0x87: {  	_ =	shalt  }
.Lfunc_end0:
.L_simem_size_0:
called_computation.1_lowered:
.L_overlay_start_0:
0x88: {  	s2 =	sld [smem:$0x3FD9]  }
0x89: {  	s3 =	sld [smem:$0x3FFE];
	_ =	sdelay $0x1  }
0x8a: {  	s1 =	srdreg.scid  }
0x8b: {  	s0 =	sand.u32 $0x1, s1  }
0x8c: {  	s17 =	sshll.u32 s0, $0xA;
	s2 =	sadd.s32 s3, s2  }
0x8d: {  	s2 =	sadd.s32 s2, s17  }
0x8e: {  	[smem:$0x3FB2] =	sst s2  }
0x8f: {  	_ = 	snop  }
0x90: {  	s2 =	sld [smem:$0x3FC4];
	(tm) =	ssettm $0x1  }
0x91: {  	s18 =	sld [smem:$0x3FFB];
	_ =	sdelay $0x3  }
0x92: {  	_ =	strace s18  }
0x93: {  	s3 =	sld [smem:$0x3FFC];
	_ =	sdelay $0x3  }
0x94: {  	_ =	strace s3  }
0x95: {  	s3 =	sld [smem:$0x3FFD];
	_ =	sdelay $0x3  }
0x96: {  	_ =	strace s3  }
0x97: {  	_ =	strace $0x8FFFFFFF  }
0x98: {  	s19 =	sld [smem:$0x3FDB];
	_ =	sdelay $0x1  }
0x99: {  	s4 =	simm.s32 $_scs_section_size  }
0x9a: {  	s5 =	simm.s32 $_size__tile_overlayer_lowered;
	s6 =	simm.s32 $_tile_overlayer_lowered  }
0x9b: {  	s22 =	simm.s32 $0x1BFF;
	s21 =	sshll.u32 s6, $0x1;
	s3 =	sadd.s32 s4, s19  }
0x9c: {  	s7 =	simm.s32 $0x0;
	s20 =	sshll.u32 s5, $0x1;
	s5 =	sadd.s32 s21, s3  }
0x9d: {  	[timem:s7], [sflag:s22] =	dma.local [hbm:s5], s20  }
0x9e: {  	_ =	swait.ge [sflag:s22], s20  }
0x9f: {  	s4 =	ssub.s32 $0x0, s20;
	[sflag:s22] =	ssyncset.done $0x0  }
0xa0: {  	[sflag:s22] =	ssyncadd.s32 s4;
	_ =	sdelay $0x1  }
0xa1: {  	s23 =	simm.s32 $0x1B8B  }
0xa2: {  	_ =	swait.ge [sflag:s23], $0x1  }
0xa3: {  	[sflag:s23] =	ssyncset.done $0x0  }
0xa4: {  	s25 =	simm.s32 $0x1B8E;
	s24 =	sld [smem:$0x3FFE];
	[sflag:s23] =	ssyncadd.s32 $0xFFFFFFFF  }
0xa5: {  	s26 =	simm.s32 $execute0_lowered;
	[smem:$0x3FD2] =	sst s25  }
0xa6: {  	s5 =	sshll.u32 s26, $0x1;
	_ =	strace $0x80000049;
	[dreg:$0x1] =	wrdreg $0xFFFFFFFF  }
0xa7: {  	s28 =	simm.s32 $_size_execute0_lowered;
	s3 =	sadd.s32 s3, s5;
	[dreg:$0x0] =	wrdreg $0x0  }
0xa8: {  	s5 =	sshll.u32 s28, $0x1;
	[dreg:$0x2] =	wrdreg s3  }
0xa9: {  	[dreg:$0x3] =	wrdreg s5  }
0xaa: {  	[dreg:$0x4] =	wrdreg $0xC0  }
0xab: {  	_ =	task [dreg:s7], $0x5FFFF  }
0xac: {  	[dreg:$0x1] =	wrdreg $0xFFFFFFFF  }
0xad: {  	[dreg:$0x0] =	wrdreg $0x60  }
0xae: {  	[dreg:$0x2] =	wrdreg s24  }
0xaf: {  	[dreg:$0x3] =	wrdreg s2  }
0xb0: {  	[dreg:$0x4] =	wrdreg $0x9  }
0xb1: {  	_ =	task.clear_ibuf [dreg:s7], $0x5FFFF;
	_ =	strace $0x90000049  }
0xb2: {  	s29 =	simm.s32 $0x9;
	_ =	strace $0x8000004B  }
0xb3: {  	_ =	swait.ge [sflag:s29], $0x1  }
0xb4: {  	[sflag:s29] =	ssyncadd.s32 $0xFFFFFFFF  }
0xb5: {  	_ =	strace $0x9000004B  }
0xb6: {  	_ =	sfence  }
0xb7: {  	s30 =	sld [smem:$0x0];
	_ =	sdelay $0x2  }
0xb8: {  	s31 =	sshll.u32 s1, $0xD;
	s1 =	sshrl.u32 s1, $0x2  }
0xb9: {  	s3 =	sand.u32 $0x4000, s31;
	s1 =	sadd.s32 s1, s30  }
0xba: {  	s0 =	sor.u32 s3, s0;
	s1 =	sshll.u32 s1, $0x11  }
0xbb: {  	s0 =	sor.u32 s1, s0  }
0xbc: {  	s0 =	sadd.s32 $0x8F2B, s0  }
0xbd: {  	[sflag:s0] =	ssyncadd.remote.s32 $0x1  }
0xbe: {  	_ =	sfence.sel $0xFFFF  }
0xbf: {  	[dreg:$0x0] =	wrdreg $0xFFFFFFFF;
	(pc) =	sbr.abs _section_cstart, $3  }
0xc0: {  	[dreg:$0x1] =	wrdreg $0xFFFFFFFF  }
0xc1: {  	_ =	task.clear_ibuf [dreg:s7], $0x2FFFF;
	_ =	strace $0x9FFFFFFF  }
0xc2: {  	(tm) =	ssettm $0x7FFFFFFF  }
0xc3: {  	_ =	shalt  }
tec
execute0_lowered:
.L_overlay_start_1:
0x0: {  	(tag) =	ssettag $0x1  }
0x1: {  	s1 =	srdreg.scid;
	s0 =	stileid.u32  }
0x2: {  	s14 =	rddreg [dreg:$0x0];
	s25 =	sand.u32 $0x1, s1;
	s31 =	sshll.u32 s0, $0x1  }
0x3: {  	s2 =	rddreg [dreg:$0x1];
	s26 =	sor.u32 s25, s31  }
0x4: {  	s3 =	simm.s32 $0x0;
	s1 =	rddreg [dreg:$0x2];
	s4 =	sshll.u32 s26, $0x7  }
0x5: {  	[smem:$0x7FF] =	sst s3;
	s4 =	sadd.s32 s4, s14  }
0x6: {  	_ =	strace $0x8000004A;
	s5 =	sadd.s32 $0x12A00, s4;
	s4 =	simm.s32 $0x3  }
0x7: {  	[tilespmem:s3], [sflag:$0x3] =	stream.linear.gather [hbm4b:s5+s3], $0x280, $0x38;
	[tilespmem:$0x10400] =	vst v63  }
0x8: {  	_ =	swait.ge [sflag:s4], $0x280  }
0x9: {  	s7 =	simm.s32 $0x80;
	[sflag:s4] =	ssyncset.done $0x0  }
0xa: {  	s8 =	simm.s32 $0x400;
	s6 =	sadd.s32 $0xCE200, s14;
	[sflag:s4] =	ssyncadd.s32 $0xFFFFFD80  }
0xb: {  	[tilespmem:s8], [sflag:$0x1] =	stream.indirect.gather [hbm4b:s6+s7], $0x80, s3, s7, $0xb8;
	[tilespmem:$0x10400] =	vst v63  }
0xc: {  	s9 =	simm.s32 $0x8400;
	s10 =	simm.s32 $0x1  }
0xd: {  	[tilespmem:s9], [sflag:$0x1] =	stream.indirect.gather [hbm4b:s2+s7], $0x80, s3, s7, $0xb8;
	[tilespmem:$0x10400] =	vst v63  }
0xe: {  	_ =	swait.ge [sflag:s10], $0x4000  }
0xf: {  	[sflag:s10] =	ssyncset.done $0x0  }
0x10: {  	[sflag:s10] =	ssyncadd.s32 $0xFFFFC000  }
0x11: {  	_ =	swait.ge [sflag:s10], $0x4000  }
0x12: {  	[sflag:s10] =	ssyncset.done $0x0  }
0x13: {  	s11 =	simm.s32 $0x4400;
	[sflag:s10] =	ssyncadd.s32 $0xFFFFC000  }
0x14: {  	[tilespmem:s11], [sflag:$0x2] =	stream.indirect.gather [hbm4b:s6+s7], $0x80, s7, s7, $0xb8;
	[tilespmem:$0x10400] =	vst v63  }
0x15: {  	s12 =	simm.s32 $0xC400;
	s28 =	sadd.s32 $0x13A00, s14;
	s23 =	smul.u32 $0x2800, s26  }
0x16: {  	[tilespmem:s12], [sflag:$0x2] =	stream.indirect.gather [hbm4b:s2+s7], $0x80, s7, s7, $0xb8;
	[tilespmem:$0x10400] =	vst v63  }
0x17: {  	s13 =	sadd.s32 s28, s23  }
0x18: {  	[hbm4b:s13+s3] =	stream.linear.scatter [tilespmem:s8], [sflag:$0x3], $0x4000, $0x38;
	[tilespmem:$0x10400] =	vst v63  }
0x19: {  	_ =	swait.ge [sflag:s4], $0x4000  }
0x1a: {  	s29 =	sadd.s32 $0x63A00, s14;
	[sflag:s4] =	ssyncset.done $0x0  }
0x1b: {  	s14 =	sadd.s32 s29, s23;
	[sflag:s4] =	ssyncadd.s32 $0xFFFFC000  }
0x1c: {  	[hbm4b:s14+s3] =	stream.linear.scatter [tilespmem:s9], [sflag:$0x3], $0x4000, $0x38;
	[tilespmem:$0x10400] =	vst v63  }
0x1d: {  	_ =	swait.ge [sflag:s4], $0x4000  }
0x1e: {  	[sflag:s4] =	ssyncset.done $0x0  }
0x1f: {  	s15 =	simm.s32 $0x2;
	[sflag:s4] =	ssyncadd.s32 $0xFFFFC000  }
0x20: {  	_ =	swait.ge [sflag:s15], $0x4000  }
0x21: {  	[sflag:s15] =	ssyncset.done $0x0  }
0x22: {  	[sflag:s15] =	ssyncadd.s32 $0xFFFFC000  }
0x23: {  	_ =	swait.ge [sflag:s15], $0x4000  }
0x24: {  	[sflag:s15] =	ssyncset.done $0x0  }
0x25: {  	s16 =	simm.s32 $0x100;
	[sflag:s15] =	ssyncadd.s32 $0xFFFFC000  }
0x26: {  	[tilespmem:s8], [sflag:$0x1] =	stream.indirect.gather [hbm4b:s6+s7], $0x80, s16, s7, $0xb8;
	[tilespmem:$0x10400] =	vst v63  }
0x27: {  	s18 =	sadd.s32 $0x800, s23  }
0x28: {  	[tilespmem:s9], [sflag:$0x1] =	stream.indirect.gather [hbm4b:s2+s7], $0x80, s16, s7, $0xb8;
	[tilespmem:$0x10400] =	vst v63  }
0x29: {  	s17 =	sadd.s32 s28, s18  }
0x2a: {  	[hbm4b:s17+s3] =	stream.linear.scatter [tilespmem:s11], [sflag:$0x3], $0x4000, $0x38;
	[tilespmem:$0x10400] =	vst v63  }
0x2b: {  	_ =	swait.ge [sflag:s4], $0x4000  }
0x2c: {  	[sflag:s4] =	ssyncset.done $0x0  }
0x2d: {  	s18 =	sadd.s32 s29, s18;
	[sflag:s4] =	ssyncadd.s32 $0xFFFFC000  }
0x2e: {  	[hbm4b:s18+s3] =	stream.linear.scatter [tilespmem:s12], [sflag:$0x3], $0x4000, $0x38;
	[tilespmem:$0x10400] =	vst v63  }
0x2f: {  	_ =	swait.ge [sflag:s4], $0x4000  }
0x30: {  	[sflag:s4] =	ssyncset.done $0x0  }
0x31: {  	[sflag:s4] =	ssyncadd.s32 $0xFFFFC000  }
0x32: {  	_ =	swait.ge [sflag:s10], $0x4000  }
0x33: {  	[sflag:s10] =	ssyncset.done $0x0  }
0x34: {  	[sflag:s10] =	ssyncadd.s32 $0xFFFFC000  }
0x35: {  	_ =	swait.ge [sflag:s10], $0x4000  }
0x36: {  	[sflag:s10] =	ssyncset.done $0x0  }
0x37: {  	s19 =	simm.s32 $0x180;
	[sflag:s10] =	ssyncadd.s32 $0xFFFFC000  }
0x38: {  	[tilespmem:s11], [sflag:$0x2] =	stream.indirect.gather [hbm4b:s6+s7], $0x80, s19, s7, $0xb8;
	[tilespmem:$0x10400] =	vst v63  }
0x39: {  	s21 =	sadd.s32 $0x1000, s23  }
0x3a: {  	[tilespmem:s12], [sflag:$0x2] =	stream.indirect.gather [hbm4b:s2+s7], $0x80, s19, s7, $0xb8;
	[tilespmem:$0x10400] =	vst v63  }
0x3b: {  	s20 =	sadd.s32 s28, s21  }
0x3c: {  	[hbm4b:s20+s3] =	stream.linear.scatter [tilespmem:s8], [sflag:$0x3], $0x4000, $0x38;
	[tilespmem:$0x10400] =	vst v63  }
0x3d: {  	_ =	swait.ge [sflag:s4], $0x4000  }
0x3e: {  	[sflag:s4] =	ssyncset.done $0x0  }
0x3f: {  	s21 =	sadd.s32 s29, s21;
	[sflag:s4] =	ssyncadd.s32 $0xFFFFC000  }
0x40: {  	[hbm4b:s21+s3] =	stream.linear.scatter [tilespmem:s9], [sflag:$0x3], $0x4000, $0x38;
	[tilespmem:$0x10400] =	vst v63  }
0x41: {  	_ =	swait.ge [sflag:s4], $0x4000  }
0x42: {  	[sflag:s4] =	ssyncset.done $0x0  }
0x43: {  	[sflag:s4] =	ssyncadd.s32 $0xFFFFC000  }
0x44: {  	_ =	swait.ge [sflag:s15], $0x4000  }
0x45: {  	[sflag:s15] =	ssyncset.done $0x0  }
0x46: {  	[sflag:s15] =	ssyncadd.s32 $0xFFFFC000  }
0x47: {  	_ =	swait.ge [sflag:s15], $0x4000  }
0x48: {  	[sflag:s15] =	ssyncset.done $0x0  }
0x49: {  	s22 =	simm.s32 $0x200;
	[sflag:s15] =	ssyncadd.s32 $0xFFFFC000  }
0x4a: {  	[tilespmem:s8], [sflag:$0x1] =	stream.indirect.gather [hbm4b:s6+s7], $0x80, s22, s7, $0xb8;
	[tilespmem:$0x10400] =	vst v63  }
0x4b: {  	s24 =	sadd.s32 $0x1800, s23  }
0x4c: {  	[tilespmem:s9], [sflag:$0x1] =	stream.indirect.gather [hbm4b:s2+s7], $0x80, s22, s7, $0xb8;
	[tilespmem:$0x10400] =	vst v63  }
0x4d: {  	s23 =	sadd.s32 s28, s24  }
0x4e: {  	[hbm4b:s23+s3] =	stream.linear.scatter [tilespmem:s11], [sflag:$0x3], $0x4000, $0x38;
	[tilespmem:$0x10400] =	vst v63  }
0x4f: {  	_ =	swait.ge [sflag:s4], $0x4000  }
0x50: {  	[sflag:s4] =	ssyncset.done $0x0  }
0x51: {  	s24 =	sadd.s32 s29, s24;
	[sflag:s4] =	ssyncadd.s32 $0xFFFFC000  }
0x52: {  	[hbm4b:s24+s3] =	stream.linear.scatter [tilespmem:s12], [sflag:$0x3], $0x4000, $0x38;
	[tilespmem:$0x10400] =	vst v63  }
0x53: {  	_ =	swait.ge [sflag:s4], $0x4000  }
0x54: {  	[sflag:s4] =	ssyncset.done $0x0  }
0x55: {  	s26 =	smul.u32 $0x14000, s26;
	[sflag:s4] =	ssyncadd.s32 $0xFFFFC000  }
0x56: {  	_ =	swait.ge [sflag:s10], $0x4000  }
0x57: {  	s26 =	sshrl.u32 s26, $0x3;
	[sflag:s10] =	ssyncset.done $0x0  }
0x58: {  	s30 =	ssub.s32 $0x2, s25;
	s26 =	sadd.s32 $0x2000, s26;
	[sflag:s10] =	ssyncadd.s32 $0xFFFFC000  }
0x59: {  	s25 =	sadd.s32 s28, s26;
	s28 =	sshrl.u32 s30, $0x1;
	_ =	swait.ge [sflag:s10], $0x4000  }
0x5a: {  	s28 =	ssub.s32 s30, s28;
	[sflag:s10] =	ssyncset.done $0x0  }
0x5b: {  	s28 =	smax.u32 s28, $0x1;
	[sflag:s10] =	ssyncadd.s32 $0xFFFFC000  }
0x5c: {  	[hbm4b:s25+s3] =	stream.linear.scatter [tilespmem:s8], [sflag:$0x3], $0x4000, $0x38;
	[tilespmem:$0x10400] =	vst v63  }
0x5d: {  	p0 =	sne.s32 s28, $0x1;
	_ =	swait.ge [sflag:s4], $0x4000  }
.Ltmp0:
0x5e: {  	[sflag:s4] =	ssyncset.done $0x0;
	(pc) =	sbr.rel @!p0 .LBB2_2-.Ltmp0, $4  }
0x5f: {  	s26 =	sadd.s32 s29, s26;
	[sflag:s4] =	ssyncadd.s32 $0xFFFFC000  }
0x60: {  	[hbm4b:s26+s3] =	stream.linear.scatter [tilespmem:s9], [sflag:$0x3], $0x4000, $0x38;
	[tilespmem:$0x10400] =	vst v63  }
0x61: {  	_ =	swait.ge [sflag:s4], $0x4000  }
0x62: {  	s28 =	sadd.s32 $0xFFFFFFFF, s28;
	[sflag:s4] =	ssyncset.done $0x0  }
.LBB2_1:
0x63: {  	p0 =	sne.s32 s28, $0x1;
	s28 =	sadd.s32 $0xFFFFFFFF, s28;
	[sflag:s4] =	ssyncadd.s32 $0xFFFFC000  }
0x64: {  	[tilespmem:s3], [sflag:$0x3] =	stream.linear.gather [hbm4b:s5+s3], $0x280, $0x38;
	[tilespmem:$0x10400] =	vst v63  }
0x65: {  	_ =	swait.ge [sflag:s4], $0x280  }
0x66: {  	[sflag:s4] =	ssyncset.done $0x0  }
0x67: {  	[sflag:s4] =	ssyncadd.s32 $0xFFFFFD80  }
0x68: {  	[tilespmem:s8], [sflag:$0x1] =	stream.indirect.gather [hbm4b:s6+s7], $0x80, s3, s7, $0xb8;
	[tilespmem:$0x10400] =	vst v63  }
0x69: {  	_ = 	snop  }
0x6a: {  	[tilespmem:s9], [sflag:$0x1] =	stream.indirect.gather [hbm4b:s2+s7], $0x80, s3, s7, $0xb8;
	[tilespmem:$0x10400] =	vst v63  }
0x6b: {  	_ =	swait.ge [sflag:s10], $0x4000  }
0x6c: {  	[sflag:s10] =	ssyncset.done $0x0  }
0x6d: {  	[sflag:s10] =	ssyncadd.s32 $0xFFFFC000  }
0x6e: {  	_ =	swait.ge [sflag:s10], $0x4000  }
0x6f: {  	[sflag:s10] =	ssyncset.done $0x0  }
0x70: {  	[sflag:s10] =	ssyncadd.s32 $0xFFFFC000  }
0x71: {  	[tilespmem:s11], [sflag:$0x2] =	stream.indirect.gather [hbm4b:s6+s7], $0x80, s7, s7, $0xb8;
	[tilespmem:$0x10400] =	vst v63  }
0x72: {  	_ = 	snop  }
0x73: {  	[tilespmem:s12], [sflag:$0x2] =	stream.indirect.gather [hbm4b:s2+s7], $0x80, s7, s7, $0xb8;
	[tilespmem:$0x10400] =	vst v63  }
0x74: {  	_ = 	snop  }
0x75: {  	[hbm4b:s13+s3] =	stream.linear.scatter [tilespmem:s8], [sflag:$0x3], $0x4000, $0x38;
	[tilespmem:$0x10400] =	vst v63  }
0x76: {  	_ =	swait.ge [sflag:s4], $0x4000  }
0x77: {  	[sflag:s4] =	ssyncset.done $0x0  }
0x78: {  	[sflag:s4] =	ssyncadd.s32 $0xFFFFC000  }
0x79: {  	[hbm4b:s14+s3] =	stream.linear.scatter [tilespmem:s9], [sflag:$0x3], $0x4000, $0x38;
	[tilespmem:$0x10400] =	vst v63  }
0x7a: {  	_ =	swait.ge [sflag:s4], $0x4000  }
0x7b: {  	[sflag:s4] =	ssyncset.done $0x0  }
0x7c: {  	[sflag:s4] =	ssyncadd.s32 $0xFFFFC000  }
0x7d: {  	_ =	swait.ge [sflag:s15], $0x4000  }
0x7e: {  	[sflag:s15] =	ssyncset.done $0x0  }
0x7f: {  	[sflag:s15] =	ssyncadd.s32 $0xFFFFC000  }
0x80: {  	_ =	swait.ge [sflag:s15], $0x4000  }
0x81: {  	[sflag:s15] =	ssyncset.done $0x0  }
0x82: {  	[sflag:s15] =	ssyncadd.s32 $0xFFFFC000  }
0x83: {  	[tilespmem:s8], [sflag:$0x1] =	stream.indirect.gather [hbm4b:s6+s7], $0x80, s16, s7, $0xb8;
	[tilespmem:$0x10400] =	vst v63  }
0x84: {  	_ = 	snop  }
0x85: {  	[tilespmem:s9], [sflag:$0x1] =	stream.indirect.gather [hbm4b:s2+s7], $0x80, s16, s7, $0xb8;
	[tilespmem:$0x10400] =	vst v63  }
0x86: {  	_ = 	snop  }
0x87: {  	[hbm4b:s17+s3] =	stream.linear.scatter [tilespmem:s11], [sflag:$0x3], $0x4000, $0x38;
	[tilespmem:$0x10400] =	vst v63  }
0x88: {  	_ =	swait.ge [sflag:s4], $0x4000  }
0x89: {  	[sflag:s4] =	ssyncset.done $0x0  }
0x8a: {  	[sflag:s4] =	ssyncadd.s32 $0xFFFFC000  }
0x8b: {  	[hbm4b:s18+s3] =	stream.linear.scatter [tilespmem:s12], [sflag:$0x3], $0x4000, $0x38;
	[tilespmem:$0x10400] =	vst v63  }
0x8c: {  	_ =	swait.ge [sflag:s4], $0x4000  }
0x8d: {  	[sflag:s4] =	ssyncset.done $0x0  }
0x8e: {  	[sflag:s4] =	ssyncadd.s32 $0xFFFFC000  }
0x8f: {  	_ =	swait.ge [sflag:s10], $0x4000  }
0x90: {  	[sflag:s10] =	ssyncset.done $0x0  }
0x91: {  	[sflag:s10] =	ssyncadd.s32 $0xFFFFC000  }
0x92: {  	_ =	swait.ge [sflag:s10], $0x4000  }
0x93: {  	[sflag:s10] =	ssyncset.done $0x0  }
0x94: {  	[sflag:s10] =	ssyncadd.s32 $0xFFFFC000  }
0x95: {  	[tilespmem:s11], [sflag:$0x2] =	stream.indirect.gather [hbm4b:s6+s7], $0x80, s19, s7, $0xb8;
	[tilespmem:$0x10400] =	vst v63  }
0x96: {  	_ = 	snop  }
0x97: {  	[tilespmem:s12], [sflag:$0x2] =	stream.indirect.gather [hbm4b:s2+s7], $0x80, s19, s7, $0xb8;
	[tilespmem:$0x10400] =	vst v63  }
0x98: {  	_ = 	snop  }
0x99: {  	[hbm4b:s20+s3] =	stream.linear.scatter [tilespmem:s8], [sflag:$0x3], $0x4000, $0x38;
	[tilespmem:$0x10400] =	vst v63  }
0x9a: {  	_ =	swait.ge [sflag:s4], $0x4000  }
0x9b: {  	[sflag:s4] =	ssyncset.done $0x0  }
0x9c: {  	[sflag:s4] =	ssyncadd.s32 $0xFFFFC000  }
0x9d: {  	[hbm4b:s21+s3] =	stream.linear.scatter [tilespmem:s9], [sflag:$0x3], $0x4000, $0x38;
	[tilespmem:$0x10400] =	vst v63  }
0x9e: {  	_ =	swait.ge [sflag:s4], $0x4000  }
0x9f: {  	[sflag:s4] =	ssyncset.done $0x0  }
0xa0: {  	[sflag:s4] =	ssyncadd.s32 $0xFFFFC000  }
0xa1: {  	_ =	swait.ge [sflag:s15], $0x4000  }
0xa2: {  	[sflag:s15] =	ssyncset.done $0x0  }
0xa3: {  	[sflag:s15] =	ssyncadd.s32 $0xFFFFC000  }
0xa4: {  	_ =	swait.ge [sflag:s15], $0x4000  }
0xa5: {  	[sflag:s15] =	ssyncset.done $0x0  }
0xa6: {  	[sflag:s15] =	ssyncadd.s32 $0xFFFFC000  }
0xa7: {  	[tilespmem:s8], [sflag:$0x1] =	stream.indirect.gather [hbm4b:s6+s7], $0x80, s22, s7, $0xb8;
	[tilespmem:$0x10400] =	vst v63  }
0xa8: {  	_ = 	snop  }
0xa9: {  	[tilespmem:s9], [sflag:$0x1] =	stream.indirect.gather [hbm4b:s2+s7], $0x80, s22, s7, $0xb8;
	[tilespmem:$0x10400] =	vst v63  }
0xaa: {  	_ = 	snop  }
0xab: {  	[hbm4b:s23+s3] =	stream.linear.scatter [tilespmem:s11], [sflag:$0x3], $0x4000, $0x38;
	[tilespmem:$0x10400] =	vst v63  }
0xac: {  	_ =	swait.ge [sflag:s4], $0x4000  }
0xad: {  	[sflag:s4] =	ssyncset.done $0x0  }
0xae: {  	[sflag:s4] =	ssyncadd.s32 $0xFFFFC000  }
0xaf: {  	[hbm4b:s24+s3] =	stream.linear.scatter [tilespmem:s12], [sflag:$0x3], $0x4000, $0x38;
	[tilespmem:$0x10400] =	vst v63  }
0xb0: {  	_ =	swait.ge [sflag:s4], $0x4000  }
0xb1: {  	[sflag:s4] =	ssyncset.done $0x0  }
0xb2: {  	[sflag:s4] =	ssyncadd.s32 $0xFFFFC000  }
0xb3: {  	_ =	swait.ge [sflag:s10], $0x4000  }
0xb4: {  	[sflag:s10] =	ssyncset.done $0x0  }
0xb5: {  	[sflag:s10] =	ssyncadd.s32 $0xFFFFC000  }
0xb6: {  	_ =	swait.ge [sflag:s10], $0x4000  }
0xb7: {  	[sflag:s10] =	ssyncset.done $0x0  }
0xb8: {  	[sflag:s10] =	ssyncadd.s32 $0xFFFFC000  }
0xb9: {  	[hbm4b:s25+s3] =	stream.linear.scatter [tilespmem:s8], [sflag:$0x3], $0x4000, $0x38;
	[tilespmem:$0x10400] =	vst v63  }
0xba: {  	_ =	swait.ge [sflag:s4], $0x4000  }
.Ltmp1:
0xbb: {  	[sflag:s4] =	ssyncset.done $0x0;
	(pc) =	sbr.rel @p0 .LBB2_1-.Ltmp1, $4  }
0xbc: {  	[sflag:s4] =	ssyncadd.s32 $0xFFFFC000  }
0xbd: {  	[hbm4b:s26+s3] =	stream.linear.scatter [tilespmem:s9], [sflag:$0x3], $0x4000, $0x38;
	[tilespmem:$0x10400] =	vst v63  }
0xbe: {  	_ =	swait.ge [sflag:s4], $0x4000  }
0xbf: {  	[sflag:s4] =	ssyncset.done $0x0  }
.LBB2_2:
0xc0: {  	[sflag:s4] =	ssyncadd.s32 $0xFFFFC000  }
0xc1: {  	_ =	sfence.sel $0x180000  }
0xc2: {  	[bflag:$0x0] =	sbarrier.arrive $0xFFFF  }
0xc3: {  	p0 =	sne.s32 s0, $0x0;
	_ =	strace $0x9000004A  }
0xc4: {  	s0 =	sadd.s32 @!p0 $0x100000, s1;
	[bflag:$0x2] =	sbarrier.arrive $0xFFFF  }
0xc5: {  	[sflag:s0] =	ssyncadd.tile.s32 @!p0 $0x1;
	_ =	shalt  }
.Lfunc_end2:
_tile_overlayer_lowered:
.L_overlay_start_2:
0xc6: {  	(tag) =	ssettag $0x2  }
0xc7: {  	s0 =	rddreg [dreg:$0x0];
	s2 =	stileid.u32  }
0xc8: {  	s1 =	rddreg [dreg:$0x1];
	p0 =	sne.s32 s2, $0x0  }
0xc9: {  	s3 =	rddreg [dreg:$0x2];
	[bflag:$0x3] =	sbarrier.arrive $0xFFFF;
	s2 =	simm.s32 @!p0 $0x1C03  }
0xca: {  	[timem:s3], [sflag:s2] =	dma.local @!p0 [hbm:s0], s1  }
0xcb: {  	s0 =	simm.s32 @!p0 $0x3  }
0xcc: {  	_ =	swait.ge @!p0 [sflag:s0], s1  }
0xcd: {  	s1 =	ssub.s32 @!p0 $0x0, s1;
	[sflag:s0] =	ssyncset.done @!p0 $0x0  }
0xce: {  	[sflag:s0] =	ssyncadd.s32 @!p0 s1  }
0xcf: {  	[bflag:$0x3] =	sbarrier.arrive $0xFFFF  }
0xd0: {  	_ =	shalt  }

// kernel: kernel.17.cloned.1.call-start
scs
__scs_entry_jumppad:
0x0: {  	(pc) =	sbr.rel $0x88, $3  }
0x1: {  	(tag) =	ssettag $0x0;
	lr =	simm.s32 $0x1  }
0x2: {  	[smem:$0x3F8B] =	sst lr;
	_ =	strace $0xD0000000  }
0x3: {  	_ = 	snop  }
0x4: {  	_ = 	snop  }
0x5: {  	_ = 	snop  }
0x6: {  	_ = 	snop  }
0x7: {  	_ = 	snop  }
__scs_overlays_trampoline_lowered:
0x8: {  	[smem:$0x3F9A] =	sst s0  }
0x9: {  	[smem:$0x3F9B] =	sst s1  }
0xa: {  	[smem:$0x3F9C] =	sst s2  }
0xb: {  	[smem:$0x3F9D] =	sst s3  }
0xc: {  	[smem:$0x3F9E] =	sst s4  }
0xd: {  	[smem:$0x3F9F] =	sst s5  }
0xe: {  	[smem:$0x3FA0] =	sst s6  }
0xf: {  	[smem:$0x3FA1] =	sst s7  }
0x10: {  	[smem:$0x3FA2] =	sst s8  }
0x11: {  	[smem:$0x3FA3] =	sst s9;
	s0 =	simm.s32 @!p0 $0x0  }
0x12: {  	s1 =	sld [smem:$0x3F89];
	s0 =	simm.s32 @p0 $0x1  }
0x13: {  	[smem:$0x3FA4] =	sst s0;
	s0 =	simm.s32 @!p1 $0x0  }
0x14: {  	s2 =	sld [smem:$0x3F88];
	s0 =	simm.s32 @p1 $0x1  }
0x15: {  	[smem:$0x3FA5] =	sst s0;
	s0 =	simm.s32 @!p2 $0x0  }
0x16: {  	s3 =	sld [smem:$0x3FDB];
	s0 =	simm.s32 @p2 $0x1  }
0x17: {  	s4 =	simm.s32 $0x1BF5;
	[smem:$0x3FA7] =	sst s0  }
0x18: {  	s0 =	sld [smem:$0x3F8A];
	_ =	swait.ge [sflag:s4], $0x0  }
0x19: {  	s7 =	sld [smem:$0x3F8B]  }
0x1a: {  	s8 =	sadd.s32 $0xFFFFE003, lr  }
0x1b: {  	s9 =	sadd.s32 $0xFFFFFEF7, lr;
	s5 =	simm.s32 $0xFFFFFFFF;
	p2 =	slt.u32 s8, $0xFFFFF086  }
0x1c: {  	p1 =	slt.u32 s9, $0xF7A;
	s5 =	simm.s32 @!p2 $0x0  }
0x1d: {  	s5 =	simm.s32 @p1 $0x1;
	p0 =	seq.s32 s7, s2  }
0x1e: {  	s7 =	smul.u32 @!p0 $0xF7A, s2;
	p2 =	seq.s32 @!p0 s5, $0x0  }
0x1f: {  	s9 =	smul.u32 $0xF7A, s1;
	s8 =	simm.s32 @!p0 $0x1BF5;
	p2 =	por !p2, p0  }
0x20: {  	[sflag:s8] =	ssyncset.s32 @!p0 $0xFFFFF086;
	s6 =	sadd.s32 @!p0 s3, s7;
	s7 =	simm.s32 @!p0 $0x108  }
0x21: {  	s3 =	sadd.s32 s3, s9;
	s6 =	sadd.s32 @!p0 $0x88, s6;
	s7 =	simm.s32 @p2 $0x1082  }
0x22: {  	[simem:s7], [sflag:s8] =	dma.local @!p0 [hbm:s6], $0xF7A  }
0x23: {  	s9 =	sor.u32 $0xD0000000, s2;
	s6 =	simm.s32 $0x108;
	_ =	swait.ge @!p0 [sflag:s8], $0x0  }
0x24: {  	s3 =	sadd.s32 $0x88, s3;
	s6 =	simm.s32 @!p1 $0x1082;
	[sflag:s4] =	ssyncset.s32 $0xFFFFF086  }
0x25: {  	[simem:s6], [sflag:s4] =	dma.local [hbm:s3], $0xF7A  }
0x26: {  	[smem:$0x3F8B] =	sst s1;
	(tag) =	ssettag s2;
	_ =	strace s9  }
0x27: {  	s1 =	sld [smem:$0x3F9B]  }
0x28: {  	s2 =	sld [smem:$0x3F9C]  }
0x29: {  	s4 =	sld [smem:$0x3F9E]  }
0x2a: {  	p0 =	seq.s32 s5, $0x0;
	s5 =	sld [smem:$0x3F9F]  }
0x2b: {  	s6 =	sld [smem:$0x3FA0]  }
0x2c: {  	s7 =	sld [smem:$0x3FA1]  }
0x2d: {  	s3 =	simm.s32 $0x108;
	s8 =	sld [smem:$0x3FA2]  }
0x2e: {  	s3 =	simm.s32 @!p0 $0x1082;
	s9 =	sld [smem:$0x3FA3]  }
0x2f: {  	lr =	sadd.s32 s0, s3;
	s0 =	sld [smem:$0x3F9A]  }
0x30: {  	s3 =	sld [smem:$0x3F9D]  }
0x31: {  	[smem:$0x3FA6] =	sst s10  }
0x32: {  	s10 =	sld [smem:$0x3FA4];
	_ =	sdelay $0x3  }
0x33: {  	p0 =	seq.s32 s10, $0x1;
	s10 =	sld [smem:$0x3FA6];
	_ =	sdelay $0x3  }
0x34: {  	[smem:$0x3FA6] =	sst s10  }
0x35: {  	s10 =	sld [smem:$0x3FA5];
	_ =	sdelay $0x3  }
0x36: {  	p1 =	seq.s32 s10, $0x1;
	s10 =	sld [smem:$0x3FA6];
	_ =	sdelay $0x3  }
0x37: {  	[smem:$0x3FA6] =	sst s10  }
0x38: {  	s10 =	sld [smem:$0x3FA7]  }
0x39: {  	_ = 	snop;
	(pc) =	sbr.ind lr, $3  }
0x3a: {  	_ = 	snop  }
0x3b: {  	_ = 	snop  }
0x3c: {  	p2 =	seq.s32 s10, $0x1;
	s10 =	sld [smem:$0x3FA6]  }
0x3d: {  	_ =	shalt  }
0x3e: {  	_ =	shalt  }
0x3f: {  	_ =	shalt  }
0x40: {  	_ =	shalt  }
0x41: {  	_ =	shalt  }
0x42: {  	_ =	shalt  }
0x43: {  	_ =	shalt  }
0x44: {  	_ =	shalt  }
0x45: {  	_ =	shalt  }
0x46: {  	_ =	shalt  }
0x47: {  	_ =	shalt  }
0x48: {  	_ =	shalt  }
0x49: {  	_ =	shalt  }
0x4a: {  	_ =	shalt  }
0x4b: {  	_ =	shalt  }
0x4c: {  	_ =	shalt  }
0x4d: {  	_ =	shalt  }
0x4e: {  	_ =	shalt  }
0x4f: {  	_ =	shalt  }
0x50: {  	_ =	shalt  }
0x51: {  	_ =	shalt  }
0x52: {  	_ =	shalt  }
0x53: {  	_ =	shalt  }
0x54: {  	_ =	shalt  }
0x55: {  	_ =	shalt  }
0x56: {  	_ =	shalt  }
0x57: {  	_ =	shalt  }
0x58: {  	_ =	shalt  }
0x59: {  	_ =	shalt  }
0x5a: {  	_ =	shalt  }
0x5b: {  	_ =	shalt  }
0x5c: {  	_ =	shalt  }
0x5d: {  	_ =	shalt  }
0x5e: {  	_ =	shalt  }
0x5f: {  	_ =	shalt  }
0x60: {  	_ =	shalt  }
0x61: {  	_ =	shalt  }
0x62: {  	_ =	shalt  }
0x63: {  	_ =	shalt  }
0x64: {  	_ =	shalt  }
0x65: {  	_ =	shalt  }
0x66: {  	_ =	shalt  }
0x67: {  	_ =	shalt  }
0x68: {  	_ =	shalt  }
0x69: {  	_ =	shalt  }
0x6a: {  	_ =	shalt  }
0x6b: {  	_ =	shalt  }
0x6c: {  	_ =	shalt  }
0x6d: {  	_ =	shalt  }
0x6e: {  	_ =	shalt  }
0x6f: {  	_ =	shalt  }
0x70: {  	_ =	shalt  }
0x71: {  	_ =	shalt  }
0x72: {  	_ =	shalt  }
0x73: {  	_ =	shalt  }
0x74: {  	_ =	shalt  }
0x75: {  	_ =	shalt  }
0x76: {  	_ =	shalt  }
0x77: {  	_ =	shalt  }
0x78: {  	_ =	shalt  }
0x79: {  	_ =	shalt  }
0x7a: {  	_ =	shalt  }
0x7b: {  	_ =	shalt  }
0x7c: {  	_ =	shalt  }
0x7d: {  	_ =	shalt  }
0x7e: {  	_ =	shalt  }
0x7f: {  	_ =	shalt  }
0x80: {  	_ =	shalt  }
0x81: {  	_ =	shalt  }
0x82: {  	_ =	shalt  }
0x83: {  	_ =	shalt  }
0x84: {  	_ =	shalt  }
0x85: {  	_ =	shalt  }
0x86: {  	_ =	shalt  }
0x87: {  	_ =	shalt  }
.Lfunc_end0:
.L_simem_size_0:
called_computation.2_lowered:
.L_overlay_start_0:
0x88: {  	s2 =	sld [smem:$0x3FD9]  }
0x89: {  	s3 =	sld [smem:$0x3FFE];
	_ =	sdelay $0x1  }
0x8a: {  	s1 =	srdreg.scid  }
0x8b: {  	s0 =	sand.u32 $0x1, s1  }
0x8c: {  	s17 =	sshll.u32 s0, $0xA;
	s2 =	sadd.s32 s3, s2  }
0x8d: {  	s2 =	sadd.s32 s2, s17  }
0x8e: {  	[smem:$0x3FB2] =	sst s2  }
0x8f: {  	_ = 	snop  }
0x90: {  	s18 =	sld [smem:$0x3FC4];
	(tm) =	ssettm $0x1  }
0x91: {  	s19 =	sld [smem:$0x3FFB];
	_ =	sdelay $0x3  }
0x92: {  	_ =	strace s19  }
0x93: {  	s2 =	sld [smem:$0x3FFC];
	_ =	sdelay $0x3  }
0x94: {  	_ =	strace s2  }
0x95: {  	s2 =	sld [smem:$0x3FFD];
	_ =	sdelay $0x3  }
0x96: {  	_ =	strace s2  }
0x97: {  	_ =	strace $0x8FFFFFFF  }
0x98: {  	s20 =	sld [smem:$0x3FDB];
	_ =	sdelay $0x1  }
0x99: {  	s4 =	simm.s32 $_scs_section_size  }
0x9a: {  	s5 =	simm.s32 $_size__tile_overlayer_lowered;
	s6 =	simm.s32 $_tile_overlayer_lowered  }
0x9b: {  	s7 =	simm.s32 $0x1BFF;
	s21 =	sshll.u32 s6, $0x1;
	s4 =	sadd.s32 s4, s20  }
0x9c: {  	s22 =	simm.s32 $0x0;
	s5 =	sshll.u32 s5, $0x1;
	s6 =	sadd.s32 s21, s4  }
0x9d: {  	[timem:s22], [sflag:s7] =	dma.local [hbm:s6], s5  }
0x9e: {  	_ =	swait.ge [sflag:s7], s5  }
0x9f: {  	s5 =	ssub.s32 $0x0, s5;
	[sflag:s7] =	ssyncset.done $0x0  }
0xa0: {  	[sflag:s7] =	ssyncadd.s32 s5;
	_ =	sdelay $0x1  }
0xa1: {  	s23 =	simm.s32 $0x1B8B  }
0xa2: {  	_ =	swait.ge [sflag:s23], $0x1  }
0xa3: {  	[sflag:s23] =	ssyncset.done $0x0  }
0xa4: {  	[sflag:s23] =	ssyncadd.s32 $0xFFFFFFFF  }
0xa5: {  	s5 =	sld [smem:$0x0]  }
0xa6: {  	s6 =	sand.u32 $0xFFFFFFFE, s1  }
0xa7: {  	p0 =	sne.s32 s1, s6  }
0xa8: {  	s6 =	sshll.u32 @p0 s6, $0xE  }
0xa9: {  	s6 =	sadd.s32 @p0 $0x11B8D, s6;
	s7 =	sshll.u32 @p0 s5, $0x11  }
0xaa: {  	s6 =	sor.u32 @p0 s7, s6  }
0xab: {  	[sflag:s6] =	ssyncadd.remote.s32 @p0 $0x1;
	_ =	sdelay $0x1  }
0xac: {  	s6 =	simm.s32 @p0 $0x1B8D  }
0xad: {  	_ =	swait.eq @p0 [sflag:s6], $0x1  }
0xae: {  	[sflag:s6] =	ssyncadd.s32 @p0 $0xFFFFFFFF  }
0xaf: {  	s7 =	sshll.u32 @!p0 s1, $0xE  }
0xb0: {  	s7 =	sor.u32 @!p0 $0x4000, s7;
	s6 =	simm.s32 @!p0 $0x1B8D  }
0xb1: {  	s5 =	sshll.u32 @!p0 s5, $0x11;
	s7 =	sadd.s32 @!p0 $0x11B8D, s7;
	_ =	swait.eq @!p0 [sflag:s6], $0x1  }
0xb2: {  	s5 =	sor.u32 @!p0 s5, s7;
	[sflag:s6] =	ssyncadd.s32 @!p0 $0xFFFFFFFF  }
0xb3: {  	s25 =	simm.s32 $0x1B8E;
	s24 =	sld [smem:$0x3FFE];
	[sflag:s5] =	ssyncadd.remote.s32 @!p0 $0x1  }
0xb4: {  	s26 =	simm.s32 $execute0_lowered;
	[smem:$0x3FD2] =	sst s25  }
0xb5: {  	s6 =	sshll.u32 s26, $0x1;
	_ =	strace $0x8000004F;
	[dreg:$0x1] =	wrdreg $0xFFFFFFFF  }
0xb6: {  	s28 =	simm.s32 $_size_execute0_lowered;
	s4 =	sadd.s32 s4, s6;
	[dreg:$0x0] =	wrdreg $0x0  }
0xb7: {  	s6 =	sshll.u32 s28, $0x1;
	[dreg:$0x2] =	wrdreg s4  }
0xb8: {  	[dreg:$0x3] =	wrdreg s6  }
0xb9: {  	[dreg:$0x4] =	wrdreg $0xC0  }
0xba: {  	_ =	task [dreg:s22], $0x5FFFF  }
0xbb: {  	[dreg:$0x1] =	wrdreg $0xFFFFFFFF  }
0xbc: {  	[dreg:$0x0] =	wrdreg $0x60  }
0xbd: {  	[dreg:$0x2] =	wrdreg s18  }
0xbe: {  	[dreg:$0x3] =	wrdreg s24  }
0xbf: {  	[dreg:$0x4] =	wrdreg $0x9  }
0xc0: {  	_ =	task.clear_ibuf [dreg:s22], $0x5FFFF;
	_ =	strace $0x9000004F  }
0xc1: {  	s29 =	simm.s32 $0x9;
	_ =	strace $0x80000051  }
0xc2: {  	_ =	swait.ge [sflag:s29], $0x1  }
0xc3: {  	[sflag:s29] =	ssyncadd.s32 $0xFFFFFFFF  }
0xc4: {  	_ =	strace $0x90000051  }
0xc5: {  	_ =	sfence  }
0xc6: {  	s30 =	sld [smem:$0x0];
	_ =	sdelay $0x2  }
0xc7: {  	s31 =	sshll.u32 s1, $0xD;
	s1 =	sshrl.u32 s1, $0x2  }
0xc8: {  	s4 =	sand.u32 $0x4000, s31;
	s1 =	sadd.s32 s1, s30  }
0xc9: {  	s0 =	sor.u32 s4, s0;
	s1 =	sshll.u32 s1, $0x11  }
0xca: {  	s0 =	sor.u32 s1, s0  }
0xcb: {  	s0 =	sadd.s32 $0x8F2B, s0  }
0xcc: {  	[sflag:s0] =	ssyncadd.remote.s32 $0x1  }
0xcd: {  	_ =	sfence.sel $0xFFFF  }
0xce: {  	[dreg:$0x0] =	wrdreg $0xFFFFFFFF;
	(pc) =	sbr.abs _section_cstart, $3  }
0xcf: {  	[dreg:$0x1] =	wrdreg $0xFFFFFFFF  }
0xd0: {  	_ =	task.clear_ibuf [dreg:s22], $0x2FFFF;
	_ =	strace $0x9FFFFFFF  }
0xd1: {  	(tm) =	ssettm $0x7FFFFFFF  }
tec
execute0_lowered:
.L_overlay_start_1:
0x0: {  	(tag) =	ssettag $0x1  }
0x1: {  	s2 =	rddreg [dreg:$0x0];
	s1 =	srdreg.scid  }
0x2: {  	s0 =	stileid.u32;
	s4 =	rddreg [dreg:$0x1];
	s3 =	simm.s32 $0x0  }
0x3: {  	s13 =	simm.s32 $0x80;
	s14 =	simm.s32 $0x5C00;
	s15 =	simm.s32 $0x2  }
0x4: {  	s16 =	simm.s32 $0x1880;
	s17 =	simm.s32 $0x0;
	s9 =	smul.u32 $0x64, s0  }
0x5: {  	s7 =	sand.u32 $0x1, s1;
	s1 =	rddreg [dreg:$0x2];
	s29 =	smul.u32 $0x32000, s0  }
0x6: {  	s5 =	sshll.u32 s0, $0x1;
	[smem:$0x7FF] =	sst s3;
	s11 =	smul.u32 $0x32, s7  }
0x7: {  	s12 =	sadd.s32 $0x3DAA00, s4;
	s5 =	sor.u32 s7, s5;
	s30 =	smul.u32 $0x19000, s7  }
0x8: {  	_ =	strace $0x80000050;
	s8 =	ssub.s32 $0x2, s7;
	s6 =	smul.u32 $0x380, s5  }
0x9: {  	s10 =	sshrl.u32 s8, $0x1;
	s25 =	smul.u32 $0x19000, s5;
	s31 =	sadd.s32 s29, s12  }
0xa: {  	s8 =	ssub.s32 s8, s10;
	s26 =	sadd.s32 s11, s9;
	s10 =	simm.s32 $0x3  }
0xb: {  	s11 =	simm.s32 $0x1C00;
	s6 =	sadd.s32 s6, s4;
	s5 =	smax.u32 s8, $0x1  }
0xc: {  	s28 =	sadd.s32 s12, s25;
	s9 =	sshll.u32 s26, $0xB;
	s4 =	sadd.s32 $0x12A00, s6  }
0xd: {  	s6 =	sadd.s32 $0x18000, s28;
	s9 =	sadd.s32 s9, s12;
	s7 =	sadd.s32 $0x18800, s28  }
0xe: {  	s12 =	simm.s32 $0x1;
	s8 =	sadd.s32 $0x800, s9;
	s9 =	sadd.s32 s30, s31  }
.LBB2_1:
0xf: {  	[tilespmem:s3], [sflag:$0x3] =	stream.linear.gather [hbm4b:s4+s3], $0x1900, $0x38;
	[tilespmem:$0x9C00] =	vst v63  }
0x10: {  	_ =	swait.ge [sflag:s10], $0x1900  }
0x11: {  	[sflag:s10] =	ssyncset.done $0x0  }
0x12: {  	[sflag:s10] =	ssyncadd.s32 $0xFFFFE700  }
0x13: {  	[tilespmem:s11], [sflag:$0x1] =	stream.indirect.gather [hbm4b:s2+s13], $0x80, s3, s13, $0xb8;
	[tilespmem:$0x9C00] =	vst v63  }
0x14: {  	_ =	swait.ge [sflag:s12], $0x4000  }
0x15: {  	[sflag:s12] =	ssyncset.done $0x0  }
0x16: {  	[sflag:s12] =	ssyncadd.s32 $0xFFFFC000  }
0x17: {  	[tilespmem:s14], [sflag:$0x2] =	stream.indirect.gather [hbm4b:s2+s13], $0x80, s13, s13, $0xb8;
	[tilespmem:$0x9C00] =	vst v63  }
0x18: {  	s18 =	sadd.s32 $0x0, s9  }
0x19: {  	[hbm4b:s18+s3] =	stream.linear.scatter [tilespmem:s11], [sflag:$0x3], $0x4000, $0x38;
	[tilespmem:$0x9C00] =	vst v63  }
0x1a: {  	_ =	swait.ge [sflag:s10], $0x4000  }
0x1b: {  	[sflag:s10] =	ssyncset.done $0x0  }
0x1c: {  	[sflag:s10] =	ssyncadd.s32 $0xFFFFC000  }
0x1d: {  	_ =	swait.ge [sflag:s15], $0x4000  }
0x1e: {  	[sflag:s15] =	ssyncset.done $0x0  }
0x1f: {  	s30 =	simm.s32 $0x100;
	[sflag:s15] =	ssyncadd.s32 $0xFFFFC000  }
0x20: {  	[tilespmem:s11], [sflag:$0x1] =	stream.indirect.gather [hbm4b:s2+s13], $0x80, s30, s13, $0xb8;
	[tilespmem:$0x9C00] =	vst v63  }
0x21: {  	s31 =	sadd.s32 $0x0, s8  }
0x22: {  	[hbm4b:s31+s3] =	stream.linear.scatter [tilespmem:s14], [sflag:$0x3], $0x4000, $0x38;
	[tilespmem:$0x9C00] =	vst v63  }
0x23: {  	_ =	swait.ge [sflag:s10], $0x4000  }
0x24: {  	s19 =	simm.s32 $0x80;
	s18 =	simm.s32 $0x1000;
	[sflag:s10] =	ssyncset.done $0x0  }
.LBB2_2:
0x25: {  	p0 =	sne.s32 s18, $0x17000;
	[sflag:s10] =	ssyncadd.s32 $0xFFFFC000;
	s19 =	sadd.s32 $0x100, s19  }
0x26: {  	s20 =	smov.u32 s18;
	s18 =	sadd.s32 $0x1000, s18  }
0x27: {  	_ =	swait.ge [sflag:s12], $0x4000  }
0x28: {  	[sflag:s12] =	ssyncset.done $0x0  }
0x29: {  	[sflag:s12] =	ssyncadd.s32 $0xFFFFC000  }
0x2a: {  	[tilespmem:s14], [sflag:$0x2] =	stream.indirect.gather [hbm4b:s2+s13], $0x80, s19, s13, $0xb8;
	[tilespmem:$0x9C00] =	vst v63  }
0x2b: {  	s21 =	sadd.s32 s20, s9  }
0x2c: {  	[hbm4b:s21+s3] =	stream.linear.scatter [tilespmem:s11], [sflag:$0x3], $0x4000, $0x38;
	[tilespmem:$0x9C00] =	vst v63  }
0x2d: {  	_ =	swait.ge [sflag:s10], $0x4000  }
0x2e: {  	[sflag:s10] =	ssyncset.done $0x0  }
0x2f: {  	[sflag:s10] =	ssyncadd.s32 $0xFFFFC000  }
0x30: {  	_ =	swait.ge [sflag:s15], $0x4000  }
0x31: {  	[sflag:s15] =	ssyncset.done $0x0  }
0x32: {  	s21 =	sadd.s32 $0x80, s19;
	[sflag:s15] =	ssyncadd.s32 $0xFFFFC000  }
0x33: {  	[tilespmem:s11], [sflag:$0x1] =	stream.indirect.gather [hbm4b:s2+s13], $0x80, s21, s13, $0xb8;
	[tilespmem:$0x9C00] =	vst v63  }
.Ltmp0:
0x34: {  	_ = 	snop;
	(pc) =	sbr.rel @p0 .LBB2_2-.Ltmp0, $4  }
0x35: {  	s20 =	sadd.s32 s20, s8  }
0x36: {  	[hbm4b:s20+s3] =	stream.linear.scatter [tilespmem:s14], [sflag:$0x3], $0x4000, $0x38;
	[tilespmem:$0x9C00] =	vst v63  }
0x37: {  	_ =	swait.ge [sflag:s10], $0x4000  }
0x38: {  	[sflag:s10] =	ssyncset.done $0x0  }
0x39: {  	[sflag:s10] =	ssyncadd.s32 $0xFFFFC000  }
0x3a: {  	_ =	swait.ge [sflag:s12], $0x4000  }
0x3b: {  	[sflag:s12] =	ssyncset.done $0x0  }
0x3c: {  	[sflag:s12] =	ssyncadd.s32 $0xFFFFC000  }
0x3d: {  	[tilespmem:s14], [sflag:$0x2] =	stream.indirect.gather [hbm4b:s2+s13], $0x80, s16, s13, $0xb8;
	[tilespmem:$0x9C00] =	vst v63  }
0x3e: {  	_ = 	snop  }
0x3f: {  	[hbm4b:s6+s3] =	stream.linear.scatter [tilespmem:s11], [sflag:$0x3], $0x4000, $0x38;
	[tilespmem:$0x9C00] =	vst v63  }
0x40: {  	_ =	swait.ge [sflag:s10], $0x4000  }
0x41: {  	[sflag:s10] =	ssyncset.done $0x0  }
0x42: {  	[sflag:s10] =	ssyncadd.s32 $0xFFFFC000  }
0x43: {  	s17 =	sadd.s32 $0x1, s17;
	_ =	swait.ge [sflag:s15], $0x4000  }
0x44: {  	p0 =	sne.s32 s17, s5;
	[sflag:s15] =	ssyncset.done $0x0  }
.Ltmp1:
0x45: {  	[sflag:s15] =	ssyncadd.s32 $0xFFFFC000;
	(pc) =	sbr.rel @p0 .LBB2_1-.Ltmp1, $4  }
0x46: {  	[hbm4b:s7+s3] =	stream.linear.scatter [tilespmem:s14], [sflag:$0x3], $0x4000, $0x38;
	[tilespmem:$0x9C00] =	vst v63  }
0x47: {  	_ =	swait.ge [sflag:s10], $0x4000  }
0x48: {  	[sflag:s10] =	ssyncset.done $0x0  }
0x49: {  	[sflag:s10] =	ssyncadd.s32 $0xFFFFC000  }
0x4a: {  	_ =	sfence.sel $0x180000  }
0x4b: {  	[bflag:$0x0] =	sbarrier.arrive $0xFFFF  }
0x4c: {  	p0 =	sne.s32 s0, $0x0;
	_ =	strace $0x90000050  }
0x4d: {  	s0 =	sadd.s32 @!p0 $0x100000, s1;
	[bflag:$0x2] =	sbarrier.arrive $0xFFFF  }
0x4e: {  	[sflag:s0] =	ssyncadd.tile.s32 @!p0 $0x1;
	_ =	shalt  }
.Lfunc_end2:
_tile_overlayer_lowered:
.L_overlay_start_2:
0x4f: {  	(tag) =	ssettag $0x2  }
0x50: {  	s0 =	rddreg [dreg:$0x0];
	s2 =	stileid.u32  }
0x51: {  	s1 =	rddreg [dreg:$0x1];
	p0 =	sne.s32 s2, $0x0  }
0x52: {  	s3 =	rddreg [dreg:$0x2];
	[bflag:$0x3] =	sbarrier.arrive $0xFFFF;
	s2 =	simm.s32 @!p0 $0x1C03  }
0x53: {  	[timem:s3], [sflag:s2] =	dma.local @!p0 [hbm:s0], s1  }
0x54: {  	s0 =	simm.s32 @!p0 $0x3  }
0x55: {  	_ =	swait.ge @!p0 [sflag:s0], s1  }
0x56: {  	s1 =	ssub.s32 @!p0 $0x0, s1;
	[sflag:s0] =	ssyncset.done @!p0 $0x0  }
0x57: {  	[sflag:s0] =	ssyncadd.s32 @!p0 s1  }
0x58: {  	[bflag:$0x3] =	sbarrier.arrive $0xFFFF  }
0x59: {  	_ =	shalt  }

// kernel: kernel.20.cloned.1.call-start
scs
__scs_entry_jumppad:
0x0: {  	(pc) =	sbr.rel $0x88, $3  }
0x1: {  	(tag) =	ssettag $0x0;
	lr =	simm.s32 $0x1  }
0x2: {  	[smem:$0x3F8B] =	sst lr;
	_ =	strace $0xD0000000  }
0x3: {  	_ = 	snop  }
0x4: {  	_ = 	snop  }
0x5: {  	_ = 	snop  }
0x6: {  	_ = 	snop  }
0x7: {  	_ = 	snop  }
__scs_overlays_trampoline_lowered:
0x8: {  	[smem:$0x3F9A] =	sst s0  }
0x9: {  	[smem:$0x3F9B] =	sst s1  }
0xa: {  	[smem:$0x3F9C] =	sst s2  }
0xb: {  	[smem:$0x3F9D] =	sst s3  }
0xc: {  	[smem:$0x3F9E] =	sst s4  }
0xd: {  	[smem:$0x3F9F] =	sst s5  }
0xe: {  	[smem:$0x3FA0] =	sst s6  }
0xf: {  	[smem:$0x3FA1] =	sst s7  }
0x10: {  	[smem:$0x3FA2] =	sst s8  }
0x11: {  	[smem:$0x3FA3] =	sst s9;
	s0 =	simm.s32 @!p0 $0x0  }
0x12: {  	s1 =	sld [smem:$0x3F89];
	s0 =	simm.s32 @p0 $0x1  }
0x13: {  	[smem:$0x3FA4] =	sst s0;
	s0 =	simm.s32 @!p1 $0x0  }
0x14: {  	s2 =	sld [smem:$0x3F88];
	s0 =	simm.s32 @p1 $0x1  }
0x15: {  	[smem:$0x3FA5] =	sst s0;
	s0 =	simm.s32 @!p2 $0x0  }
0x16: {  	s3 =	sld [smem:$0x3FDB];
	s0 =	simm.s32 @p2 $0x1  }
0x17: {  	s4 =	simm.s32 $0x1BF5;
	[smem:$0x3FA7] =	sst s0  }
0x18: {  	s0 =	sld [smem:$0x3F8A];
	_ =	swait.ge [sflag:s4], $0x0  }
0x19: {  	s7 =	sld [smem:$0x3F8B]  }
0x1a: {  	s8 =	sadd.s32 $0xFFFFE003, lr  }
0x1b: {  	s9 =	sadd.s32 $0xFFFFFEF7, lr;
	s5 =	simm.s32 $0xFFFFFFFF;
	p2 =	slt.u32 s8, $0xFFFFF086  }
0x1c: {  	p1 =	slt.u32 s9, $0xF7A;
	s5 =	simm.s32 @!p2 $0x0  }
0x1d: {  	s5 =	simm.s32 @p1 $0x1;
	p0 =	seq.s32 s7, s2  }
0x1e: {  	s7 =	smul.u32 @!p0 $0xF7A, s2;
	p2 =	seq.s32 @!p0 s5, $0x0  }
0x1f: {  	s9 =	smul.u32 $0xF7A, s1;
	s8 =	simm.s32 @!p0 $0x1BF5;
	p2 =	por !p2, p0  }
0x20: {  	[sflag:s8] =	ssyncset.s32 @!p0 $0xFFFFF086;
	s6 =	sadd.s32 @!p0 s3, s7;
	s7 =	simm.s32 @!p0 $0x108  }
0x21: {  	s3 =	sadd.s32 s3, s9;
	s6 =	sadd.s32 @!p0 $0x88, s6;
	s7 =	simm.s32 @p2 $0x1082  }
0x22: {  	[simem:s7], [sflag:s8] =	dma.local @!p0 [hbm:s6], $0xF7A  }
0x23: {  	s9 =	sor.u32 $0xD0000000, s2;
	s6 =	simm.s32 $0x108;
	_ =	swait.ge @!p0 [sflag:s8], $0x0  }
0x24: {  	s3 =	sadd.s32 $0x88, s3;
	s6 =	simm.s32 @!p1 $0x1082;
	[sflag:s4] =	ssyncset.s32 $0xFFFFF086  }
0x25: {  	[simem:s6], [sflag:s4] =	dma.local [hbm:s3], $0xF7A  }
0x26: {  	[smem:$0x3F8B] =	sst s1;
	(tag) =	ssettag s2;
	_ =	strace s9  }
0x27: {  	s1 =	sld [smem:$0x3F9B]  }
0x28: {  	s2 =	sld [smem:$0x3F9C]  }
0x29: {  	s4 =	sld [smem:$0x3F9E]  }
0x2a: {  	p0 =	seq.s32 s5, $0x0;
	s5 =	sld [smem:$0x3F9F]  }
0x2b: {  	s6 =	sld [smem:$0x3FA0]  }
0x2c: {  	s7 =	sld [smem:$0x3FA1]  }
0x2d: {  	s3 =	simm.s32 $0x108;
	s8 =	sld [smem:$0x3FA2]  }
0x2e: {  	s3 =	simm.s32 @!p0 $0x1082;
	s9 =	sld [smem:$0x3FA3]  }
0x2f: {  	lr =	sadd.s32 s0, s3;
	s0 =	sld [smem:$0x3F9A]  }
0x30: {  	s3 =	sld [smem:$0x3F9D]  }
0x31: {  	[smem:$0x3FA6] =	sst s10  }
0x32: {  	s10 =	sld [smem:$0x3FA4];
	_ =	sdelay $0x3  }
0x33: {  	p0 =	seq.s32 s10, $0x1;
	s10 =	sld [smem:$0x3FA6];
	_ =	sdelay $0x3  }
0x34: {  	[smem:$0x3FA6] =	sst s10  }
0x35: {  	s10 =	sld [smem:$0x3FA5];
	_ =	sdelay $0x3  }
0x36: {  	p1 =	seq.s32 s10, $0x1;
	s10 =	sld [smem:$0x3FA6];
	_ =	sdelay $0x3  }
0x37: {  	[smem:$0x3FA6] =	sst s10  }
0x38: {  	s10 =	sld [smem:$0x3FA7]  }
0x39: {  	_ = 	snop;
	(pc) =	sbr.ind lr, $3  }
0x3a: {  	_ = 	snop  }
0x3b: {  	_ = 	snop  }
0x3c: {  	p2 =	seq.s32 s10, $0x1;
	s10 =	sld [smem:$0x3FA6]  }
0x3d: {  	_ =	shalt  }
0x3e: {  	_ =	shalt  }
0x3f: {  	_ =	shalt  }
0x40: {  	_ =	shalt  }
0x41: {  	_ =	shalt  }
0x42: {  	_ =	shalt  }
0x43: {  	_ =	shalt  }
0x44: {  	_ =	shalt  }
0x45: {  	_ =	shalt  }
0x46: {  	_ =	shalt  }
0x47: {  	_ =	shalt  }
0x48: {  	_ =	shalt  }
0x49: {  	_ =	shalt  }
0x4a: {  	_ =	shalt  }
0x4b: {  	_ =	shalt  }
0x4c: {  	_ =	shalt  }
0x4d: {  	_ =	shalt  }
0x4e: {  	_ =	shalt  }
0x4f: {  	_ =	shalt  }
0x50: {  	_ =	shalt  }
0x51: {  	_ =	shalt  }
0x52: {  	_ =	shalt  }
0x53: {  	_ =	shalt  }
0x54: {  	_ =	shalt  }
0x55: {  	_ =	shalt  }
0x56: {  	_ =	shalt  }
0x57: {  	_ =	shalt  }
0x58: {  	_ =	shalt  }
0x59: {  	_ =	shalt  }
0x5a: {  	_ =	shalt  }
0x5b: {  	_ =	shalt  }
0x5c: {  	_ =	shalt  }
0x5d: {  	_ =	shalt  }
0x5e: {  	_ =	shalt  }
0x5f: {  	_ =	shalt  }
0x60: {  	_ =	shalt  }
0x61: {  	_ =	shalt  }
0x62: {  	_ =	shalt  }
0x63: {  	_ =	shalt  }
0x64: {  	_ =	shalt  }
0x65: {  	_ =	shalt  }
0x66: {  	_ =	shalt  }
0x67: {  	_ =	shalt  }
0x68: {  	_ =	shalt  }
0x69: {  	_ =	shalt  }
0x6a: {  	_ =	shalt  }
0x6b: {  	_ =	shalt  }
0x6c: {  	_ =	shalt  }
0x6d: {  	_ =	shalt  }
0x6e: {  	_ =	shalt  }
0x6f: {  	_ =	shalt  }
0x70: {  	_ =	shalt  }
0x71: {  	_ =	shalt  }
0x72: {  	_ =	shalt  }
0x73: {  	_ =	shalt  }
0x74: {  	_ =	shalt  }
0x75: {  	_ =	shalt  }
0x76: {  	_ =	shalt  }
0x77: {  	_ =	shalt  }
0x78: {  	_ =	shalt  }
0x79: {  	_ =	shalt  }
0x7a: {  	_ =	shalt  }
0x7b: {  	_ =	shalt  }
0x7c: {  	_ =	shalt  }
0x7d: {  	_ =	shalt  }
0x7e: {  	_ =	shalt  }
0x7f: {  	_ =	shalt  }
0x80: {  	_ =	shalt  }
0x81: {  	_ =	shalt  }
0x82: {  	_ =	shalt  }
0x83: {  	_ =	shalt  }
0x84: {  	_ =	shalt  }
0x85: {  	_ =	shalt  }
0x86: {  	_ =	shalt  }
0x87: {  	_ =	shalt  }
.Lfunc_end0:
.L_simem_size_0:
called_computation.3_lowered:
.L_overlay_start_0:
0x88: {  	s2 =	sld [smem:$0x3FD9]  }
0x89: {  	s3 =	sld [smem:$0x3FFE];
	_ =	sdelay $0x1  }
0x8a: {  	s1 =	srdreg.scid  }
0x8b: {  	s0 =	sand.u32 $0x1, s1  }
0x8c: {  	s17 =	sshll.u32 s0, $0xA;
	s2 =	sadd.s32 s3, s2  }
0x8d: {  	s2 =	sadd.s32 s2, s17  }
0x8e: {  	[smem:$0x3FB2] =	sst s2  }
0x8f: {  	_ = 	snop  }
0x90: {  	s2 =	sld [smem:$0x3FC4];
	(tm) =	ssettm $0x1  }
0x91: {  	s18 =	sld [smem:$0x3FFB];
	_ =	sdelay $0x3  }
0x92: {  	_ =	strace s18  }
0x93: {  	s3 =	sld [smem:$0x3FFC];
	_ =	sdelay $0x3  }
0x94: {  	_ =	strace s3  }
0x95: {  	s3 =	sld [smem:$0x3FFD];
	_ =	sdelay $0x3  }
0x96: {  	_ =	strace s3  }
0x97: {  	_ =	strace $0x8FFFFFFF  }
0x98: {  	s19 =	sld [smem:$0x3FDB];
	_ =	sdelay $0x1  }
0x99: {  	s4 =	simm.s32 $_scs_section_size  }
0x9a: {  	s5 =	simm.s32 $_size__tile_overlayer_lowered;
	s6 =	simm.s32 $_tile_overlayer_lowered  }
0x9b: {  	s22 =	simm.s32 $0x1BFF;
	s21 =	sshll.u32 s6, $0x1;
	s3 =	sadd.s32 s4, s19  }
0x9c: {  	s7 =	simm.s32 $0x0;
	s20 =	sshll.u32 s5, $0x1;
	s5 =	sadd.s32 s21, s3  }
0x9d: {  	[timem:s7], [sflag:s22] =	dma.local [hbm:s5], s20  }
0x9e: {  	_ =	swait.ge [sflag:s22], s20  }
0x9f: {  	s4 =	ssub.s32 $0x0, s20;
	[sflag:s22] =	ssyncset.done $0x0  }
0xa0: {  	[sflag:s22] =	ssyncadd.s32 s4;
	_ =	sdelay $0x1  }
0xa1: {  	s23 =	simm.s32 $0x1B8B  }
0xa2: {  	_ =	swait.ge [sflag:s23], $0x1  }
0xa3: {  	[sflag:s23] =	ssyncset.done $0x0  }
0xa4: {  	s25 =	simm.s32 $0x1B8E;
	s24 =	sld [smem:$0x3FFE];
	[sflag:s23] =	ssyncadd.s32 $0xFFFFFFFF  }
0xa5: {  	s26 =	simm.s32 $execute0_lowered;
	[smem:$0x3FD2] =	sst s25  }
0xa6: {  	s5 =	sshll.u32 s26, $0x1;
	_ =	strace $0x8000004C;
	[dreg:$0x1] =	wrdreg $0xFFFFFFFF  }
0xa7: {  	s28 =	simm.s32 $_size_execute0_lowered;
	s3 =	sadd.s32 s3, s5;
	[dreg:$0x0] =	wrdreg $0x0  }
0xa8: {  	s5 =	sshll.u32 s28, $0x1;
	[dreg:$0x2] =	wrdreg s3  }
0xa9: {  	[dreg:$0x3] =	wrdreg s5  }
0xaa: {  	[dreg:$0x4] =	wrdreg $0xC0  }
0xab: {  	_ =	task [dreg:s7], $0x5FFFF  }
0xac: {  	[dreg:$0x1] =	wrdreg $0xFFFFFFFF  }
0xad: {  	[dreg:$0x0] =	wrdreg $0x60  }
0xae: {  	[dreg:$0x2] =	wrdreg s2  }
0xaf: {  	[dreg:$0x3] =	wrdreg s24  }
0xb0: {  	[dreg:$0x4] =	wrdreg $0xA  }
0xb1: {  	_ =	task.clear_ibuf [dreg:s7], $0x5FFFF;
	_ =	strace $0x9000004C  }
0xb2: {  	s29 =	simm.s32 $0xA;
	_ =	strace $0x8000004E  }
0xb3: {  	_ =	swait.ge [sflag:s29], $0x1  }
0xb4: {  	[sflag:s29] =	ssyncadd.s32 $0xFFFFFFFF  }
0xb5: {  	_ =	strace $0x9000004E  }
0xb6: {  	_ =	sfence  }
0xb7: {  	s30 =	sld [smem:$0x0];
	_ =	sdelay $0x2  }
0xb8: {  	s31 =	sshll.u32 s1, $0xD;
	s1 =	sshrl.u32 s1, $0x2  }
0xb9: {  	s3 =	sand.u32 $0x4000, s31;
	s1 =	sadd.s32 s1, s30  }
0xba: {  	s0 =	sor.u32 s3, s0;
	s1 =	sshll.u32 s1, $0x11  }
0xbb: {  	s0 =	sor.u32 s1, s0  }
0xbc: {  	s0 =	sadd.s32 $0x8F2B, s0  }
0xbd: {  	[sflag:s0] =	ssyncadd.remote.s32 $0x1  }
0xbe: {  	_ =	sfence.sel $0xFFFF  }
0xbf: {  	[dreg:$0x0] =	wrdreg $0xFFFFFFFF;
	(pc) =	sbr.abs _section_cstart, $3  }
0xc0: {  	[dreg:$0x1] =	wrdreg $0xFFFFFFFF  }
0xc1: {  	_ =	task.clear_ibuf [dreg:s7], $0x2FFFF;
	_ =	strace $0x9FFFFFFF  }
0xc2: {  	(tm) =	ssettm $0x7FFFFFFF  }
0xc3: {  	_ =	shalt  }
tec
execute0_lowered:
.L_overlay_start_1:
0x0: {  	(tag) =	ssettag $0x1  }
0x1: {  	s2 =	rddreg [dreg:$0x0];
	s1 =	srdreg.scid  }
0x2: {  	s0 =	stileid.u32;
	s4 =	rddreg [dreg:$0x1];
	s3 =	simm.s32 $0x0  }
0x3: {  	s13 =	simm.s32 $0x80;
	s14 =	simm.s32 $0x5C00;
	s15 =	simm.s32 $0x2  }
0x4: {  	s16 =	simm.s32 $0x1880;
	s17 =	simm.s32 $0x0;
	s9 =	smul.u32 $0x64, s0  }
0x5: {  	s7 =	sand.u32 $0x1, s1;
	s1 =	rddreg [dreg:$0x2];
	s29 =	smul.u32 $0x32000, s0  }
0x6: {  	s5 =	sshll.u32 s0, $0x1;
	[smem:$0x7FF] =	sst s3;
	s11 =	smul.u32 $0x32, s7  }
0x7: {  	s12 =	sadd.s32 $0xBAA00, s4;
	s5 =	sor.u32 s7, s5;
	s30 =	smul.u32 $0x19000, s7  }
0x8: {  	_ =	strace $0x8000004D;
	s8 =	ssub.s32 $0x2, s7;
	s6 =	smul.u32 $0x380, s5  }
0x9: {  	s10 =	sshrl.u32 s8, $0x1;
	s25 =	smul.u32 $0x19000, s5;
	s31 =	sadd.s32 s29, s12  }
0xa: {  	s8 =	ssub.s32 s8, s10;
	s26 =	sadd.s32 s11, s9;
	s10 =	simm.s32 $0x3  }
0xb: {  	s11 =	simm.s32 $0x1C00;
	s6 =	sadd.s32 s6, s4;
	s5 =	smax.u32 s8, $0x1  }
0xc: {  	s28 =	sadd.s32 s12, s25;
	s9 =	sshll.u32 s26, $0xB;
	s4 =	sadd.s32 $0xB3A00, s6  }
0xd: {  	s6 =	sadd.s32 $0x18000, s28;
	s9 =	sadd.s32 s9, s12;
	s7 =	sadd.s32 $0x18800, s28  }
0xe: {  	s12 =	simm.s32 $0x1;
	s8 =	sadd.s32 $0x800, s9;
	s9 =	sadd.s32 s30, s31  }
.LBB2_1:
0xf: {  	[tilespmem:s3], [sflag:$0x3] =	stream.linear.gather [hbm4b:s4+s3], $0x1900, $0x38;
	[tilespmem:$0x9C00] =	vst v63  }
0x10: {  	_ =	swait.ge [sflag:s10], $0x1900  }
0x11: {  	[sflag:s10] =	ssyncset.done $0x0  }
0x12: {  	[sflag:s10] =	ssyncadd.s32 $0xFFFFE700  }
0x13: {  	[tilespmem:s11], [sflag:$0x1] =	stream.indirect.gather [hbm4b:s2+s13], $0x80, s3, s13, $0xb8;
	[tilespmem:$0x9C00] =	vst v63  }
0x14: {  	_ =	swait.ge [sflag:s12], $0x4000  }
0x15: {  	[sflag:s12] =	ssyncset.done $0x0  }
0x16: {  	[sflag:s12] =	ssyncadd.s32 $0xFFFFC000  }
0x17: {  	[tilespmem:s14], [sflag:$0x2] =	stream.indirect.gather [hbm4b:s2+s13], $0x80, s13, s13, $0xb8;
	[tilespmem:$0x9C00] =	vst v63  }
0x18: {  	s18 =	sadd.s32 $0x0, s9  }
0x19: {  	[hbm4b:s18+s3] =	stream.linear.scatter [tilespmem:s11], [sflag:$0x3], $0x4000, $0x38;
	[tilespmem:$0x9C00] =	vst v63  }
0x1a: {  	_ =	swait.ge [sflag:s10], $0x4000  }
0x1b: {  	[sflag:s10] =	ssyncset.done $0x0  }
0x1c: {  	[sflag:s10] =	ssyncadd.s32 $0xFFFFC000  }
0x1d: {  	_ =	swait.ge [sflag:s15], $0x4000  }
0x1e: {  	[sflag:s15] =	ssyncset.done $0x0  }
0x1f: {  	s30 =	simm.s32 $0x100;
	[sflag:s15] =	ssyncadd.s32 $0xFFFFC000  }
0x20: {  	[tilespmem:s11], [sflag:$0x1] =	stream.indirect.gather [hbm4b:s2+s13], $0x80, s30, s13, $0xb8;
	[tilespmem:$0x9C00] =	vst v63  }
0x21: {  	s31 =	sadd.s32 $0x0, s8  }
0x22: {  	[hbm4b:s31+s3] =	stream.linear.scatter [tilespmem:s14], [sflag:$0x3], $0x4000, $0x38;
	[tilespmem:$0x9C00] =	vst v63  }
0x23: {  	_ =	swait.ge [sflag:s10], $0x4000  }
0x24: {  	s19 =	simm.s32 $0x80;
	s18 =	simm.s32 $0x1000;
	[sflag:s10] =	ssyncset.done $0x0  }
.LBB2_2:
0x25: {  	p0 =	sne.s32 s18, $0x17000;
	[sflag:s10] =	ssyncadd.s32 $0xFFFFC000;
	s19 =	sadd.s32 $0x100, s19  }
0x26: {  	s20 =	smov.u32 s18;
	s18 =	sadd.s32 $0x1000, s18  }
0x27: {  	_ =	swait.ge [sflag:s12], $0x4000  }
0x28: {  	[sflag:s12] =	ssyncset.done $0x0  }
0x29: {  	[sflag:s12] =	ssyncadd.s32 $0xFFFFC000  }
0x2a: {  	[tilespmem:s14], [sflag:$0x2] =	stream.indirect.gather [hbm4b:s2+s13], $0x80, s19, s13, $0xb8;
	[tilespmem:$0x9C00] =	vst v63  }
0x2b: {  	s21 =	sadd.s32 s20, s9  }
0x2c: {  	[hbm4b:s21+s3] =	stream.linear.scatter [tilespmem:s11], [sflag:$0x3], $0x4000, $0x38;
	[tilespmem:$0x9C00] =	vst v63  }
0x2d: {  	_ =	swait.ge [sflag:s10], $0x4000  }
0x2e: {  	[sflag:s10] =	ssyncset.done $0x0  }
0x2f: {  	[sflag:s10] =	ssyncadd.s32 $0xFFFFC000  }
0x30: {  	_ =	swait.ge [sflag:s15], $0x4000  }
0x31: {  	[sflag:s15] =	ssyncset.done $0x0  }
0x32: {  	s21 =	sadd.s32 $0x80, s19;
	[sflag:s15] =	ssyncadd.s32 $0xFFFFC000  }
0x33: {  	[tilespmem:s11], [sflag:$0x1] =	stream.indirect.gather [hbm4b:s2+s13], $0x80, s21, s13, $0xb8;
	[tilespmem:$0x9C00] =	vst v63  }
.Ltmp0:
0x34: {  	_ = 	snop;
	(pc) =	sbr.rel @p0 .LBB2_2-.Ltmp0, $4  }
0x35: {  	s20 =	sadd.s32 s20, s8  }
0x36: {  	[hbm4b:s20+s3] =	stream.linear.scatter [tilespmem:s14], [sflag:$0x3], $0x4000, $0x38;
	[tilespmem:$0x9C00] =	vst v63  }
0x37: {  	_ =	swait.ge [sflag:s10], $0x4000  }
0x38: {  	[sflag:s10] =	ssyncset.done $0x0  }
0x39: {  	[sflag:s10] =	ssyncadd.s32 $0xFFFFC000  }
0x3a: {  	_ =	swait.ge [sflag:s12], $0x4000  }
0x3b: {  	[sflag:s12] =	ssyncset.done $0x0  }
0x3c: {  	[sflag:s12] =	ssyncadd.s32 $0xFFFFC000  }
0x3d: {  	[tilespmem:s14], [sflag:$0x2] =	stream.indirect.gather [hbm4b:s2+s13], $0x80, s16, s13, $0xb8;
	[tilespmem:$0x9C00] =	vst v63  }
0x3e: {  	_ = 	snop  }
0x3f: {  	[hbm4b:s6+s3] =	stream.linear.scatter [tilespmem:s11], [sflag:$0x3], $0x4000, $0x38;
	[tilespmem:$0x9C00] =	vst v63  }
0x40: {  	_ =	swait.ge [sflag:s10], $0x4000  }
0x41: {  	[sflag:s10] =	ssyncset.done $0x0  }
0x42: {  	[sflag:s10] =	ssyncadd.s32 $0xFFFFC000  }
0x43: {  	s17 =	sadd.s32 $0x1, s17;
	_ =	swait.ge [sflag:s15], $0x4000  }
0x44: {  	p0 =	sne.s32 s17, s5;
	[sflag:s15] =	ssyncset.done $0x0  }
.Ltmp1:
0x45: {  	[sflag:s15] =	ssyncadd.s32 $0xFFFFC000;
	(pc) =	sbr.rel @p0 .LBB2_1-.Ltmp1, $4  }
0x46: {  	[hbm4b:s7+s3] =	stream.linear.scatter [tilespmem:s14], [sflag:$0x3], $0x4000, $0x38;
	[tilespmem:$0x9C00] =	vst v63  }
0x47: {  	_ =	swait.ge [sflag:s10], $0x4000  }
0x48: {  	[sflag:s10] =	ssyncset.done $0x0  }
0x49: {  	[sflag:s10] =	ssyncadd.s32 $0xFFFFC000  }
0x4a: {  	_ =	sfence.sel $0x180000  }
0x4b: {  	[bflag:$0x0] =	sbarrier.arrive $0xFFFF  }
0x4c: {  	p0 =	sne.s32 s0, $0x0;
	_ =	strace $0x9000004D  }
0x4d: {  	s0 =	sadd.s32 @!p0 $0x100000, s1;
	[bflag:$0x2] =	sbarrier.arrive $0xFFFF  }
0x4e: {  	[sflag:s0] =	ssyncadd.tile.s32 @!p0 $0x1;
	_ =	shalt  }
.Lfunc_end2:
_tile_overlayer_lowered:
.L_overlay_start_2:
0x4f: {  	(tag) =	ssettag $0x2  }
0x50: {  	s0 =	rddreg [dreg:$0x0];
	s2 =	stileid.u32  }
0x51: {  	s1 =	rddreg [dreg:$0x1];
	p0 =	sne.s32 s2, $0x0  }
0x52: {  	s3 =	rddreg [dreg:$0x2];
	[bflag:$0x3] =	sbarrier.arrive $0xFFFF;
	s2 =	simm.s32 @!p0 $0x1C03  }
0x53: {  	[timem:s3], [sflag:s2] =	dma.local @!p0 [hbm:s0], s1  }
0x54: {  	s0 =	simm.s32 @!p0 $0x3  }
0x55: {  	_ =	swait.ge @!p0 [sflag:s0], s1  }
0x56: {  	s1 =	ssub.s32 @!p0 $0x0, s1;
	[sflag:s0] =	ssyncset.done @!p0 $0x0  }
0x57: {  	[sflag:s0] =	ssyncadd.s32 @!p0 s1  }
0x58: {  	[bflag:$0x3] =	sbarrier.arrive $0xFFFF  }
0x59: {  	_ =	shalt  }

</sc_bundles>
